<compile_context>
chip_gen: v7x
topology: tpu7x:2x2x1
jax: 0.10.2.dev20260603
libtpu: 0.0.44.dev20260713+nightly
codegen_flags: <defaults>
</compile_context>

<pallas_src>
import functools

import jax
import jax.numpy as jnp
from jax import lax
from jax.experimental import pallas as pl
from jax.experimental.pallas import tpu as pltpu
from jax.experimental.pallas import tpu_sc as plsc

NEG_SLOPE = 0.2
EPS = 1e-6
K = 20



def _vn_leaky_from_pd(p, d, axis):
    dot = jnp.sum(p * d, axis=axis, keepdims=True)
    d_sq = jnp.sum(d * d, axis=axis, keepdims=True)
    coef = jnp.where(dot < 0, dot / (d_sq + EPS), 0.0)
    return p - (1.0 - NEG_SLOPE) * coef * d


def _final_body(wf_ref, wd_ref, xc_ref, o_ref):
    xb = xc_ref[0]
    c, three, nb = xb.shape
    x2 = xb.reshape(c, three * nb)
    p = jnp.dot(wf_ref[...], x2, preferred_element_type=jnp.float32)
    d = jnp.dot(wd_ref[...], x2, preferred_element_type=jnp.float32)
    p = p.reshape(-1, three, nb)
    d = d.reshape(-1, three, nb)
    o_ref[0] = _vn_leaky_from_pd(p, d, axis=1)


def _final_layer(xc, Wlf, Wld):
    B, C, _, N = xc.shape
    O = Wlf.shape[0]
    NB = 512
    grid = (B, N // NB)
    return pl.pallas_call(
        _final_body,
        grid=grid,
        in_specs=[
            pl.BlockSpec((O, C), lambda b, n: (0, 0)),
            pl.BlockSpec((O, C), lambda b, n: (0, 0)),
            pl.BlockSpec((1, C, 3, NB), lambda b, n: (b, 0, 0, n)),
        ],
        out_specs=pl.BlockSpec((1, O, 3, NB), lambda b, n: (b, 0, 0, n)),
        out_shape=jax.ShapeDtypeStruct((B, O, 3, N), jnp.float32),
    )(Wlf, Wld, xc)




def _ref_vn_linear_leaky(Wf, Wd, x):
    p = jnp.einsum('oc,bc...->bo...', Wf, x)
    d = jnp.einsum('oc,bc...->bo...', Wd, x)
    dot = jnp.sum(p * d, axis=2, keepdims=True)
    mask = (dot >= 0).astype(x.dtype)
    d_sq = jnp.sum(d * d, axis=2, keepdims=True)
    return NEG_SLOPE * p + (1.0 - NEG_SLOPE) * (
        mask * p + (1.0 - mask) * (p - (dot / (d_sq + EPS)) * d))


def _knn_idx(x):
    B = x.shape[0]
    N = x.shape[3]
    xf = x.reshape(B, -1, N)
    inner = -2.0 * jnp.einsum('bcn,bcm->bnm', xf, xf)
    xx = jnp.sum(xf ** 2, axis=1, keepdims=True)
    pd = -xx - inner - jnp.swapaxes(xx, 2, 1)
    nch = N // 16
    pdc = pd.reshape(B, N, nch, 16)
    cm = jnp.max(pdc, axis=-1)
    cidx = lax.top_k(cm, K)[1]
    g = jnp.take_along_axis(pdc, cidx[..., None], axis=2, mode="clip")
    gi = cidx[..., None] * 16 + jnp.arange(16, dtype=cidx.dtype)
    i2 = lax.top_k(g.reshape(B, N, K * 16), K)[1]
    return jnp.take_along_axis(gi.reshape(B, N, K * 16), i2, axis=-1,
                               mode="clip")


def _ref_layer(x, Wf, Wd):
    B = x.shape[0]
    N = x.shape[3]
    idx = _knn_idx(x)
    xf = x.reshape(B, -1, N)
    gidx = (idx + jnp.arange(B, dtype=idx.dtype)[:, None, None] * N).reshape(-1)
    num_dims = xf.shape[1] // 3
    xt = jnp.swapaxes(xf, 2, 1).reshape(B * N, -1)
    feature = jnp.take(xt, gidx, axis=0, mode="clip").reshape(B, N, K, num_dims, 3)
    xr = xt.reshape(B, N, 1, num_dims, 3)
    xr = jnp.broadcast_to(xr, (B, N, K, num_dims, 3))
    feature = jnp.concatenate([feature - xr, xr], axis=3)
    feature = jnp.transpose(feature, (0, 3, 4, 1, 2))
    return jnp.mean(_ref_vn_linear_leaky(Wf, Wd, feature), axis=-1)



_P = 8
_NC = 2
_NS = 16


def _sc_edge_body(table_hbm, vt_hbm, idx_hbm, out_hbm,
                  idx_v0, idx_v1, rows_v0, rows_v1, vt_v, out_v, gsem0, gsem1):
    nc = _NC
    wid = lax.axis_index("s") * nc + lax.axis_index("c")
    npts = out_hbm.shape[0]
    per_w = npts // (nc * _NS)
    base = wid * per_w
    nchunks = per_w // _P
    inv_k = 1.0 / K
    slope = 1.0 - NEG_SLOPE
    idx_b = (idx_v0, idx_v1)
    rows_b = (rows_v0, rows_v1)
    sem_b = (gsem0, gsem1)

    pltpu.sync_copy(idx_hbm.at[pl.ds(base * K, _P * K)], idx_v0)
    pltpu.async_copy(table_hbm.at[idx_v0], rows_v0, gsem0)

    def chunk_pair_body(g2, carry):
        for bsel in range(2):
            _chunk_half(g2, bsel, base, nchunks, inv_k, slope,
                        table_hbm, vt_hbm, idx_hbm, out_hbm,
                        idx_b, rows_b, sem_b, vt_v, out_v)
        return carry

    lax.fori_loop(0, nchunks // 2, chunk_pair_body, 0)


def _chunk_half(g2, bsel, base, nchunks, inv_k, slope,
                table_hbm, vt_hbm, idx_hbm, out_hbm,
                idx_b, rows_b, sem_b, vt_v, out_v):
    g = 2 * g2 + bsel
    pts = base + g * _P
    rows_v = rows_b[bsel]
    pltpu.make_async_copy(table_hbm.at[idx_b[bsel]], rows_v,
                          sem_b[bsel]).wait()
    nxt = g + 1

    @pl.when(nxt < nchunks)
    def _():
        pts_n = base + nxt * _P
        o = 1 - bsel
        pltpu.sync_copy(idx_hbm.at[pl.ds(pts_n * K, _P * K)], idx_b[o])
        pltpu.async_copy(table_hbm.at[idx_b[o]], rows_b[o], sem_b[o])

    pltpu.sync_copy(vt_hbm.at[pl.ds(pts, _P)], vt_v)

    if True:
        def point_body(p, carry2):
            v = [vt_v[p, pl.ds(i * 16, 16)] for i in range(6)]
            t = [vt_v[p, pl.ds(96 + i * 16, 16)] for i in range(6)]

            def edge_body(k, acc):
                accU, accC = acc
                e = p * K + k
                u = [rows_v[e, pl.ds(i * 16, 16)] for i in range(6)]
                s = [rows_v[e, pl.ds(96 + i * 16, 16)] for i in range(6)]
                pp = [u[i] + v[i] for i in range(6)]
                dd = [s[i] + t[i] for i in range(6)]
                dot = [pp[0] * dd[0] + pp[2] * dd[2] + pp[4] * dd[4],
                       pp[1] * dd[1] + pp[3] * dd[3] + pp[5] * dd[5]]
                dsq = [dd[0] * dd[0] + dd[2] * dd[2] + dd[4] * dd[4],
                       dd[1] * dd[1] + dd[3] * dd[3] + dd[5] * dd[5]]
                coef = [jnp.where(dot[i] < 0.0, dot[i] / (dsq[i] + EPS), 0.0)
                        for i in range(2)]
                accU = [accU[i] + u[i] for i in range(6)]
                accC = [accC[i] + coef[i % 2] * dd[i] for i in range(6)]
                return (accU, accC)

            zeros = [jnp.zeros((16,), jnp.float32) for _ in range(6)]
            accU, accC = lax.fori_loop(0, K, edge_body, (zeros, list(zeros)))
            for i in range(6):
                h = v[i] + inv_k * accU[i] - (slope * inv_k) * accC[i]
                out_v[p, pl.ds(i * 16, 16)] = h
            return carry2

        lax.fori_loop(0, _P, point_body, 0)
        pltpu.sync_copy(out_v, out_hbm.at[pl.ds(pts, _P)])


def _sc_edge_layer(table, vt, gidx):
    npts = table.shape[0]
    mesh = plsc.VectorSubcoreMesh(core_axis_name="c", subcore_axis_name="s",
                                  num_cores=_NC, num_subcores=_NS)
    f = functools.partial(
        pl.kernel, mesh=mesh,
        compiler_params=pltpu.CompilerParams(use_tc_tiling_on_sc=False),
        out_type=jax.ShapeDtypeStruct((npts, 96), jnp.float32),
        scratch_types=[
            pltpu.VMEM((_P * K,), jnp.int32),
            pltpu.VMEM((_P * K,), jnp.int32),
            pltpu.VMEM((_P * K, 192), jnp.float32),
            pltpu.VMEM((_P * K, 192), jnp.float32),
            pltpu.VMEM((_P, 192), jnp.float32),
            pltpu.VMEM((_P, 96), jnp.float32),
            pltpu.SemaphoreType.DMA,
            pltpu.SemaphoreType.DMA,
        ],
    )(_sc_edge_body)
    return f(table, vt, gidx)


def _graph_layer2(h1, Wf, Wd):
    B, C, _, N = h1.shape
    O = Wf.shape[0]
    idx = _knn_idx(h1)
    gidx = (idx + jnp.arange(B, dtype=idx.dtype)[:, None, None] * N)
    gidx = gidx.reshape(-1).astype(jnp.int32)

    hp = lax.Precision.HIGHEST
    Wfa, Wfb = Wf[:, :C], Wf[:, C:]
    Wda, Wdb = Wd[:, :C], Wd[:, C:]
    U = jnp.einsum('oc,bcdn->bndo', Wfa, h1, precision=hp)
    V = jnp.einsum('oc,bcdn->bndo', Wfb - Wfa, h1, precision=hp)
    S = jnp.einsum('oc,bcdn->bndo', Wda, h1, precision=hp)
    T = jnp.einsum('oc,bcdn->bndo', Wdb - Wda, h1, precision=hp)

    def pack(a, b):
        ab = jnp.stack([a, b], axis=2)
        ab = jnp.pad(ab, ((0, 0), (0, 0), (0, 0), (0, 0), (0, 32 - O)))
        return ab.reshape(B * N, 192)

    table = pack(U, S)
    vt = pack(V, T)
    h = _sc_edge_layer(table, vt, gidx)
    h = h.reshape(B, N, 3, 32)[:, :, :, :O]
    return jnp.transpose(h, (0, 3, 2, 1))


def kernel(x, W1f, W1d, W2f, W2d, Wlf, Wld):
    h1 = _ref_layer(x, W1f, W1d)
    h2 = _graph_layer2(h1, W2f, W2d)
    xc = jnp.concatenate([x, h1, h2], axis=1)
    return _final_layer(xc, Wlf, Wld)

# --- scband reference (transcript-rebuilt; emitter-appended) ---
"""Pipeline reference for scband-vndgcnn-30760555774122 (READ-ONLY COPY).

The authoritative reference and input builder live on the scoring server;
editing this copy changes nothing except your own understanding.
"""

import jax, jax.numpy as jnp
import numpy as np

NEG_SLOPE = 0.2
EPS = 1e-6
K = 20

def vn_linear_leaky(Wf, Wd, x):
    # x: [B, C, 3, ...]; linear applied along channel axis 1 (matches transpose(1,-1)->Linear->transpose back)
    p = jnp.einsum('oc,bc...->bo...', Wf, x)
    d = jnp.einsum('oc,bc...->bo...', Wd, x)
    dot = jnp.sum(p * d, axis=2, keepdims=True)
    mask = (dot >= 0).astype(x.dtype)
    d_sq = jnp.sum(d * d, axis=2, keepdims=True)
    return NEG_SLOPE * p + (1.0 - NEG_SLOPE) * (mask * p + (1.0 - mask) * (p - (dot / (d_sq + EPS)) * d))

def knn(xf, k):
    # xf: [B, C, N]
    inner = -2.0 * jnp.einsum('bcn,bcm->bnm', xf, xf)
    xx = jnp.sum(xf ** 2, axis=1, keepdims=True)  # [B,1,N]
    pd = -xx - inner - jnp.swapaxes(xx, 2, 1)
    idx = jax.lax.top_k(pd, k)[1]  # [B,N,k]
    return idx

def get_graph_feature(x, k):
    # x: [B, C, 3, N]
    B = x.shape[0]
    N = x.shape[3]
    xf = x.reshape(B, -1, N)
    idx = knn(xf, k)
    idx = idx + jnp.arange(B, dtype=idx.dtype)[:, None, None] * N
    idx = idx.reshape(-1)
    num_dims = xf.shape[1] // 3
    xt = jnp.swapaxes(xf, 2, 1).reshape(B * N, -1)
    feature = jnp.take(xt, idx, axis=0).reshape(B, N, k, num_dims, 3)
    xr = xt.reshape(B, N, 1, num_dims, 3)
    xr = jnp.broadcast_to(xr, (B, N, k, num_dims, 3))
    feature = jnp.concatenate([feature - xr, xr], axis=3)
    feature = jnp.transpose(feature, (0, 3, 4, 1, 2))  # [B, 2C, 3, N, k]
    return feature

def mean_pool(x):
    return jnp.mean(x, axis=-1)

def setup_inputs(seed: int = 0):
    key = jax.random.key(seed)
    ks = jax.random.split(key, 7)
    B, C, N = 8, 4, 2048
    x = jax.random.normal(ks[0], (B, C, 3, N), dtype=jnp.float32)
    def lin(k, o, i):
        return jax.random.normal(k, (o, i), dtype=jnp.float32) * (1.0 / np.sqrt(i))
    return {
        'x': x,
        'W1f': lin(ks[1], 21, 8), 'W1d': lin(ks[2], 21, 8),
        'W2f': lin(ks[3], 21, 42), 'W2d': lin(ks[4], 21, 42),
        'Wlf': lin(ks[5], 42, 46), 'Wld': lin(ks[6], 42, 46),
    }

def reference(x, W1f, W1d, W2f, W2d, Wlf, Wld):
    x_gnn = [x]
    f1 = get_graph_feature(x_gnn[-1], K)
    h1 = mean_pool(vn_linear_leaky(W1f, W1d, f1))
    x_gnn.append(h1)
    f2 = get_graph_feature(x_gnn[-1], K)
    h2 = mean_pool(vn_linear_leaky(W2f, W2d, f2))
    x_gnn.append(h2)
    xc = jnp.concatenate(x_gnn, axis=1)  # [B, 4+21+21=46, 3, N]
    out = vn_linear_leaky(Wlf, Wld, xc)  # [B, 42, 3, N]
    return out

if __name__ == "__main__":
    import jax
    _d = setup_inputs()
    print(jax.jit(kernel)(*tuple(_d.values())))

</pallas_src>

<mosaic_0001>
#map = affine_map<(d0, d1) -> (0, 0)>
#map1 = affine_map<(d0, d1) -> (0)>
module attributes {stable_mosaic.version = 14 : i64} {
  func.func @_sc_edge_body(%arg0: i32, %arg1: i32, %arg2: memref<16384x192xf32, #tpu.memory_space<hbm>>, %arg3: memref<16384x192xf32, #tpu.memory_space<hbm>>, %arg4: memref<327680xi32, #tpu.memory_space<hbm>>, %arg5: memref<16384x96xf32, #tpu.memory_space<hbm>>, %arg6: memref<160xi32, #tpu.memory_space<vmem>>, %arg7: memref<160xi32, #tpu.memory_space<vmem>>, %arg8: memref<160x192xf32, #tpu.memory_space<vmem>>, %arg9: memref<160x192xf32, #tpu.memory_space<vmem>>, %arg10: memref<8x192xf32, #tpu.memory_space<vmem>>, %arg11: memref<8x96xf32, #tpu.memory_space<vmem>>, %arg12: memref<!tpu.dma_semaphore, #tpu.memory_space<semaphore_mem>>, %arg13: memref<!tpu.dma_semaphore, #tpu.memory_space<semaphore_mem>>) attributes {dimension_semantics = [#tpu.dimension_semantics<core_parallel>, #tpu.dimension_semantics<subcore_parallel>], iteration_bounds = array<i64: 2, 16>, scalar_prefetch = 0 : i64, scratch_operands = 8 : i64, tpu.core_type = #tpu.core_type<sc_vector_subcore>, window_params = [{transform_indices = #map}, {transform_indices = #map}, {transform_indices = #map1}, {transform_indices = #map}]} {
    %mul3A = arith.constant 2 : i32
    %mul3A_0 = arith.muli %arg1, %mul3A : i32
    %add3A = arith.addi %mul3A_0, %arg0 : i32
    %mul3A_1 = arith.constant 512 : i32
    %mul3A_2 = arith.muli %add3A, %mul3A_1 : i32
    %mul3A_3 = arith.constant 20 : i32
    %mul3A_4 = arith.muli %mul3A_2, %mul3A_3 : i32
    "tpu.region"() ({
      %run_scoped3A = tpu.sem_alloc : memref<!tpu.dma_semaphore, #tpu.memory_space<semaphore_mem>>
      %dma_start3A_12 = tpu.memref_slice %arg4[%mul3A_4] : memref<327680xi32, #tpu.memory_space<hbm>> -> memref<160xi32, #tpu.memory_space<hbm>>
      %dma_start3A_13 = tpu.memref_slice %arg4[%mul3A_4] : memref<327680xi32, #tpu.memory_space<hbm>> -> memref<160xi32, #tpu.memory_space<hbm>>
      tpu.enqueue_dma source(%dma_start3A_13 : memref<160xi32, #tpu.memory_space<hbm>>) target(%arg6 : memref<160xi32, #tpu.memory_space<vmem>>) target_semaphore(%run_scoped3A : memref<!tpu.dma_semaphore, #tpu.memory_space<semaphore_mem>>)
      %dma_wait3A = tpu.memref_slice %arg4[%mul3A_4] : memref<327680xi32, #tpu.memory_space<hbm>> -> memref<160xi32, #tpu.memory_space<hbm>>
      %dma_wait3A_14 = tpu.memref_slice %arg4[%mul3A_4] : memref<327680xi32, #tpu.memory_space<hbm>> -> memref<160xi32, #tpu.memory_space<hbm>>
      tpu.wait_dma2 semaphore(%run_scoped3A : memref<!tpu.dma_semaphore, #tpu.memory_space<semaphore_mem>>) src(%dma_wait3A_14 : memref<160xi32, #tpu.memory_space<hbm>>) dst(%arg6 : memref<160xi32, #tpu.memory_space<vmem>>)
      tpu.yield
    }) : () -> ()
    %dma_start3A = arith.constant 0 : i32
    %dma_start3A_5 = arith.constant 0 : i32
    %dma_start3A_6 = tpu.memref_slice %arg2[%dma_start3A, %dma_start3A_5] : memref<16384x192xf32, #tpu.memory_space<hbm>> -> memref<16384x192xf32, #tpu.memory_space<hbm>>
    tpu.enqueue_indirect_dma source(%dma_start3A_6 : memref<16384x192xf32, #tpu.memory_space<hbm>>) target(%arg8 : memref<160x192xf32, #tpu.memory_space<vmem>>) offsets(%arg6 : memref<160xi32, #tpu.memory_space<vmem>>) semaphore(%arg12 : memref<!tpu.dma_semaphore, #tpu.memory_space<semaphore_mem>>)
    %scan3A = arith.constant 0 : i32
    %scan3A_7 = arith.constant 0 : i32
    %scan3A_8 = arith.constant 32 : i32
    %scan3A_9 = arith.addi %scan3A_7, %scan3A_8 : i32
    %scan3A_10 = arith.constant 1 : i32
    scf.for %scan3A_12 = %scan3A_7 to %scan3A_9 step %scan3A_10  : i32 {
      %mul3A_13 = arith.constant 2 : i32
      %mul3A_14 = arith.muli %mul3A_13, %scan3A_12 : i32
      %add3A_15 = arith.constant 0 : i32
      %add3A_16 = arith.addi %mul3A_14, %add3A_15 : i32
      %mul3A_17 = arith.constant 8 : i32
      %mul3A_18 = arith.muli %add3A_16, %mul3A_17 : i32
      %add3A_19 = arith.addi %mul3A_2, %mul3A_18 : i32
      %dma_wait3A = arith.constant 0 : i32
      %dma_wait3A_20 = arith.constant 0 : i32
      %dma_wait3A_21 = tpu.memref_slice %arg2[%dma_wait3A, %dma_wait3A_20] : memref<16384x192xf32, #tpu.memory_space<hbm>> -> memref<16384x192xf32, #tpu.memory_space<hbm>>
      tpu.wait_indirect_dma semaphore(%arg12 : memref<!tpu.dma_semaphore, #tpu.memory_space<semaphore_mem>>) src(%dma_wait3A_21 : memref<16384x192xf32, #tpu.memory_space<hbm>>) dst(%arg8 : memref<160x192xf32, #tpu.memory_space<vmem>>)
      %add3A_22 = arith.constant 1 : i32
      %add3A_23 = arith.addi %add3A_16, %add3A_22 : i32
      %lt3A = arith.constant 64 : i32
      %lt3A_24 = arith.cmpi slt, %add3A_23, %lt3A : i32
      %convert_element_type3A = arith.extui %lt3A_24 : i1 to i32
      %cond3A = arith.constant 0 : i32
      %cond3A_25 = arith.cmpi ne, %convert_element_type3A, %cond3A : i32
      scf.if %cond3A_25 {
        %mul3A_55 = arith.constant 8 : i32
        %mul3A_56 = arith.muli %add3A_23, %mul3A_55 : i32
        %add3A_57 = arith.addi %mul3A_2, %mul3A_56 : i32
        %mul3A_58 = arith.constant 20 : i32
        %mul3A_59 = arith.muli %add3A_57, %mul3A_58 : i32
        "tpu.region"() ({
          %run_scoped3A = tpu.sem_alloc : memref<!tpu.dma_semaphore, #tpu.memory_space<semaphore_mem>>
          %dma_start3A_63 = tpu.memref_slice %arg4[%mul3A_59] : memref<327680xi32, #tpu.memory_space<hbm>> -> memref<160xi32, #tpu.memory_space<hbm>>
          %dma_start3A_64 = tpu.memref_slice %arg4[%mul3A_59] : memref<327680xi32, #tpu.memory_space<hbm>> -> memref<160xi32, #tpu.memory_space<hbm>>
          tpu.enqueue_dma source(%dma_start3A_64 : memref<160xi32, #tpu.memory_space<hbm>>) target(%arg7 : memref<160xi32, #tpu.memory_space<vmem>>) target_semaphore(%run_scoped3A : memref<!tpu.dma_semaphore, #tpu.memory_space<semaphore_mem>>)
          %dma_wait3A_65 = tpu.memref_slice %arg4[%mul3A_59] : memref<327680xi32, #tpu.memory_space<hbm>> -> memref<160xi32, #tpu.memory_space<hbm>>
          %dma_wait3A_66 = tpu.memref_slice %arg4[%mul3A_59] : memref<327680xi32, #tpu.memory_space<hbm>> -> memref<160xi32, #tpu.memory_space<hbm>>
          tpu.wait_dma2 semaphore(%run_scoped3A : memref<!tpu.dma_semaphore, #tpu.memory_space<semaphore_mem>>) src(%dma_wait3A_66 : memref<160xi32, #tpu.memory_space<hbm>>) dst(%arg7 : memref<160xi32, #tpu.memory_space<vmem>>)
          tpu.yield
        }) : () -> ()
        %dma_start3A_60 = arith.constant 0 : i32
        %dma_start3A_61 = arith.constant 0 : i32
        %dma_start3A_62 = tpu.memref_slice %arg2[%dma_start3A_60, %dma_start3A_61] : memref<16384x192xf32, #tpu.memory_space<hbm>> -> memref<16384x192xf32, #tpu.memory_space<hbm>>
        tpu.enqueue_indirect_dma source(%dma_start3A_62 : memref<16384x192xf32, #tpu.memory_space<hbm>>) target(%arg9 : memref<160x192xf32, #tpu.memory_space<vmem>>) offsets(%arg7 : memref<160xi32, #tpu.memory_space<vmem>>) semaphore(%arg13 : memref<!tpu.dma_semaphore, #tpu.memory_space<semaphore_mem>>)
      } else {
      }
      "tpu.region"() ({
        %run_scoped3A = tpu.sem_alloc : memref<!tpu.dma_semaphore, #tpu.memory_space<semaphore_mem>>
        %dma_start3A_55 = arith.constant 0 : i32
        %dma_start3A_56 = tpu.memref_slice %arg3[%add3A_19, %dma_start3A_55] : memref<16384x192xf32, #tpu.memory_space<hbm>> -> memref<8x192xf32, #tpu.memory_space<hbm>>
        %dma_start3A_57 = arith.constant 0 : i32
        %dma_start3A_58 = tpu.memref_slice %arg3[%add3A_19, %dma_start3A_57] : memref<16384x192xf32, #tpu.memory_space<hbm>> -> memref<8x192xf32, #tpu.memory_space<hbm>>
        tpu.enqueue_dma source(%dma_start3A_58 : memref<8x192xf32, #tpu.memory_space<hbm>>) target(%arg10 : memref<8x192xf32, #tpu.memory_space<vmem>>) target_semaphore(%run_scoped3A : memref<!tpu.dma_semaphore, #tpu.memory_space<semaphore_mem>>)
        %dma_wait3A_59 = arith.constant 0 : i32
        %dma_wait3A_60 = tpu.memref_slice %arg3[%add3A_19, %dma_wait3A_59] : memref<16384x192xf32, #tpu.memory_space<hbm>> -> memref<8x192xf32, #tpu.memory_space<hbm>>
        %dma_wait3A_61 = arith.constant 0 : i32
        %dma_wait3A_62 = tpu.memref_slice %arg3[%add3A_19, %dma_wait3A_61] : memref<16384x192xf32, #tpu.memory_space<hbm>> -> memref<8x192xf32, #tpu.memory_space<hbm>>
        tpu.wait_dma2 semaphore(%run_scoped3A : memref<!tpu.dma_semaphore, #tpu.memory_space<semaphore_mem>>) src(%dma_wait3A_62 : memref<8x192xf32, #tpu.memory_space<hbm>>) dst(%arg10 : memref<8x192xf32, #tpu.memory_space<vmem>>)
        tpu.yield
      }) : () -> ()
      %scan3A_26 = arith.constant 0 : i32
      %scan3A_27 = arith.constant 0 : i32
      %scan3A_28 = arith.constant 8 : i32
      %scan3A_29 = arith.addi %scan3A_27, %scan3A_28 : i32
      %scan3A_30 = arith.constant 1 : i32
      scf.for %scan3A_55 = %scan3A_27 to %scan3A_29 step %scan3A_30  : i32 {
        %get3A = arith.index_cast %scan3A_55 : i32 to index
        %get3A_56 = arith.constant 0 : index
        %get3A_57 = tpu.vector_load %arg10[%get3A, %get3A_56] {strides = array<i32>} : memref<8x192xf32, #tpu.memory_space<vmem>>, vector<1x16xf32>,
        %get3A_58 = vector.shape_cast %get3A_57 : vector<1x16xf32> to vector<16xf32>
        %get3A_59 = arith.index_cast %scan3A_55 : i32 to index
        %get3A_60 = arith.constant 16 : index
        %get3A_61 = tpu.vector_load %arg10[%get3A_59, %get3A_60] {strides = array<i32>} : memref<8x192xf32, #tpu.memory_space<vmem>>, vector<1x16xf32>,
        %get3A_62 = vector.shape_cast %get3A_61 : vector<1x16xf32> to vector<16xf32>
        %get3A_63 = arith.index_cast %scan3A_55 : i32 to index
        %get3A_64 = arith.constant 32 : index
        %get3A_65 = tpu.vector_load %arg10[%get3A_63, %get3A_64] {strides = array<i32>} : memref<8x192xf32, #tpu.memory_space<vmem>>, vector<1x16xf32>,
        %get3A_66 = vector.shape_cast %get3A_65 : vector<1x16xf32> to vector<16xf32>
        %get3A_67 = arith.index_cast %scan3A_55 : i32 to index
        %get3A_68 = arith.constant 48 : index
        %get3A_69 = tpu.vector_load %arg10[%get3A_67, %get3A_68] {strides = array<i32>} : memref<8x192xf32, #tpu.memory_space<vmem>>, vector<1x16xf32>,
        %get3A_70 = vector.shape_cast %get3A_69 : vector<1x16xf32> to vector<16xf32>
        %get3A_71 = arith.index_cast %scan3A_55 : i32 to index
        %get3A_72 = arith.constant 64 : index
        %get3A_73 = tpu.vector_load %arg10[%get3A_71, %get3A_72] {strides = array<i32>} : memref<8x192xf32, #tpu.memory_space<vmem>>, vector<1x16xf32>,
        %get3A_74 = vector.shape_cast %get3A_73 : vector<1x16xf32> to vector<16xf32>
        %get3A_75 = arith.index_cast %scan3A_55 : i32 to index
        %get3A_76 = arith.constant 80 : index
        %get3A_77 = tpu.vector_load %arg10[%get3A_75, %get3A_76] {strides = array<i32>} : memref<8x192xf32, #tpu.memory_space<vmem>>, vector<1x16xf32>,
        %get3A_78 = vector.shape_cast %get3A_77 : vector<1x16xf32> to vector<16xf32>
        %get3A_79 = arith.index_cast %scan3A_55 : i32 to index
        %get3A_80 = arith.constant 96 : index
        %get3A_81 = tpu.vector_load %arg10[%get3A_79, %get3A_80] {strides = array<i32>} : memref<8x192xf32, #tpu.memory_space<vmem>>, vector<1x16xf32>,
        %get3A_82 = vector.shape_cast %get3A_81 : vector<1x16xf32> to vector<16xf32>
        %get3A_83 = arith.index_cast %scan3A_55 : i32 to index
        %get3A_84 = arith.constant 112 : index
        %get3A_85 = tpu.vector_load %arg10[%get3A_83, %get3A_84] {strides = array<i32>} : memref<8x192xf32, #tpu.memory_space<vmem>>, vector<1x16xf32>,
        %get3A_86 = vector.shape_cast %get3A_85 : vector<1x16xf32> to vector<16xf32>
        %get3A_87 = arith.index_cast %scan3A_55 : i32 to index
        %get3A_88 = arith.constant 128 : index
        %get3A_89 = tpu.vector_load %arg10[%get3A_87, %get3A_88] {strides = array<i32>} : memref<8x192xf32, #tpu.memory_space<vmem>>, vector<1x16xf32>,
        %get3A_90 = vector.shape_cast %get3A_89 : vector<1x16xf32> to vector<16xf32>
        %get3A_91 = arith.index_cast %scan3A_55 : i32 to index
        %get3A_92 = arith.constant 144 : index
        %get3A_93 = tpu.vector_load %arg10[%get3A_91, %get3A_92] {strides = array<i32>} : memref<8x192xf32, #tpu.memory_space<vmem>>, vector<1x16xf32>,
        %get3A_94 = vector.shape_cast %get3A_93 : vector<1x16xf32> to vector<16xf32>
        %get3A_95 = arith.index_cast %scan3A_55 : i32 to index
        %get3A_96 = arith.constant 160 : index
        %get3A_97 = tpu.vector_load %arg10[%get3A_95, %get3A_96] {strides = array<i32>} : memref<8x192xf32, #tpu.memory_space<vmem>>, vector<1x16xf32>,
        %get3A_98 = vector.shape_cast %get3A_97 : vector<1x16xf32> to vector<16xf32>
        %get3A_99 = arith.index_cast %scan3A_55 : i32 to index
        %get3A_100 = arith.constant 176 : index
        %get3A_101 = tpu.vector_load %arg10[%get3A_99, %get3A_100] {strides = array<i32>} : memref<8x192xf32, #tpu.memory_space<vmem>>, vector<1x16xf32>,
        %get3A_102 = vector.shape_cast %get3A_101 : vector<1x16xf32> to vector<16xf32>
        %broadcast_in_dim3A = arith.constant 0.000000e+00 : f32
        %broadcast_in_dim3A_103 = vector.broadcast %broadcast_in_dim3A : f32 to vector<16xf32>
        %broadcast_in_dim3A_104 = arith.constant 0.000000e+00 : f32
        %broadcast_in_dim3A_105 = vector.broadcast %broadcast_in_dim3A_104 : f32 to vector<16xf32>
        %broadcast_in_dim3A_106 = arith.constant 0.000000e+00 : f32
        %broadcast_in_dim3A_107 = vector.broadcast %broadcast_in_dim3A_106 : f32 to vector<16xf32>
        %broadcast_in_dim3A_108 = arith.constant 0.000000e+00 : f32
        %broadcast_in_dim3A_109 = vector.broadcast %broadcast_in_dim3A_108 : f32 to vector<16xf32>
        %broadcast_in_dim3A_110 = arith.constant 0.000000e+00 : f32
        %broadcast_in_dim3A_111 = vector.broadcast %broadcast_in_dim3A_110 : f32 to vector<16xf32>
        %broadcast_in_dim3A_112 = arith.constant 0.000000e+00 : f32
        %broadcast_in_dim3A_113 = vector.broadcast %broadcast_in_dim3A_112 : f32 to vector<16xf32>
        %scan3A_114 = arith.constant 0 : i32
        %scan3A_115 = arith.constant 20 : i32
        %scan3A_116 = arith.addi %scan3A_114, %scan3A_115 : i32
        %scan3A_117 = arith.constant 1 : i32
        %scan3A_118:12 = scf.for %scan3A_196 = %scan3A_114 to %scan3A_116 step %scan3A_117 iter_args(%scan3A_197 = %broadcast_in_dim3A_103, %scan3A_198 = %broadcast_in_dim3A_105, %scan3A_199 = %broadcast_in_dim3A_107, %scan3A_200 = %broadcast_in_dim3A_109, %scan3A_201 = %broadcast_in_dim3A_111, %scan3A_202 = %broadcast_in_dim3A_113, %scan3A_203 = %broadcast_in_dim3A_103, %scan3A_204 = %broadcast_in_dim3A_105, %scan3A_205 = %broadcast_in_dim3A_107, %scan3A_206 = %broadcast_in_dim3A_109, %scan3A_207 = %broadcast_in_dim3A_111, %scan3A_208 = %broadcast_in_dim3A_113) -> (vector<16xf32>, vector<16xf32>, vector<16xf32>, vector<16xf32>, vector<16xf32>, vector<16xf32>, vector<16xf32>, vector<16xf32>, vector<16xf32>, vector<16xf32>, vector<16xf32>, vector<16xf32>)  : i32 {
          %mul3A_209 = arith.constant 20 : i32
          %mul3A_210 = arith.muli %scan3A_55, %mul3A_209 : i32
          %add3A_211 = arith.addi %mul3A_210, %scan3A_196 : i32
          %get3A_212 = arith.index_cast %add3A_211 : i32 to index
          %get3A_213 = arith.constant 0 : index
          %get3A_214 = tpu.vector_load %arg8[%get3A_212, %get3A_213] {strides = array<i32>} : memref<160x192xf32, #tpu.memory_space<vmem>>, vector<1x16xf32>,
          %get3A_215 = vector.shape_cast %get3A_214 : vector<1x16xf32> to vector<16xf32>
          %get3A_216 = arith.index_cast %add3A_211 : i32 to index
          %get3A_217 = arith.constant 16 : index
          %get3A_218 = tpu.vector_load %arg8[%get3A_216, %get3A_217] {strides = array<i32>} : memref<160x192xf32, #tpu.memory_space<vmem>>, vector<1x16xf32>,
          %get3A_219 = vector.shape_cast %get3A_218 : vector<1x16xf32> to vector<16xf32>
          %get3A_220 = arith.index_cast %add3A_211 : i32 to index
          %get3A_221 = arith.constant 32 : index
          %get3A_222 = tpu.vector_load %arg8[%get3A_220, %get3A_221] {strides = array<i32>} : memref<160x192xf32, #tpu.memory_space<vmem>>, vector<1x16xf32>,
          %get3A_223 = vector.shape_cast %get3A_222 : vector<1x16xf32> to vector<16xf32>
          %get3A_224 = arith.index_cast %add3A_211 : i32 to index
          %get3A_225 = arith.constant 48 : index
          %get3A_226 = tpu.vector_load %arg8[%get3A_224, %get3A_225] {strides = array<i32>} : memref<160x192xf32, #tpu.memory_space<vmem>>, vector<1x16xf32>,
          %get3A_227 = vector.shape_cast %get3A_226 : vector<1x16xf32> to vector<16xf32>
          %get3A_228 = arith.index_cast %add3A_211 : i32 to index
          %get3A_229 = arith.constant 64 : index
          %get3A_230 = tpu.vector_load %arg8[%get3A_228, %get3A_229] {strides = array<i32>} : memref<160x192xf32, #tpu.memory_space<vmem>>, vector<1x16xf32>,
          %get3A_231 = vector.shape_cast %get3A_230 : vector<1x16xf32> to vector<16xf32>
          %get3A_232 = arith.index_cast %add3A_211 : i32 to index
          %get3A_233 = arith.constant 80 : index
          %get3A_234 = tpu.vector_load %arg8[%get3A_232, %get3A_233] {strides = array<i32>} : memref<160x192xf32, #tpu.memory_space<vmem>>, vector<1x16xf32>,
          %get3A_235 = vector.shape_cast %get3A_234 : vector<1x16xf32> to vector<16xf32>
          %get3A_236 = arith.index_cast %add3A_211 : i32 to index
          %get3A_237 = arith.constant 96 : index
          %get3A_238 = tpu.vector_load %arg8[%get3A_236, %get3A_237] {strides = array<i32>} : memref<160x192xf32, #tpu.memory_space<vmem>>, vector<1x16xf32>,
          %get3A_239 = vector.shape_cast %get3A_238 : vector<1x16xf32> to vector<16xf32>
          %get3A_240 = arith.index_cast %add3A_211 : i32 to index
          %get3A_241 = arith.constant 112 : index
          %get3A_242 = tpu.vector_load %arg8[%get3A_240, %get3A_241] {strides = array<i32>} : memref<160x192xf32, #tpu.memory_space<vmem>>, vector<1x16xf32>,
          %get3A_243 = vector.shape_cast %get3A_242 : vector<1x16xf32> to vector<16xf32>
          %get3A_244 = arith.index_cast %add3A_211 : i32 to index
          %get3A_245 = arith.constant 128 : index
          %get3A_246 = tpu.vector_load %arg8[%get3A_244, %get3A_245] {strides = array<i32>} : memref<160x192xf32, #tpu.memory_space<vmem>>, vector<1x16xf32>,
          %get3A_247 = vector.shape_cast %get3A_246 : vector<1x16xf32> to vector<16xf32>
          %get3A_248 = arith.index_cast %add3A_211 : i32 to index
          %get3A_249 = arith.constant 144 : index
          %get3A_250 = tpu.vector_load %arg8[%get3A_248, %get3A_249] {strides = array<i32>} : memref<160x192xf32, #tpu.memory_space<vmem>>, vector<1x16xf32>,
          %get3A_251 = vector.shape_cast %get3A_250 : vector<1x16xf32> to vector<16xf32>
          %get3A_252 = arith.index_cast %add3A_211 : i32 to index
          %get3A_253 = arith.constant 160 : index
          %get3A_254 = tpu.vector_load %arg8[%get3A_252, %get3A_253] {strides = array<i32>} : memref<160x192xf32, #tpu.memory_space<vmem>>, vector<1x16xf32>,
          %get3A_255 = vector.shape_cast %get3A_254 : vector<1x16xf32> to vector<16xf32>
          %get3A_256 = arith.index_cast %add3A_211 : i32 to index
          %get3A_257 = arith.constant 176 : index
          %get3A_258 = tpu.vector_load %arg8[%get3A_256, %get3A_257] {strides = array<i32>} : memref<160x192xf32, #tpu.memory_space<vmem>>, vector<1x16xf32>,
          %get3A_259 = vector.shape_cast %get3A_258 : vector<1x16xf32> to vector<16xf32>
          %add3A_260 = arith.addf %get3A_215, %get3A_58 : vector<16xf32>
          %add3A_261 = arith.addf %get3A_219, %get3A_62 : vector<16xf32>
          %add3A_262 = arith.addf %get3A_223, %get3A_66 : vector<16xf32>
          %add3A_263 = arith.addf %get3A_227, %get3A_70 : vector<16xf32>
          %add3A_264 = arith.addf %get3A_231, %get3A_74 : vector<16xf32>
          %add3A_265 = arith.addf %get3A_235, %get3A_78 : vector<16xf32>
          %add3A_266 = arith.addf %get3A_239, %get3A_82 : vector<16xf32>
          %add3A_267 = arith.addf %get3A_243, %get3A_86 : vector<16xf32>
          %add3A_268 = arith.addf %get3A_247, %get3A_90 : vector<16xf32>
          %add3A_269 = arith.addf %get3A_251, %get3A_94 : vector<16xf32>
          %add3A_270 = arith.addf %get3A_255, %get3A_98 : vector<16xf32>
          %add3A_271 = arith.addf %get3A_259, %get3A_102 : vector<16xf32>
          %mul3A_272 = arith.mulf %add3A_260, %add3A_266 : vector<16xf32>
          %mul3A_273 = arith.mulf %add3A_262, %add3A_268 : vector<16xf32>
          %add3A_274 = arith.addf %mul3A_272, %mul3A_273 : vector<16xf32>
          %mul3A_275 = arith.mulf %add3A_264, %add3A_270 : vector<16xf32>
          %add3A_276 = arith.addf %add3A_274, %mul3A_275 : vector<16xf32>
          %mul3A_277 = arith.mulf %add3A_261, %add3A_267 : vector<16xf32>
          %mul3A_278 = arith.mulf %add3A_263, %add3A_269 : vector<16xf32>
          %add3A_279 = arith.addf %mul3A_277, %mul3A_278 : vector<16xf32>
          %mul3A_280 = arith.mulf %add3A_265, %add3A_271 : vector<16xf32>
          %add3A_281 = arith.addf %add3A_279, %mul3A_280 : vector<16xf32>
          %mul3A_282 = arith.mulf %add3A_266, %add3A_266 : vector<16xf32>
          %mul3A_283 = arith.mulf %add3A_268, %add3A_268 : vector<16xf32>
          %add3A_284 = arith.addf %mul3A_282, %mul3A_283 : vector<16xf32>
          %mul3A_285 = arith.mulf %add3A_270, %add3A_270 : vector<16xf32>
          %add3A_286 = arith.addf %add3A_284, %mul3A_285 : vector<16xf32>
          %mul3A_287 = arith.mulf %add3A_267, %add3A_267 : vector<16xf32>
          %mul3A_288 = arith.mulf %add3A_269, %add3A_269 : vector<16xf32>
          %add3A_289 = arith.addf %mul3A_287, %mul3A_288 : vector<16xf32>
          %mul3A_290 = arith.mulf %add3A_271, %add3A_271 : vector<16xf32>
          %add3A_291 = arith.addf %add3A_289, %mul3A_290 : vector<16xf32>
          %lt3A_292 = arith.constant 0.000000e+00 : f32
          %lt3A_293 = vector.broadcast %lt3A_292 : f32 to vector<16xf32>
          %lt3A_294 = arith.cmpf olt, %add3A_276, %lt3A_293 : vector<16xf32>
          %add3A_295 = arith.constant 9.99999997E-7 : f32
          %add3A_296 = vector.broadcast %add3A_295 : f32 to vector<16xf32>
          %add3A_297 = arith.addf %add3A_286, %add3A_296 : vector<16xf32>
          %div3A = arith.divf %add3A_276, %add3A_297 : vector<16xf32>
          %jit3A = arith.constant 0.000000e+00 : f32
          %broadcast_in_dim3A_298 = vector.broadcast %jit3A : f32 to vector<16xf32>
          %select_n3A = arith.select %lt3A_294, %div3A, %broadcast_in_dim3A_298 : vector<16xi1>, vector<16xf32>
          %lt3A_299 = arith.constant 0.000000e+00 : f32
          %lt3A_300 = vector.broadcast %lt3A_299 : f32 to vector<16xf32>
          %lt3A_301 = arith.cmpf olt, %add3A_281, %lt3A_300 : vector<16xf32>
          %add3A_302 = arith.constant 9.99999997E-7 : f32
          %add3A_303 = vector.broadcast %add3A_302 : f32 to vector<16xf32>
          %add3A_304 = arith.addf %add3A_291, %add3A_303 : vector<16xf32>
          %div3A_305 = arith.divf %add3A_281, %add3A_304 : vector<16xf32>
          %jit3A_306 = arith.constant 0.000000e+00 : f32
          %broadcast_in_dim3A_307 = vector.broadcast %jit3A_306 : f32 to vector<16xf32>
          %select_n3A_308 = arith.select %lt3A_301, %div3A_305, %broadcast_in_dim3A_307 : vector<16xi1>, vector<16xf32>
          %add3A_309 = arith.addf %scan3A_197, %get3A_215 : vector<16xf32>
          %add3A_310 = arith.addf %scan3A_198, %get3A_219 : vector<16xf32>
          %add3A_311 = arith.addf %scan3A_199, %get3A_223 : vector<16xf32>
          %add3A_312 = arith.addf %scan3A_200, %get3A_227 : vector<16xf32>
          %add3A_313 = arith.addf %scan3A_201, %get3A_231 : vector<16xf32>
          %add3A_314 = arith.addf %scan3A_202, %get3A_235 : vector<16xf32>
          %mul3A_315 = arith.mulf %select_n3A, %add3A_266 : vector<16xf32>
          %add3A_316 = arith.addf %scan3A_203, %mul3A_315 : vector<16xf32>
          %mul3A_317 = arith.mulf %select_n3A_308, %add3A_267 : vector<16xf32>
          %add3A_318 = arith.addf %scan3A_204, %mul3A_317 : vector<16xf32>
          %mul3A_319 = arith.mulf %select_n3A, %add3A_268 : vector<16xf32>
          %add3A_320 = arith.addf %scan3A_205, %mul3A_319 : vector<16xf32>
          %mul3A_321 = arith.mulf %select_n3A_308, %add3A_269 : vector<16xf32>
          %add3A_322 = arith.addf %scan3A_206, %mul3A_321 : vector<16xf32>
          %mul3A_323 = arith.mulf %select_n3A, %add3A_270 : vector<16xf32>
          %add3A_324 = arith.addf %scan3A_207, %mul3A_323 : vector<16xf32>
          %mul3A_325 = arith.mulf %select_n3A_308, %add3A_271 : vector<16xf32>
          %add3A_326 = arith.addf %scan3A_208, %mul3A_325 : vector<16xf32>
          scf.yield %add3A_309, %add3A_310, %add3A_311, %add3A_312, %add3A_313, %add3A_314, %add3A_316, %add3A_318, %add3A_320, %add3A_322, %add3A_324, %add3A_326 : vector<16xf32>, vector<16xf32>, vector<16xf32>, vector<16xf32>, vector<16xf32>, vector<16xf32>, vector<16xf32>, vector<16xf32>, vector<16xf32>, vector<16xf32>, vector<16xf32>, vector<16xf32>
        }
        %scan3A_119 = arith.constant 20 : i32
        %mul3A_120 = arith.constant 5.000000e-02 : f32
        %mul3A_121 = vector.broadcast %mul3A_120 : f32 to vector<16xf32>
        %mul3A_122 = arith.mulf %mul3A_121, %scan3A_118#0 : vector<16xf32>
        %add3A_123 = arith.addf %get3A_58, %mul3A_122 : vector<16xf32>
        %mul3A_124 = arith.constant 4.000000e-02 : f32
        %mul3A_125 = vector.broadcast %mul3A_124 : f32 to vector<16xf32>
        %mul3A_126 = arith.mulf %mul3A_125, %scan3A_118#6 : vector<16xf32>
        %sub3A = arith.subf %add3A_123, %mul3A_126 : vector<16xf32>
        %swap3A = arith.index_cast %scan3A_55 : i32 to index
        %swap3A_127 = arith.constant 0 : index
        %swap3A_128 = tpu.vector_load %arg11[%swap3A, %swap3A_127] {strides = array<i32>} : memref<8x96xf32, #tpu.memory_space<vmem>>, vector<1x16xf32>,
        %swap3A_129 = vector.shape_cast %swap3A_128 : vector<1x16xf32> to vector<16xf32>
        %swap3A_130 = vector.shape_cast %sub3A : vector<16xf32> to vector<1x16xf32>
        tpu.vector_store %arg11[%swap3A, %swap3A_127], %swap3A_130 {strides = array<i32>} : memref<8x96xf32, #tpu.memory_space<vmem>>, vector<1x16xf32>,
        %mul3A_131 = arith.constant 5.000000e-02 : f32
        %mul3A_132 = vector.broadcast %mul3A_131 : f32 to vector<16xf32>
        %mul3A_133 = arith.mulf %mul3A_132, %scan3A_118#1 : vector<16xf32>
        %add3A_134 = arith.addf %get3A_62, %mul3A_133 : vector<16xf32>
        %mul3A_135 = arith.constant 4.000000e-02 : f32
        %mul3A_136 = vector.broadcast %mul3A_135 : f32 to vector<16xf32>
        %mul3A_137 = arith.mulf %mul3A_136, %scan3A_118#7 : vector<16xf32>
        %sub3A_138 = arith.subf %add3A_134, %mul3A_137 : vector<16xf32>
        %swap3A_139 = arith.index_cast %scan3A_55 : i32 to index
        %swap3A_140 = arith.constant 16 : index
        %swap3A_141 = tpu.vector_load %arg11[%swap3A_139, %swap3A_140] {strides = array<i32>} : memref<8x96xf32, #tpu.memory_space<vmem>>, vector<1x16xf32>,
        %swap3A_142 = vector.shape_cast %swap3A_141 : vector<1x16xf32> to vector<16xf32>
        %swap3A_143 = vector.shape_cast %sub3A_138 : vector<16xf32> to vector<1x16xf32>
        tpu.vector_store %arg11[%swap3A_139, %swap3A_140], %swap3A_143 {strides = array<i32>} : memref<8x96xf32, #tpu.memory_space<vmem>>, vector<1x16xf32>,
        %mul3A_144 = arith.constant 5.000000e-02 : f32
        %mul3A_145 = vector.broadcast %mul3A_144 : f32 to vector<16xf32>
        %mul3A_146 = arith.mulf %mul3A_145, %scan3A_118#2 : vector<16xf32>
        %add3A_147 = arith.addf %get3A_66, %mul3A_146 : vector<16xf32>
        %mul3A_148 = arith.constant 4.000000e-02 : f32
        %mul3A_149 = vector.broadcast %mul3A_148 : f32 to vector<16xf32>
        %mul3A_150 = arith.mulf %mul3A_149, %scan3A_118#8 : vector<16xf32>
        %sub3A_151 = arith.subf %add3A_147, %mul3A_150 : vector<16xf32>
        %swap3A_152 = arith.index_cast %scan3A_55 : i32 to index
        %swap3A_153 = arith.constant 32 : index
        %swap3A_154 = tpu.vector_load %arg11[%swap3A_152, %swap3A_153] {strides = array<i32>} : memref<8x96xf32, #tpu.memory_space<vmem>>, vector<1x16xf32>,
        %swap3A_155 = vector.shape_cast %swap3A_154 : vector<1x16xf32> to vector<16xf32>
        %swap3A_156 = vector.shape_cast %sub3A_151 : vector<16xf32> to vector<1x16xf32>
        tpu.vector_store %arg11[%swap3A_152, %swap3A_153], %swap3A_156 {strides = array<i32>} : memref<8x96xf32, #tpu.memory_space<vmem>>, vector<1x16xf32>,
        %mul3A_157 = arith.constant 5.000000e-02 : f32
        %mul3A_158 = vector.broadcast %mul3A_157 : f32 to vector<16xf32>
        %mul3A_159 = arith.mulf %mul3A_158, %scan3A_118#3 : vector<16xf32>
        %add3A_160 = arith.addf %get3A_70, %mul3A_159 : vector<16xf32>
        %mul3A_161 = arith.constant 4.000000e-02 : f32
        %mul3A_162 = vector.broadcast %mul3A_161 : f32 to vector<16xf32>
        %mul3A_163 = arith.mulf %mul3A_162, %scan3A_118#9 : vector<16xf32>
        %sub3A_164 = arith.subf %add3A_160, %mul3A_163 : vector<16xf32>
        %swap3A_165 = arith.index_cast %scan3A_55 : i32 to index
        %swap3A_166 = arith.constant 48 : index
        %swap3A_167 = tpu.vector_load %arg11[%swap3A_165, %swap3A_166] {strides = array<i32>} : memref<8x96xf32, #tpu.memory_space<vmem>>, vector<1x16xf32>,
        %swap3A_168 = vector.shape_cast %swap3A_167 : vector<1x16xf32> to vector<16xf32>
        %swap3A_169 = vector.shape_cast %sub3A_164 : vector<16xf32> to vector<1x16xf32>
        tpu.vector_store %arg11[%swap3A_165, %swap3A_166], %swap3A_169 {strides = array<i32>} : memref<8x96xf32, #tpu.memory_space<vmem>>, vector<1x16xf32>,
        %mul3A_170 = arith.constant 5.000000e-02 : f32
        %mul3A_171 = vector.broadcast %mul3A_170 : f32 to vector<16xf32>
        %mul3A_172 = arith.mulf %mul3A_171, %scan3A_118#4 : vector<16xf32>
        %add3A_173 = arith.addf %get3A_74, %mul3A_172 : vector<16xf32>
        %mul3A_174 = arith.constant 4.000000e-02 : f32
        %mul3A_175 = vector.broadcast %mul3A_174 : f32 to vector<16xf32>
        %mul3A_176 = arith.mulf %mul3A_175, %scan3A_118#10 : vector<16xf32>
        %sub3A_177 = arith.subf %add3A_173, %mul3A_176 : vector<16xf32>
        %swap3A_178 = arith.index_cast %scan3A_55 : i32 to index
        %swap3A_179 = arith.constant 64 : index
        %swap3A_180 = tpu.vector_load %arg11[%swap3A_178, %swap3A_179] {strides = array<i32>} : memref<8x96xf32, #tpu.memory_space<vmem>>, vector<1x16xf32>,
        %swap3A_181 = vector.shape_cast %swap3A_180 : vector<1x16xf32> to vector<16xf32>
        %swap3A_182 = vector.shape_cast %sub3A_177 : vector<16xf32> to vector<1x16xf32>
        tpu.vector_store %arg11[%swap3A_178, %swap3A_179], %swap3A_182 {strides = array<i32>} : memref<8x96xf32, #tpu.memory_space<vmem>>, vector<1x16xf32>,
        %mul3A_183 = arith.constant 5.000000e-02 : f32
        %mul3A_184 = vector.broadcast %mul3A_183 : f32 to vector<16xf32>
        %mul3A_185 = arith.mulf %mul3A_184, %scan3A_118#5 : vector<16xf32>
        %add3A_186 = arith.addf %get3A_78, %mul3A_185 : vector<16xf32>
        %mul3A_187 = arith.constant 4.000000e-02 : f32
        %mul3A_188 = vector.broadcast %mul3A_187 : f32 to vector<16xf32>
        %mul3A_189 = arith.mulf %mul3A_188, %scan3A_118#11 : vector<16xf32>
        %sub3A_190 = arith.subf %add3A_186, %mul3A_189 : vector<16xf32>
        %swap3A_191 = arith.index_cast %scan3A_55 : i32 to index
        %swap3A_192 = arith.constant 80 : index
        %swap3A_193 = tpu.vector_load %arg11[%swap3A_191, %swap3A_192] {strides = array<i32>} : memref<8x96xf32, #tpu.memory_space<vmem>>, vector<1x16xf32>,
        %swap3A_194 = vector.shape_cast %swap3A_193 : vector<1x16xf32> to vector<16xf32>
        %swap3A_195 = vector.shape_cast %sub3A_190 : vector<16xf32> to vector<1x16xf32>
        tpu.vector_store %arg11[%swap3A_191, %swap3A_192], %swap3A_195 {strides = array<i32>} : memref<8x96xf32, #tpu.memory_space<vmem>>, vector<1x16xf32>,
      }
      %scan3A_31 = arith.constant 8 : i32
      "tpu.region"() ({
        %run_scoped3A = tpu.sem_alloc : memref<!tpu.dma_semaphore, #tpu.memory_space<semaphore_mem>>
        %dma_start3A_55 = arith.constant 0 : i32
        %dma_start3A_56 = tpu.memref_slice %arg5[%add3A_19, %dma_start3A_55] : memref<16384x96xf32, #tpu.memory_space<hbm>> -> memref<8x96xf32, #tpu.memory_space<hbm>>
        %dma_start3A_57 = arith.constant 0 : i32
        %dma_start3A_58 = tpu.memref_slice %arg5[%add3A_19, %dma_start3A_57] : memref<16384x96xf32, #tpu.memory_space<hbm>> -> memref<8x96xf32, #tpu.memory_space<hbm>>
        tpu.enqueue_dma source(%arg11 : memref<8x96xf32, #tpu.memory_space<vmem>>) target(%dma_start3A_58 : memref<8x96xf32, #tpu.memory_space<hbm>>) target_semaphore(%run_scoped3A : memref<!tpu.dma_semaphore, #tpu.memory_space<semaphore_mem>>)
        %dma_wait3A_59 = arith.constant 0 : i32
        %dma_wait3A_60 = tpu.memref_slice %arg5[%add3A_19, %dma_wait3A_59] : memref<16384x96xf32, #tpu.memory_space<hbm>> -> memref<8x96xf32, #tpu.memory_space<hbm>>
        %dma_wait3A_61 = arith.constant 0 : i32
        %dma_wait3A_62 = tpu.memref_slice %arg5[%add3A_19, %dma_wait3A_61] : memref<16384x96xf32, #tpu.memory_space<hbm>> -> memref<8x96xf32, #tpu.memory_space<hbm>>
        tpu.wait_dma2 semaphore(%run_scoped3A : memref<!tpu.dma_semaphore, #tpu.memory_space<semaphore_mem>>) src(%arg11 : memref<8x96xf32, #tpu.memory_space<vmem>>) dst(%dma_wait3A_62 : memref<8x96xf32, #tpu.memory_space<hbm>>)
        tpu.yield
      }) : () -> ()
      %mul3A_32 = arith.constant 2 : i32
      %mul3A_33 = arith.muli %mul3A_32, %scan3A_12 : i32
      %add3A_34 = arith.constant 1 : i32
      %add3A_35 = arith.addi %mul3A_33, %add3A_34 : i32
      %mul3A_36 = arith.constant 8 : i32
      %mul3A_37 = arith.muli %add3A_35, %mul3A_36 : i32
      %add3A_38 = arith.addi %mul3A_2, %mul3A_37 : i32
      %dma_wait3A_39 = arith.constant 0 : i32
      %dma_wait3A_40 = arith.constant 0 : i32
      %dma_wait3A_41 = tpu.memref_slice %arg2[%dma_wait3A_39, %dma_wait3A_40] : memref<16384x192xf32, #tpu.memory_space<hbm>> -> memref<16384x192xf32, #tpu.memory_space<hbm>>
      tpu.wait_indirect_dma semaphore(%arg13 : memref<!tpu.dma_semaphore, #tpu.memory_space<semaphore_mem>>) src(%dma_wait3A_41 : memref<16384x192xf32, #tpu.memory_space<hbm>>) dst(%arg9 : memref<160x192xf32, #tpu.memory_space<vmem>>)
      %add3A_42 = arith.constant 1 : i32
      %add3A_43 = arith.addi %add3A_35, %add3A_42 : i32
      %lt3A_44 = arith.constant 64 : i32
      %lt3A_45 = arith.cmpi slt, %add3A_43, %lt3A_44 : i32
      %convert_element_type3A_46 = arith.extui %lt3A_45 : i1 to i32
      %cond3A_47 = arith.constant 0 : i32
      %cond3A_48 = arith.cmpi ne, %convert_element_type3A_46, %cond3A_47 : i32
      scf.if %cond3A_48 {
        %mul3A_55 = arith.constant 8 : i32
        %mul3A_56 = arith.muli %add3A_43, %mul3A_55 : i32
        %add3A_57 = arith.addi %mul3A_2, %mul3A_56 : i32
        %mul3A_58 = arith.constant 20 : i32
        %mul3A_59 = arith.muli %add3A_57, %mul3A_58 : i32
        "tpu.region"() ({
          %run_scoped3A = tpu.sem_alloc : memref<!tpu.dma_semaphore, #tpu.memory_space<semaphore_mem>>
          %dma_start3A_63 = tpu.memref_slice %arg4[%mul3A_59] : memref<327680xi32, #tpu.memory_space<hbm>> -> memref<160xi32, #tpu.memory_space<hbm>>
          %dma_start3A_64 = tpu.memref_slice %arg4[%mul3A_59] : memref<327680xi32, #tpu.memory_space<hbm>> -> memref<160xi32, #tpu.memory_space<hbm>>
          tpu.enqueue_dma source(%dma_start3A_64 : memref<160xi32, #tpu.memory_space<hbm>>) target(%arg6 : memref<160xi32, #tpu.memory_space<vmem>>) target_semaphore(%run_scoped3A : memref<!tpu.dma_semaphore, #tpu.memory_space<semaphore_mem>>)
          %dma_wait3A_65 = tpu.memref_slice %arg4[%mul3A_59] : memref<327680xi32, #tpu.memory_space<hbm>> -> memref<160xi32, #tpu.memory_space<hbm>>
          %dma_wait3A_66 = tpu.memref_slice %arg4[%mul3A_59] : memref<327680xi32, #tpu.memory_space<hbm>> -> memref<160xi32, #tpu.memory_space<hbm>>
          tpu.wait_dma2 semaphore(%run_scoped3A : memref<!tpu.dma_semaphore, #tpu.memory_space<semaphore_mem>>) src(%dma_wait3A_66 : memref<160xi32, #tpu.memory_space<hbm>>) dst(%arg6 : memref<160xi32, #tpu.memory_space<vmem>>)
          tpu.yield
        }) : () -> ()
        %dma_start3A_60 = arith.constant 0 : i32
        %dma_start3A_61 = arith.constant 0 : i32
        %dma_start3A_62 = tpu.memref_slice %arg2[%dma_start3A_60, %dma_start3A_61] : memref<16384x192xf32, #tpu.memory_space<hbm>> -> memref<16384x192xf32, #tpu.memory_space<hbm>>
        tpu.enqueue_indirect_dma source(%dma_start3A_62 : memref<16384x192xf32, #tpu.memory_space<hbm>>) target(%arg8 : memref<160x192xf32, #tpu.memory_space<vmem>>) offsets(%arg6 : memref<160xi32, #tpu.memory_space<vmem>>) semaphore(%arg12 : memref<!tpu.dma_semaphore, #tpu.memory_space<semaphore_mem>>)
      } else {
      }
      "tpu.region"() ({
        %run_scoped3A = tpu.sem_alloc : memref<!tpu.dma_semaphore, #tpu.memory_space<semaphore_mem>>
        %dma_start3A_55 = arith.constant 0 : i32
        %dma_start3A_56 = tpu.memref_slice %arg3[%add3A_38, %dma_start3A_55] : memref<16384x192xf32, #tpu.memory_space<hbm>> -> memref<8x192xf32, #tpu.memory_space<hbm>>
        %dma_start3A_57 = arith.constant 0 : i32
        %dma_start3A_58 = tpu.memref_slice %arg3[%add3A_38, %dma_start3A_57] : memref<16384x192xf32, #tpu.memory_space<hbm>> -> memref<8x192xf32, #tpu.memory_space<hbm>>
        tpu.enqueue_dma source(%dma_start3A_58 : memref<8x192xf32, #tpu.memory_space<hbm>>) target(%arg10 : memref<8x192xf32, #tpu.memory_space<vmem>>) target_semaphore(%run_scoped3A : memref<!tpu.dma_semaphore, #tpu.memory_space<semaphore_mem>>)
        %dma_wait3A_59 = arith.constant 0 : i32
        %dma_wait3A_60 = tpu.memref_slice %arg3[%add3A_38, %dma_wait3A_59] : memref<16384x192xf32, #tpu.memory_space<hbm>> -> memref<8x192xf32, #tpu.memory_space<hbm>>
        %dma_wait3A_61 = arith.constant 0 : i32
        %dma_wait3A_62 = tpu.memref_slice %arg3[%add3A_38, %dma_wait3A_61] : memref<16384x192xf32, #tpu.memory_space<hbm>> -> memref<8x192xf32, #tpu.memory_space<hbm>>
        tpu.wait_dma2 semaphore(%run_scoped3A : memref<!tpu.dma_semaphore, #tpu.memory_space<semaphore_mem>>) src(%dma_wait3A_62 : memref<8x192xf32, #tpu.memory_space<hbm>>) dst(%arg10 : memref<8x192xf32, #tpu.memory_space<vmem>>)
        tpu.yield
      }) : () -> ()
      %scan3A_49 = arith.constant 0 : i32
      %scan3A_50 = arith.constant 0 : i32
      %scan3A_51 = arith.constant 8 : i32
      %scan3A_52 = arith.addi %scan3A_50, %scan3A_51 : i32
      %scan3A_53 = arith.constant 1 : i32
      scf.for %scan3A_55 = %scan3A_50 to %scan3A_52 step %scan3A_53  : i32 {
        %get3A = arith.index_cast %scan3A_55 : i32 to index
        %get3A_56 = arith.constant 0 : index
        %get3A_57 = tpu.vector_load %arg10[%get3A, %get3A_56] {strides = array<i32>} : memref<8x192xf32, #tpu.memory_space<vmem>>, vector<1x16xf32>,
        %get3A_58 = vector.shape_cast %get3A_57 : vector<1x16xf32> to vector<16xf32>
        %get3A_59 = arith.index_cast %scan3A_55 : i32 to index
        %get3A_60 = arith.constant 16 : index
        %get3A_61 = tpu.vector_load %arg10[%get3A_59, %get3A_60] {strides = array<i32>} : memref<8x192xf32, #tpu.memory_space<vmem>>, vector<1x16xf32>,
        %get3A_62 = vector.shape_cast %get3A_61 : vector<1x16xf32> to vector<16xf32>
        %get3A_63 = arith.index_cast %scan3A_55 : i32 to index
        %get3A_64 = arith.constant 32 : index
        %get3A_65 = tpu.vector_load %arg10[%get3A_63, %get3A_64] {strides = array<i32>} : memref<8x192xf32, #tpu.memory_space<vmem>>, vector<1x16xf32>,
        %get3A_66 = vector.shape_cast %get3A_65 : vector<1x16xf32> to vector<16xf32>
        %get3A_67 = arith.index_cast %scan3A_55 : i32 to index
        %get3A_68 = arith.constant 48 : index
        %get3A_69 = tpu.vector_load %arg10[%get3A_67, %get3A_68] {strides = array<i32>} : memref<8x192xf32, #tpu.memory_space<vmem>>, vector<1x16xf32>,
        %get3A_70 = vector.shape_cast %get3A_69 : vector<1x16xf32> to vector<16xf32>
        %get3A_71 = arith.index_cast %scan3A_55 : i32 to index
        %get3A_72 = arith.constant 64 : index
        %get3A_73 = tpu.vector_load %arg10[%get3A_71, %get3A_72] {strides = array<i32>} : memref<8x192xf32, #tpu.memory_space<vmem>>, vector<1x16xf32>,
        %get3A_74 = vector.shape_cast %get3A_73 : vector<1x16xf32> to vector<16xf32>
        %get3A_75 = arith.index_cast %scan3A_55 : i32 to index
        %get3A_76 = arith.constant 80 : index
        %get3A_77 = tpu.vector_load %arg10[%get3A_75, %get3A_76] {strides = array<i32>} : memref<8x192xf32, #tpu.memory_space<vmem>>, vector<1x16xf32>,
        %get3A_78 = vector.shape_cast %get3A_77 : vector<1x16xf32> to vector<16xf32>
        %get3A_79 = arith.index_cast %scan3A_55 : i32 to index
        %get3A_80 = arith.constant 96 : index
        %get3A_81 = tpu.vector_load %arg10[%get3A_79, %get3A_80] {strides = array<i32>} : memref<8x192xf32, #tpu.memory_space<vmem>>, vector<1x16xf32>,
        %get3A_82 = vector.shape_cast %get3A_81 : vector<1x16xf32> to vector<16xf32>
        %get3A_83 = arith.index_cast %scan3A_55 : i32 to index
        %get3A_84 = arith.constant 112 : index
        %get3A_85 = tpu.vector_load %arg10[%get3A_83, %get3A_84] {strides = array<i32>} : memref<8x192xf32, #tpu.memory_space<vmem>>, vector<1x16xf32>,
        %get3A_86 = vector.shape_cast %get3A_85 : vector<1x16xf32> to vector<16xf32>
        %get3A_87 = arith.index_cast %scan3A_55 : i32 to index
        %get3A_88 = arith.constant 128 : index
        %get3A_89 = tpu.vector_load %arg10[%get3A_87, %get3A_88] {strides = array<i32>} : memref<8x192xf32, #tpu.memory_space<vmem>>, vector<1x16xf32>,
        %get3A_90 = vector.shape_cast %get3A_89 : vector<1x16xf32> to vector<16xf32>
        %get3A_91 = arith.index_cast %scan3A_55 : i32 to index
        %get3A_92 = arith.constant 144 : index
        %get3A_93 = tpu.vector_load %arg10[%get3A_91, %get3A_92] {strides = array<i32>} : memref<8x192xf32, #tpu.memory_space<vmem>>, vector<1x16xf32>,
        %get3A_94 = vector.shape_cast %get3A_93 : vector<1x16xf32> to vector<16xf32>
        %get3A_95 = arith.index_cast %scan3A_55 : i32 to index
        %get3A_96 = arith.constant 160 : index
        %get3A_97 = tpu.vector_load %arg10[%get3A_95, %get3A_96] {strides = array<i32>} : memref<8x192xf32, #tpu.memory_space<vmem>>, vector<1x16xf32>,
        %get3A_98 = vector.shape_cast %get3A_97 : vector<1x16xf32> to vector<16xf32>
        %get3A_99 = arith.index_cast %scan3A_55 : i32 to index
        %get3A_100 = arith.constant 176 : index
        %get3A_101 = tpu.vector_load %arg10[%get3A_99, %get3A_100] {strides = array<i32>} : memref<8x192xf32, #tpu.memory_space<vmem>>, vector<1x16xf32>,
        %get3A_102 = vector.shape_cast %get3A_101 : vector<1x16xf32> to vector<16xf32>
        %broadcast_in_dim3A = arith.constant 0.000000e+00 : f32
        %broadcast_in_dim3A_103 = vector.broadcast %broadcast_in_dim3A : f32 to vector<16xf32>
        %broadcast_in_dim3A_104 = arith.constant 0.000000e+00 : f32
        %broadcast_in_dim3A_105 = vector.broadcast %broadcast_in_dim3A_104 : f32 to vector<16xf32>
        %broadcast_in_dim3A_106 = arith.constant 0.000000e+00 : f32
        %broadcast_in_dim3A_107 = vector.broadcast %broadcast_in_dim3A_106 : f32 to vector<16xf32>
        %broadcast_in_dim3A_108 = arith.constant 0.000000e+00 : f32
        %broadcast_in_dim3A_109 = vector.broadcast %broadcast_in_dim3A_108 : f32 to vector<16xf32>
        %broadcast_in_dim3A_110 = arith.constant 0.000000e+00 : f32
        %broadcast_in_dim3A_111 = vector.broadcast %broadcast_in_dim3A_110 : f32 to vector<16xf32>
        %broadcast_in_dim3A_112 = arith.constant 0.000000e+00 : f32
        %broadcast_in_dim3A_113 = vector.broadcast %broadcast_in_dim3A_112 : f32 to vector<16xf32>
        %scan3A_114 = arith.constant 0 : i32
        %scan3A_115 = arith.constant 20 : i32
        %scan3A_116 = arith.addi %scan3A_114, %scan3A_115 : i32
        %scan3A_117 = arith.constant 1 : i32
        %scan3A_118:12 = scf.for %scan3A_196 = %scan3A_114 to %scan3A_116 step %scan3A_117 iter_args(%scan3A_197 = %broadcast_in_dim3A_103, %scan3A_198 = %broadcast_in_dim3A_105, %scan3A_199 = %broadcast_in_dim3A_107, %scan3A_200 = %broadcast_in_dim3A_109, %scan3A_201 = %broadcast_in_dim3A_111, %scan3A_202 = %broadcast_in_dim3A_113, %scan3A_203 = %broadcast_in_dim3A_103, %scan3A_204 = %broadcast_in_dim3A_105, %scan3A_205 = %broadcast_in_dim3A_107, %scan3A_206 = %broadcast_in_dim3A_109, %scan3A_207 = %broadcast_in_dim3A_111, %scan3A_208 = %broadcast_in_dim3A_113) -> (vector<16xf32>, vector<16xf32>, vector<16xf32>, vector<16xf32>, vector<16xf32>, vector<16xf32>, vector<16xf32>, vector<16xf32>, vector<16xf32>, vector<16xf32>, vector<16xf32>, vector<16xf32>)  : i32 {
          %mul3A_209 = arith.constant 20 : i32
          %mul3A_210 = arith.muli %scan3A_55, %mul3A_209 : i32
          %add3A_211 = arith.addi %mul3A_210, %scan3A_196 : i32
          %get3A_212 = arith.index_cast %add3A_211 : i32 to index
          %get3A_213 = arith.constant 0 : index
          %get3A_214 = tpu.vector_load %arg9[%get3A_212, %get3A_213] {strides = array<i32>} : memref<160x192xf32, #tpu.memory_space<vmem>>, vector<1x16xf32>,
          %get3A_215 = vector.shape_cast %get3A_214 : vector<1x16xf32> to vector<16xf32>
          %get3A_216 = arith.index_cast %add3A_211 : i32 to index
          %get3A_217 = arith.constant 16 : index
          %get3A_218 = tpu.vector_load %arg9[%get3A_216, %get3A_217] {strides = array<i32>} : memref<160x192xf32, #tpu.memory_space<vmem>>, vector<1x16xf32>,
          %get3A_219 = vector.shape_cast %get3A_218 : vector<1x16xf32> to vector<16xf32>
          %get3A_220 = arith.index_cast %add3A_211 : i32 to index
          %get3A_221 = arith.constant 32 : index
          %get3A_222 = tpu.vector_load %arg9[%get3A_220, %get3A_221] {strides = array<i32>} : memref<160x192xf32, #tpu.memory_space<vmem>>, vector<1x16xf32>,
          %get3A_223 = vector.shape_cast %get3A_222 : vector<1x16xf32> to vector<16xf32>
          %get3A_224 = arith.index_cast %add3A_211 : i32 to index
          %get3A_225 = arith.constant 48 : index
          %get3A_226 = tpu.vector_load %arg9[%get3A_224, %get3A_225] {strides = array<i32>} : memref<160x192xf32, #tpu.memory_space<vmem>>, vector<1x16xf32>,
          %get3A_227 = vector.shape_cast %get3A_226 : vector<1x16xf32> to vector<16xf32>
          %get3A_228 = arith.index_cast %add3A_211 : i32 to index
          %get3A_229 = arith.constant 64 : index
          %get3A_230 = tpu.vector_load %arg9[%get3A_228, %get3A_229] {strides = array<i32>} : memref<160x192xf32, #tpu.memory_space<vmem>>, vector<1x16xf32>,
          %get3A_231 = vector.shape_cast %get3A_230 : vector<1x16xf32> to vector<16xf32>
          %get3A_232 = arith.index_cast %add3A_211 : i32 to index
          %get3A_233 = arith.constant 80 : index
          %get3A_234 = tpu.vector_load %arg9[%get3A_232, %get3A_233] {strides = array<i32>} : memref<160x192xf32, #tpu.memory_space<vmem>>, vector<1x16xf32>,
          %get3A_235 = vector.shape_cast %get3A_234 : vector<1x16xf32> to vector<16xf32>
          %get3A_236 = arith.index_cast %add3A_211 : i32 to index
          %get3A_237 = arith.constant 96 : index
          %get3A_238 = tpu.vector_load %arg9[%get3A_236, %get3A_237] {strides = array<i32>} : memref<160x192xf32, #tpu.memory_space<vmem>>, vector<1x16xf32>,
          %get3A_239 = vector.shape_cast %get3A_238 : vector<1x16xf32> to vector<16xf32>
          %get3A_240 = arith.index_cast %add3A_211 : i32 to index
          %get3A_241 = arith.constant 112 : index
          %get3A_242 = tpu.vector_load %arg9[%get3A_240, %get3A_241] {strides = array<i32>} : memref<160x192xf32, #tpu.memory_space<vmem>>, vector<1x16xf32>,
          %get3A_243 = vector.shape_cast %get3A_242 : vector<1x16xf32> to vector<16xf32>
          %get3A_244 = arith.index_cast %add3A_211 : i32 to index
          %get3A_245 = arith.constant 128 : index
          %get3A_246 = tpu.vector_load %arg9[%get3A_244, %get3A_245] {strides = array<i32>} : memref<160x192xf32, #tpu.memory_space<vmem>>, vector<1x16xf32>,
          %get3A_247 = vector.shape_cast %get3A_246 : vector<1x16xf32> to vector<16xf32>
          %get3A_248 = arith.index_cast %add3A_211 : i32 to index
          %get3A_249 = arith.constant 144 : index
          %get3A_250 = tpu.vector_load %arg9[%get3A_248, %get3A_249] {strides = array<i32>} : memref<160x192xf32, #tpu.memory_space<vmem>>, vector<1x16xf32>,
          %get3A_251 = vector.shape_cast %get3A_250 : vector<1x16xf32> to vector<16xf32>
          %get3A_252 = arith.index_cast %add3A_211 : i32 to index
          %get3A_253 = arith.constant 160 : index
          %get3A_254 = tpu.vector_load %arg9[%get3A_252, %get3A_253] {strides = array<i32>} : memref<160x192xf32, #tpu.memory_space<vmem>>, vector<1x16xf32>,
          %get3A_255 = vector.shape_cast %get3A_254 : vector<1x16xf32> to vector<16xf32>
          %get3A_256 = arith.index_cast %add3A_211 : i32 to index
          %get3A_257 = arith.constant 176 : index
          %get3A_258 = tpu.vector_load %arg9[%get3A_256, %get3A_257] {strides = array<i32>} : memref<160x192xf32, #tpu.memory_space<vmem>>, vector<1x16xf32>,
          %get3A_259 = vector.shape_cast %get3A_258 : vector<1x16xf32> to vector<16xf32>
          %add3A_260 = arith.addf %get3A_215, %get3A_58 : vector<16xf32>
          %add3A_261 = arith.addf %get3A_219, %get3A_62 : vector<16xf32>
          %add3A_262 = arith.addf %get3A_223, %get3A_66 : vector<16xf32>
          %add3A_263 = arith.addf %get3A_227, %get3A_70 : vector<16xf32>
          %add3A_264 = arith.addf %get3A_231, %get3A_74 : vector<16xf32>
          %add3A_265 = arith.addf %get3A_235, %get3A_78 : vector<16xf32>
          %add3A_266 = arith.addf %get3A_239, %get3A_82 : vector<16xf32>
          %add3A_267 = arith.addf %get3A_243, %get3A_86 : vector<16xf32>
          %add3A_268 = arith.addf %get3A_247, %get3A_90 : vector<16xf32>
          %add3A_269 = arith.addf %get3A_251, %get3A_94 : vector<16xf32>
          %add3A_270 = arith.addf %get3A_255, %get3A_98 : vector<16xf32>
          %add3A_271 = arith.addf %get3A_259, %get3A_102 : vector<16xf32>
          %mul3A_272 = arith.mulf %add3A_260, %add3A_266 : vector<16xf32>
          %mul3A_273 = arith.mulf %add3A_262, %add3A_268 : vector<16xf32>
          %add3A_274 = arith.addf %mul3A_272, %mul3A_273 : vector<16xf32>
          %mul3A_275 = arith.mulf %add3A_264, %add3A_270 : vector<16xf32>
          %add3A_276 = arith.addf %add3A_274, %mul3A_275 : vector<16xf32>
          %mul3A_277 = arith.mulf %add3A_261, %add3A_267 : vector<16xf32>
          %mul3A_278 = arith.mulf %add3A_263, %add3A_269 : vector<16xf32>
          %add3A_279 = arith.addf %mul3A_277, %mul3A_278 : vector<16xf32>
          %mul3A_280 = arith.mulf %add3A_265, %add3A_271 : vector<16xf32>
          %add3A_281 = arith.addf %add3A_279, %mul3A_280 : vector<16xf32>
          %mul3A_282 = arith.mulf %add3A_266, %add3A_266 : vector<16xf32>
          %mul3A_283 = arith.mulf %add3A_268, %add3A_268 : vector<16xf32>
          %add3A_284 = arith.addf %mul3A_282, %mul3A_283 : vector<16xf32>
          %mul3A_285 = arith.mulf %add3A_270, %add3A_270 : vector<16xf32>
          %add3A_286 = arith.addf %add3A_284, %mul3A_285 : vector<16xf32>
          %mul3A_287 = arith.mulf %add3A_267, %add3A_267 : vector<16xf32>
          %mul3A_288 = arith.mulf %add3A_269, %add3A_269 : vector<16xf32>
          %add3A_289 = arith.addf %mul3A_287, %mul3A_288 : vector<16xf32>
          %mul3A_290 = arith.mulf %add3A_271, %add3A_271 : vector<16xf32>
          %add3A_291 = arith.addf %add3A_289, %mul3A_290 : vector<16xf32>
          %lt3A_292 = arith.constant 0.000000e+00 : f32
          %lt3A_293 = vector.broadcast %lt3A_292 : f32 to vector<16xf32>
          %lt3A_294 = arith.cmpf olt, %add3A_276, %lt3A_293 : vector<16xf32>
          %add3A_295 = arith.constant 9.99999997E-7 : f32
          %add3A_296 = vector.broadcast %add3A_295 : f32 to vector<16xf32>
          %add3A_297 = arith.addf %add3A_286, %add3A_296 : vector<16xf32>
          %div3A = arith.divf %add3A_276, %add3A_297 : vector<16xf32>
          %jit3A = arith.constant 0.000000e+00 : f32
          %broadcast_in_dim3A_298 = vector.broadcast %jit3A : f32 to vector<16xf32>
          %select_n3A = arith.select %lt3A_294, %div3A, %broadcast_in_dim3A_298 : vector<16xi1>, vector<16xf32>
          %lt3A_299 = arith.constant 0.000000e+00 : f32
          %lt3A_300 = vector.broadcast %lt3A_299 : f32 to vector<16xf32>
          %lt3A_301 = arith.cmpf olt, %add3A_281, %lt3A_300 : vector<16xf32>
          %add3A_302 = arith.constant 9.99999997E-7 : f32
          %add3A_303 = vector.broadcast %add3A_302 : f32 to vector<16xf32>
          %add3A_304 = arith.addf %add3A_291, %add3A_303 : vector<16xf32>
          %div3A_305 = arith.divf %add3A_281, %add3A_304 : vector<16xf32>
          %jit3A_306 = arith.constant 0.000000e+00 : f32
          %broadcast_in_dim3A_307 = vector.broadcast %jit3A_306 : f32 to vector<16xf32>
          %select_n3A_308 = arith.select %lt3A_301, %div3A_305, %broadcast_in_dim3A_307 : vector<16xi1>, vector<16xf32>
          %add3A_309 = arith.addf %scan3A_197, %get3A_215 : vector<16xf32>
          %add3A_310 = arith.addf %scan3A_198, %get3A_219 : vector<16xf32>
          %add3A_311 = arith.addf %scan3A_199, %get3A_223 : vector<16xf32>
          %add3A_312 = arith.addf %scan3A_200, %get3A_227 : vector<16xf32>
          %add3A_313 = arith.addf %scan3A_201, %get3A_231 : vector<16xf32>
          %add3A_314 = arith.addf %scan3A_202, %get3A_235 : vector<16xf32>
          %mul3A_315 = arith.mulf %select_n3A, %add3A_266 : vector<16xf32>
          %add3A_316 = arith.addf %scan3A_203, %mul3A_315 : vector<16xf32>
          %mul3A_317 = arith.mulf %select_n3A_308, %add3A_267 : vector<16xf32>
          %add3A_318 = arith.addf %scan3A_204, %mul3A_317 : vector<16xf32>
          %mul3A_319 = arith.mulf %select_n3A, %add3A_268 : vector<16xf32>
          %add3A_320 = arith.addf %scan3A_205, %mul3A_319 : vector<16xf32>
          %mul3A_321 = arith.mulf %select_n3A_308, %add3A_269 : vector<16xf32>
          %add3A_322 = arith.addf %scan3A_206, %mul3A_321 : vector<16xf32>
          %mul3A_323 = arith.mulf %select_n3A, %add3A_270 : vector<16xf32>
          %add3A_324 = arith.addf %scan3A_207, %mul3A_323 : vector<16xf32>
          %mul3A_325 = arith.mulf %select_n3A_308, %add3A_271 : vector<16xf32>
          %add3A_326 = arith.addf %scan3A_208, %mul3A_325 : vector<16xf32>
          scf.yield %add3A_309, %add3A_310, %add3A_311, %add3A_312, %add3A_313, %add3A_314, %add3A_316, %add3A_318, %add3A_320, %add3A_322, %add3A_324, %add3A_326 : vector<16xf32>, vector<16xf32>, vector<16xf32>, vector<16xf32>, vector<16xf32>, vector<16xf32>, vector<16xf32>, vector<16xf32>, vector<16xf32>, vector<16xf32>, vector<16xf32>, vector<16xf32>
        }
        %scan3A_119 = arith.constant 20 : i32
        %mul3A_120 = arith.constant 5.000000e-02 : f32
        %mul3A_121 = vector.broadcast %mul3A_120 : f32 to vector<16xf32>
        %mul3A_122 = arith.mulf %mul3A_121, %scan3A_118#0 : vector<16xf32>
        %add3A_123 = arith.addf %get3A_58, %mul3A_122 : vector<16xf32>
        %mul3A_124 = arith.constant 4.000000e-02 : f32
        %mul3A_125 = vector.broadcast %mul3A_124 : f32 to vector<16xf32>
        %mul3A_126 = arith.mulf %mul3A_125, %scan3A_118#6 : vector<16xf32>
        %sub3A = arith.subf %add3A_123, %mul3A_126 : vector<16xf32>
        %swap3A = arith.index_cast %scan3A_55 : i32 to index
        %swap3A_127 = arith.constant 0 : index
        %swap3A_128 = tpu.vector_load %arg11[%swap3A, %swap3A_127] {strides = array<i32>} : memref<8x96xf32, #tpu.memory_space<vmem>>, vector<1x16xf32>,
        %swap3A_129 = vector.shape_cast %swap3A_128 : vector<1x16xf32> to vector<16xf32>
        %swap3A_130 = vector.shape_cast %sub3A : vector<16xf32> to vector<1x16xf32>
        tpu.vector_store %arg11[%swap3A, %swap3A_127], %swap3A_130 {strides = array<i32>} : memref<8x96xf32, #tpu.memory_space<vmem>>, vector<1x16xf32>,
        %mul3A_131 = arith.constant 5.000000e-02 : f32
        %mul3A_132 = vector.broadcast %mul3A_131 : f32 to vector<16xf32>
        %mul3A_133 = arith.mulf %mul3A_132, %scan3A_118#1 : vector<16xf32>
        %add3A_134 = arith.addf %get3A_62, %mul3A_133 : vector<16xf32>
        %mul3A_135 = arith.constant 4.000000e-02 : f32
        %mul3A_136 = vector.broadcast %mul3A_135 : f32 to vector<16xf32>
        %mul3A_137 = arith.mulf %mul3A_136, %scan3A_118#7 : vector<16xf32>
        %sub3A_138 = arith.subf %add3A_134, %mul3A_137 : vector<16xf32>
        %swap3A_139 = arith.index_cast %scan3A_55 : i32 to index
        %swap3A_140 = arith.constant 16 : index
        %swap3A_141 = tpu.vector_load %arg11[%swap3A_139, %swap3A_140] {strides = array<i32>} : memref<8x96xf32, #tpu.memory_space<vmem>>, vector<1x16xf32>,
        %swap3A_142 = vector.shape_cast %swap3A_141 : vector<1x16xf32> to vector<16xf32>
        %swap3A_143 = vector.shape_cast %sub3A_138 : vector<16xf32> to vector<1x16xf32>
        tpu.vector_store %arg11[%swap3A_139, %swap3A_140], %swap3A_143 {strides = array<i32>} : memref<8x96xf32, #tpu.memory_space<vmem>>, vector<1x16xf32>,
        %mul3A_144 = arith.constant 5.000000e-02 : f32
        %mul3A_145 = vector.broadcast %mul3A_144 : f32 to vector<16xf32>
        %mul3A_146 = arith.mulf %mul3A_145, %scan3A_118#2 : vector<16xf32>
        %add3A_147 = arith.addf %get3A_66, %mul3A_146 : vector<16xf32>
        %mul3A_148 = arith.constant 4.000000e-02 : f32
        %mul3A_149 = vector.broadcast %mul3A_148 : f32 to vector<16xf32>
        %mul3A_150 = arith.mulf %mul3A_149, %scan3A_118#8 : vector<16xf32>
        %sub3A_151 = arith.subf %add3A_147, %mul3A_150 : vector<16xf32>
        %swap3A_152 = arith.index_cast %scan3A_55 : i32 to index
        %swap3A_153 = arith.constant 32 : index
        %swap3A_154 = tpu.vector_load %arg11[%swap3A_152, %swap3A_153] {strides = array<i32>} : memref<8x96xf32, #tpu.memory_space<vmem>>, vector<1x16xf32>,
        %swap3A_155 = vector.shape_cast %swap3A_154 : vector<1x16xf32> to vector<16xf32>
        %swap3A_156 = vector.shape_cast %sub3A_151 : vector<16xf32> to vector<1x16xf32>
        tpu.vector_store %arg11[%swap3A_152, %swap3A_153], %swap3A_156 {strides = array<i32>} : memref<8x96xf32, #tpu.memory_space<vmem>>, vector<1x16xf32>,
        %mul3A_157 = arith.constant 5.000000e-02 : f32
        %mul3A_158 = vector.broadcast %mul3A_157 : f32 to vector<16xf32>
        %mul3A_159 = arith.mulf %mul3A_158, %scan3A_118#3 : vector<16xf32>
        %add3A_160 = arith.addf %get3A_70, %mul3A_159 : vector<16xf32>
        %mul3A_161 = arith.constant 4.000000e-02 : f32
        %mul3A_162 = vector.broadcast %mul3A_161 : f32 to vector<16xf32>
        %mul3A_163 = arith.mulf %mul3A_162, %scan3A_118#9 : vector<16xf32>
        %sub3A_164 = arith.subf %add3A_160, %mul3A_163 : vector<16xf32>
        %swap3A_165 = arith.index_cast %scan3A_55 : i32 to index
        %swap3A_166 = arith.constant 48 : index
        %swap3A_167 = tpu.vector_load %arg11[%swap3A_165, %swap3A_166] {strides = array<i32>} : memref<8x96xf32, #tpu.memory_space<vmem>>, vector<1x16xf32>,
        %swap3A_168 = vector.shape_cast %swap3A_167 : vector<1x16xf32> to vector<16xf32>
        %swap3A_169 = vector.shape_cast %sub3A_164 : vector<16xf32> to vector<1x16xf32>
        tpu.vector_store %arg11[%swap3A_165, %swap3A_166], %swap3A_169 {strides = array<i32>} : memref<8x96xf32, #tpu.memory_space<vmem>>, vector<1x16xf32>,
        %mul3A_170 = arith.constant 5.000000e-02 : f32
        %mul3A_171 = vector.broadcast %mul3A_170 : f32 to vector<16xf32>
        %mul3A_172 = arith.mulf %mul3A_171, %scan3A_118#4 : vector<16xf32>
        %add3A_173 = arith.addf %get3A_74, %mul3A_172 : vector<16xf32>
        %mul3A_174 = arith.constant 4.000000e-02 : f32
        %mul3A_175 = vector.broadcast %mul3A_174 : f32 to vector<16xf32>
        %mul3A_176 = arith.mulf %mul3A_175, %scan3A_118#10 : vector<16xf32>
        %sub3A_177 = arith.subf %add3A_173, %mul3A_176 : vector<16xf32>
        %swap3A_178 = arith.index_cast %scan3A_55 : i32 to index
        %swap3A_179 = arith.constant 64 : index
        %swap3A_180 = tpu.vector_load %arg11[%swap3A_178, %swap3A_179] {strides = array<i32>} : memref<8x96xf32, #tpu.memory_space<vmem>>, vector<1x16xf32>,
        %swap3A_181 = vector.shape_cast %swap3A_180 : vector<1x16xf32> to vector<16xf32>
        %swap3A_182 = vector.shape_cast %sub3A_177 : vector<16xf32> to vector<1x16xf32>
        tpu.vector_store %arg11[%swap3A_178, %swap3A_179], %swap3A_182 {strides = array<i32>} : memref<8x96xf32, #tpu.memory_space<vmem>>, vector<1x16xf32>,
        %mul3A_183 = arith.constant 5.000000e-02 : f32
        %mul3A_184 = vector.broadcast %mul3A_183 : f32 to vector<16xf32>
        %mul3A_185 = arith.mulf %mul3A_184, %scan3A_118#5 : vector<16xf32>
        %add3A_186 = arith.addf %get3A_78, %mul3A_185 : vector<16xf32>
        %mul3A_187 = arith.constant 4.000000e-02 : f32
        %mul3A_188 = vector.broadcast %mul3A_187 : f32 to vector<16xf32>
        %mul3A_189 = arith.mulf %mul3A_188, %scan3A_118#11 : vector<16xf32>
        %sub3A_190 = arith.subf %add3A_186, %mul3A_189 : vector<16xf32>
        %swap3A_191 = arith.index_cast %scan3A_55 : i32 to index
        %swap3A_192 = arith.constant 80 : index
        %swap3A_193 = tpu.vector_load %arg11[%swap3A_191, %swap3A_192] {strides = array<i32>} : memref<8x96xf32, #tpu.memory_space<vmem>>, vector<1x16xf32>,
        %swap3A_194 = vector.shape_cast %swap3A_193 : vector<1x16xf32> to vector<16xf32>
        %swap3A_195 = vector.shape_cast %sub3A_190 : vector<16xf32> to vector<1x16xf32>
        tpu.vector_store %arg11[%swap3A_191, %swap3A_192], %swap3A_195 {strides = array<i32>} : memref<8x96xf32, #tpu.memory_space<vmem>>, vector<1x16xf32>,
      }
      %scan3A_54 = arith.constant 8 : i32
      "tpu.region"() ({
        %run_scoped3A = tpu.sem_alloc : memref<!tpu.dma_semaphore, #tpu.memory_space<semaphore_mem>>
        %dma_start3A_55 = arith.constant 0 : i32
        %dma_start3A_56 = tpu.memref_slice %arg5[%add3A_38, %dma_start3A_55] : memref<16384x96xf32, #tpu.memory_space<hbm>> -> memref<8x96xf32, #tpu.memory_space<hbm>>
        %dma_start3A_57 = arith.constant 0 : i32
        %dma_start3A_58 = tpu.memref_slice %arg5[%add3A_38, %dma_start3A_57] : memref<16384x96xf32, #tpu.memory_space<hbm>> -> memref<8x96xf32, #tpu.memory_space<hbm>>
        tpu.enqueue_dma source(%arg11 : memref<8x96xf32, #tpu.memory_space<vmem>>) target(%dma_start3A_58 : memref<8x96xf32, #tpu.memory_space<hbm>>) target_semaphore(%run_scoped3A : memref<!tpu.dma_semaphore, #tpu.memory_space<semaphore_mem>>)
        %dma_wait3A_59 = arith.constant 0 : i32
        %dma_wait3A_60 = tpu.memref_slice %arg5[%add3A_38, %dma_wait3A_59] : memref<16384x96xf32, #tpu.memory_space<hbm>> -> memref<8x96xf32, #tpu.memory_space<hbm>>
        %dma_wait3A_61 = arith.constant 0 : i32
        %dma_wait3A_62 = tpu.memref_slice %arg5[%add3A_38, %dma_wait3A_61] : memref<16384x96xf32, #tpu.memory_space<hbm>> -> memref<8x96xf32, #tpu.memory_space<hbm>>
        tpu.wait_dma2 semaphore(%run_scoped3A : memref<!tpu.dma_semaphore, #tpu.memory_space<semaphore_mem>>) src(%arg11 : memref<8x96xf32, #tpu.memory_space<vmem>>) dst(%dma_wait3A_62 : memref<8x96xf32, #tpu.memory_space<hbm>>)
        tpu.yield
      }) : () -> ()
    }
    %scan3A_11 = arith.constant 32 : i32
    return
  }
}

module attributes {stable_mosaic.version = 14 : i64} {
  func.func @_final_body(%arg0: i32, %arg1: i32, %arg2: memref<42x46xf32, #tpu.memory_space<vmem>>, %arg3: memref<42x46xf32, #tpu.memory_space<vmem>>, %arg4: memref<1x46x3x512xf32, #tpu.memory_space<vmem>>, %arg5: memref<1x42x3x512xf32, #tpu.memory_space<vmem>>) attributes {dimension_semantics = [#tpu.dimension_semantics<arbitrary>, #tpu.dimension_semantics<arbitrary>], iteration_bounds = array<i64: 8, 4>, scalar_prefetch = 0 : i64, scratch_operands = 0 : i64, tpu.core_type = #tpu.core_type<tc>, window_params = [{pipeline_mode = #tpu.pipeline_mode<synchronous>, transform_indices = @transform_0, window_bounds = array<i64: 42, 46>}, {pipeline_mode = #tpu.pipeline_mode<synchronous>, transform_indices = @transform_1, window_bounds = array<i64: 42, 46>}, {transform_indices = @transform_2, window_bounds = array<i64: 1, 46, 3, 512>}, {transform_indices = @transform_3, window_bounds = array<i64: 1, 42, 3, 512>}]} {
    %get3A = arith.constant 0 : index
    %get3A_0 = arith.constant 0 : index
    %get3A_1 = arith.constant 0 : index
    %get3A_2 = arith.constant 0 : index
    %get3A_3 = vector.load %arg4[%get3A, %get3A_0, %get3A_1, %get3A_2] : memref<1x46x3x512xf32, #tpu.memory_space<vmem>>, vector<1x46x3x512xf32>
    %get3A_4 = vector.shape_cast %get3A_3 : vector<1x46x3x512xf32> to vector<46x3x512xf32>
    %reshape3A = vector.shape_cast %get3A_4 : vector<46x3x512xf32> to vector<46x1536xf32>
    %get3A_5 = arith.constant 0 : index
    %get3A_6 = arith.constant 0 : index
    %get3A_7 = vector.load %arg2[%get3A_5, %get3A_6] : memref<42x46xf32, #tpu.memory_space<vmem>>, vector<42x46xf32>
    %dot_general3A = arith.constant dense<0.000000e+00> : vector<42x1536xf32>
    %dot_general3A_8 = tpu.matmul %get3A_7, %reshape3A, %dot_general3A {dimension_numbers = #tpu.dot_dimension_numbers<[1], [0], [0], [1], [0, 0, 1, 1], [], []>, transpose_lhs_hint = false} : vector<42x46xf32>, vector<46x1536xf32>, vector<42x1536xf32> -> vector<42x1536xf32>
    %get3A_9 = arith.constant 0 : index
    %get3A_10 = arith.constant 0 : index
    %get3A_11 = vector.load %arg3[%get3A_9, %get3A_10] : memref<42x46xf32, #tpu.memory_space<vmem>>, vector<42x46xf32>
    %dot_general3A_12 = arith.constant dense<0.000000e+00> : vector<42x1536xf32>
    %dot_general3A_13 = tpu.matmul %get3A_11, %reshape3A, %dot_general3A_12 {dimension_numbers = #tpu.dot_dimension_numbers<[1], [0], [0], [1], [0, 0, 1, 1], [], []>, transpose_lhs_hint = false} : vector<42x46xf32>, vector<46x1536xf32>, vector<42x1536xf32> -> vector<42x1536xf32>
    %reshape3A_14 = vector.shape_cast %dot_general3A_8 : vector<42x1536xf32> to vector<42x3x512xf32>
    %reshape3A_15 = vector.shape_cast %dot_general3A_13 : vector<42x1536xf32> to vector<42x3x512xf32>
    %mul3A = arith.mulf %reshape3A_14, %reshape3A_15 : vector<42x3x512xf32>
    %reduce_sum3A = arith.constant dense<0.000000e+00> : vector<42x512xf32>
    %reduce_sum3A_16 = vector.multi_reduction <add>, %mul3A, %reduce_sum3A [1] : vector<42x3x512xf32> to vector<42x512xf32>
    %broadcast_in_dim3A = vector.shape_cast %reduce_sum3A_16 : vector<42x512xf32> to vector<42x1x512xf32>
    %mul3A_17 = arith.mulf %reshape3A_15, %reshape3A_15 : vector<42x3x512xf32>
    %reduce_sum3A_18 = arith.constant dense<0.000000e+00> : vector<42x512xf32>
    %reduce_sum3A_19 = vector.multi_reduction <add>, %mul3A_17, %reduce_sum3A_18 [1] : vector<42x3x512xf32> to vector<42x512xf32>
    %broadcast_in_dim3A_20 = vector.shape_cast %reduce_sum3A_19 : vector<42x512xf32> to vector<42x1x512xf32>
    %lt3A = arith.constant 0.000000e+00 : f32
    %lt3A_21 = vector.broadcast %lt3A : f32 to vector<42x1x512xf32>
    %lt3A_22 = arith.cmpf olt, %broadcast_in_dim3A, %lt3A_21 : vector<42x1x512xf32>
    %add3A = arith.constant 9.99999997E-7 : f32
    %add3A_23 = vector.broadcast %add3A : f32 to vector<42x1x512xf32>
    %add3A_24 = arith.addf %broadcast_in_dim3A_20, %add3A_23 : vector<42x1x512xf32>
    %div3A = arith.divf %broadcast_in_dim3A, %add3A_24 : vector<42x1x512xf32>
    %jit3A = arith.constant 0.000000e+00 : f32
    %broadcast_in_dim3A_25 = vector.broadcast %jit3A : f32 to vector<42x1x512xf32>
    %select_n3A = arith.select %lt3A_22, %div3A, %broadcast_in_dim3A_25 : vector<42x1x512xi1>, vector<42x1x512xf32>
    %mul3A_26 = arith.constant 8.000000e-01 : f32
    %mul3A_27 = vector.broadcast %mul3A_26 : f32 to vector<42x1x512xf32>
    %mul3A_28 = arith.mulf %mul3A_27, %select_n3A : vector<42x1x512xf32>
    %mul3A_29 = vector.broadcast %mul3A_28 : vector<42x1x512xf32> to vector<42x3x512xf32>
    %mul3A_30 = arith.mulf %mul3A_29, %reshape3A_15 : vector<42x3x512xf32>
    %sub3A = arith.subf %reshape3A_14, %mul3A_30 : vector<42x3x512xf32>
    %swap3A = arith.constant 0 : index
    %swap3A_31 = arith.constant 0 : index
    %swap3A_32 = arith.constant 0 : index
    %swap3A_33 = arith.constant 0 : index
    %swap3A_34 = vector.load %arg5[%swap3A, %swap3A_31, %swap3A_32, %swap3A_33] : memref<1x42x3x512xf32, #tpu.memory_space<vmem>>, vector<1x42x3x512xf32>
    %swap3A_35 = vector.shape_cast %swap3A_34 : vector<1x42x3x512xf32> to vector<42x3x512xf32>
    %swap3A_36 = vector.shape_cast %sub3A : vector<42x3x512xf32> to vector<1x42x3x512xf32>
    tpu.vector_store %arg5[%swap3A, %swap3A_31, %swap3A_32, %swap3A_33], %swap3A_36 {strides = array<i32>} : memref<1x42x3x512xf32, #tpu.memory_space<vmem>>, vector<1x42x3x512xf32>,
    return
  }
  func.func @transform_0(%arg0: i32, %arg1: i32) -> (i32, i32) {
    %c0_i32 = arith.constant 0 : i32
    %c0_i32_0 = arith.constant 0 : i32
    %c0_i32_1 = arith.constant 0 : i32
    return %c0_i32, %c0_i32_0 : i32, i32
  }
  func.func @transform_1(%arg0: i32, %arg1: i32) -> (i32, i32) {
    %c0_i32 = arith.constant 0 : i32
    %c0_i32_0 = arith.constant 0 : i32
    %c0_i32_1 = arith.constant 0 : i32
    return %c0_i32, %c0_i32_0 : i32, i32
  }
  func.func @transform_2(%arg0: i32, %arg1: i32) -> (i32, i32, i32, i32) {
    %c0_i32 = arith.constant 0 : i32
    %c0_i32_0 = arith.constant 0 : i32
    %c0_i32_1 = arith.constant 0 : i32
    return %arg0, %c0_i32, %c0_i32_0, %arg1 : i32, i32, i32, i32
  }
  func.func @transform_3(%arg0: i32, %arg1: i32) -> (i32, i32, i32, i32) {
    %c0_i32 = arith.constant 0 : i32
    %c0_i32_0 = arith.constant 0 : i32
    %c0_i32_1 = arith.constant 0 : i32
    return %arg0, %c0_i32, %c0_i32_0, %arg1 : i32, i32, i32, i32
  }
}

</mosaic_0001>

<sc_bundles>
// kernel: gather_offload_async_start.1
scs
__scs_entry_jumppad:
0x0: {  	(pc) =	sbr.rel $0x88, $3  }
0x1: {  	(tag) =	ssettag $0x0;
	lr =	simm.s32 $0x1  }
0x2: {  	[smem:$0x3F9A] =	sst lr;
	_ =	strace $0xD0000000  }
0x3: {  	_ = 	snop  }
0x4: {  	_ = 	snop  }
0x5: {  	_ = 	snop  }
0x6: {  	_ = 	snop  }
0x7: {  	_ = 	snop  }
__scs_overlays_trampoline_lowered:
0x8: {  	[smem:$0x3FA9] =	sst s0  }
0x9: {  	[smem:$0x3FAA] =	sst s1  }
0xa: {  	[smem:$0x3FAB] =	sst s2  }
0xb: {  	[smem:$0x3FAC] =	sst s3  }
0xc: {  	[smem:$0x3FAD] =	sst s4  }
0xd: {  	[smem:$0x3FAE] =	sst s5  }
0xe: {  	[smem:$0x3FAF] =	sst s6  }
0xf: {  	[smem:$0x3FB0] =	sst s7  }
0x10: {  	[smem:$0x3FB1] =	sst s8  }
0x11: {  	[smem:$0x3FB2] =	sst s9;
	s0 =	simm.s32 @!p0 $0x0  }
0x12: {  	s1 =	sld [smem:$0x3F98];
	s0 =	simm.s32 @p0 $0x1  }
0x13: {  	[smem:$0x3FB3] =	sst s0;
	s0 =	simm.s32 @!p1 $0x0  }
0x14: {  	s2 =	sld [smem:$0x3F97];
	s0 =	simm.s32 @p1 $0x1  }
0x15: {  	[smem:$0x3FB4] =	sst s0;
	s0 =	simm.s32 @!p2 $0x0  }
0x16: {  	s3 =	sld [smem:$0x3FDB];
	s0 =	simm.s32 @p2 $0x1  }
0x17: {  	s4 =	simm.s32 $0x1BF5;
	[smem:$0x3FB6] =	sst s0  }
0x18: {  	s0 =	sld [smem:$0x3F99];
	_ =	swait.ge [sflag:s4], $0x0  }
0x19: {  	s7 =	sld [smem:$0x3F9A]  }
0x1a: {  	s8 =	sadd.s32 $0xFFFFE003, lr  }
0x1b: {  	s9 =	sadd.s32 $0xFFFFFEF7, lr;
	s5 =	simm.s32 $0xFFFFFFFF;
	p2 =	slt.u32 s8, $0xFFFFF086  }
0x1c: {  	p1 =	slt.u32 s9, $0xF7A;
	s5 =	simm.s32 @!p2 $0x0  }
0x1d: {  	s5 =	simm.s32 @p1 $0x1;
	p0 =	seq.s32 s7, s2  }
0x1e: {  	s7 =	smul.u32 @!p0 $0xF7A, s2;
	p2 =	seq.s32 @!p0 s5, $0x0  }
0x1f: {  	s9 =	smul.u32 $0xF7A, s1;
	s8 =	simm.s32 @!p0 $0x1BF5;
	p2 =	por !p2, p0  }
0x20: {  	[sflag:s8] =	ssyncset.s32 @!p0 $0xFFFFF086;
	s6 =	sadd.s32 @!p0 s3, s7;
	s7 =	simm.s32 @!p0 $0x108  }
0x21: {  	s3 =	sadd.s32 s3, s9;
	s6 =	sadd.s32 @!p0 $0x88, s6;
	s7 =	simm.s32 @p2 $0x1082  }
0x22: {  	[simem:s7], [sflag:s8] =	dma.local @!p0 [hbm:s6], $0xF7A  }
0x23: {  	s9 =	sor.u32 $0xD0000000, s2;
	s6 =	simm.s32 $0x108;
	_ =	swait.ge @!p0 [sflag:s8], $0x0  }
0x24: {  	s3 =	sadd.s32 $0x88, s3;
	s6 =	simm.s32 @!p1 $0x1082;
	[sflag:s4] =	ssyncset.s32 $0xFFFFF086  }
0x25: {  	[simem:s6], [sflag:s4] =	dma.local [hbm:s3], $0xF7A  }
0x26: {  	[smem:$0x3F9A] =	sst s1;
	(tag) =	ssettag s2;
	_ =	strace s9  }
0x27: {  	s1 =	sld [smem:$0x3FAA]  }
0x28: {  	s2 =	sld [smem:$0x3FAB]  }
0x29: {  	s4 =	sld [smem:$0x3FAD]  }
0x2a: {  	p0 =	seq.s32 s5, $0x0;
	s5 =	sld [smem:$0x3FAE]  }
0x2b: {  	s6 =	sld [smem:$0x3FAF]  }
0x2c: {  	s7 =	sld [smem:$0x3FB0]  }
0x2d: {  	s3 =	simm.s32 $0x108;
	s8 =	sld [smem:$0x3FB1]  }
0x2e: {  	s3 =	simm.s32 @!p0 $0x1082;
	s9 =	sld [smem:$0x3FB2]  }
0x2f: {  	lr =	sadd.s32 s0, s3;
	s0 =	sld [smem:$0x3FA9]  }
0x30: {  	s3 =	sld [smem:$0x3FAC]  }
0x31: {  	[smem:$0x3FB5] =	sst s10  }
0x32: {  	s10 =	sld [smem:$0x3FB3];
	_ =	sdelay $0x3  }
0x33: {  	p0 =	seq.s32 s10, $0x1;
	s10 =	sld [smem:$0x3FB5];
	_ =	sdelay $0x3  }
0x34: {  	[smem:$0x3FB5] =	sst s10  }
0x35: {  	s10 =	sld [smem:$0x3FB4];
	_ =	sdelay $0x3  }
0x36: {  	p1 =	seq.s32 s10, $0x1;
	s10 =	sld [smem:$0x3FB5];
	_ =	sdelay $0x3  }
0x37: {  	[smem:$0x3FB5] =	sst s10  }
0x38: {  	s10 =	sld [smem:$0x3FB6]  }
0x39: {  	_ = 	snop;
	(pc) =	sbr.ind lr, $3  }
0x3a: {  	_ = 	snop  }
0x3b: {  	_ = 	snop  }
0x3c: {  	p2 =	seq.s32 s10, $0x1;
	s10 =	sld [smem:$0x3FB5]  }
0x3d: {  	_ =	shalt  }
0x3e: {  	_ =	shalt  }
0x3f: {  	_ =	shalt  }
0x40: {  	_ =	shalt  }
0x41: {  	_ =	shalt  }
0x42: {  	_ =	shalt  }
0x43: {  	_ =	shalt  }
0x44: {  	_ =	shalt  }
0x45: {  	_ =	shalt  }
0x46: {  	_ =	shalt  }
0x47: {  	_ =	shalt  }
0x48: {  	_ =	shalt  }
0x49: {  	_ =	shalt  }
0x4a: {  	_ =	shalt  }
0x4b: {  	_ =	shalt  }
0x4c: {  	_ =	shalt  }
0x4d: {  	_ =	shalt  }
0x4e: {  	_ =	shalt  }
0x4f: {  	_ =	shalt  }
0x50: {  	_ =	shalt  }
0x51: {  	_ =	shalt  }
0x52: {  	_ =	shalt  }
0x53: {  	_ =	shalt  }
0x54: {  	_ =	shalt  }
0x55: {  	_ =	shalt  }
0x56: {  	_ =	shalt  }
0x57: {  	_ =	shalt  }
0x58: {  	_ =	shalt  }
0x59: {  	_ =	shalt  }
0x5a: {  	_ =	shalt  }
0x5b: {  	_ =	shalt  }
0x5c: {  	_ =	shalt  }
0x5d: {  	_ =	shalt  }
0x5e: {  	_ =	shalt  }
0x5f: {  	_ =	shalt  }
0x60: {  	_ =	shalt  }
0x61: {  	_ =	shalt  }
0x62: {  	_ =	shalt  }
0x63: {  	_ =	shalt  }
0x64: {  	_ =	shalt  }
0x65: {  	_ =	shalt  }
0x66: {  	_ =	shalt  }
0x67: {  	_ =	shalt  }
0x68: {  	_ =	shalt  }
0x69: {  	_ =	shalt  }
0x6a: {  	_ =	shalt  }
0x6b: {  	_ =	shalt  }
0x6c: {  	_ =	shalt  }
0x6d: {  	_ =	shalt  }
0x6e: {  	_ =	shalt  }
0x6f: {  	_ =	shalt  }
0x70: {  	_ =	shalt  }
0x71: {  	_ =	shalt  }
0x72: {  	_ =	shalt  }
0x73: {  	_ =	shalt  }
0x74: {  	_ =	shalt  }
0x75: {  	_ =	shalt  }
0x76: {  	_ =	shalt  }
0x77: {  	_ =	shalt  }
0x78: {  	_ =	shalt  }
0x79: {  	_ =	shalt  }
0x7a: {  	_ =	shalt  }
0x7b: {  	_ =	shalt  }
0x7c: {  	_ =	shalt  }
0x7d: {  	_ =	shalt  }
0x7e: {  	_ =	shalt  }
0x7f: {  	_ =	shalt  }
0x80: {  	_ =	shalt  }
0x81: {  	_ =	shalt  }
0x82: {  	_ =	shalt  }
0x83: {  	_ =	shalt  }
0x84: {  	_ =	shalt  }
0x85: {  	_ =	shalt  }
0x86: {  	_ =	shalt  }
0x87: {  	_ =	shalt  }
.Lfunc_end0:
.L_simem_size_0:
called_computation.3_lowered:
.L_overlay_start_0:
0x88: {  	s2 =	sld [smem:$0x3FD9]  }
0x89: {  	s3 =	sld [smem:$0x3FFE];
	_ =	sdelay $0x1  }
0x8a: {  	s1 =	srdreg.scid  }
0x8b: {  	s0 =	sand.u32 $0x1, s1  }
0x8c: {  	s17 =	sshll.u32 s0, $0xA;
	s2 =	sadd.s32 s3, s2  }
0x8d: {  	s2 =	sadd.s32 s2, s17  }
0x8e: {  	[smem:$0x3FC1] =	sst s2  }
0x8f: {  	_ = 	snop  }
0x90: {  	s2 =	sld [smem:$0x3FD0];
	(tm) =	ssettm $0x1  }
0x91: {  	s18 =	sld [smem:$0x3FFB];
	_ =	sdelay $0x3  }
0x92: {  	_ =	strace s18  }
0x93: {  	s3 =	sld [smem:$0x3FFC];
	_ =	sdelay $0x3  }
0x94: {  	_ =	strace s3  }
0x95: {  	s3 =	sld [smem:$0x3FFD];
	_ =	sdelay $0x3  }
0x96: {  	_ =	strace s3  }
0x97: {  	_ =	strace $0x8FFFFFFF  }
0x98: {  	s19 =	sld [smem:$0x3FDB];
	_ =	sdelay $0x1  }
0x99: {  	s4 =	simm.s32 $_scs_section_size  }
0x9a: {  	s5 =	simm.s32 $_size__tile_overlayer_lowered;
	s6 =	simm.s32 $_tile_overlayer_lowered  }
0x9b: {  	s22 =	simm.s32 $0x1BFF;
	s21 =	sshll.u32 s6, $0x1;
	s3 =	sadd.s32 s4, s19  }
0x9c: {  	s7 =	simm.s32 $0x0;
	s20 =	sshll.u32 s5, $0x1;
	s5 =	sadd.s32 s21, s3  }
0x9d: {  	[timem:s7], [sflag:s22] =	dma.local [hbm:s5], s20  }
0x9e: {  	_ =	swait.ge [sflag:s22], s20  }
0x9f: {  	s4 =	ssub.s32 $0x0, s20;
	[sflag:s22] =	ssyncset.done $0x0  }
0xa0: {  	[sflag:s22] =	ssyncadd.s32 s4;
	_ =	sdelay $0x1  }
0xa1: {  	s23 =	simm.s32 $0x1B8B  }
0xa2: {  	_ =	swait.ge [sflag:s23], $0x1  }
0xa3: {  	[sflag:s23] =	ssyncset.done $0x0  }
0xa4: {  	s25 =	simm.s32 $0x1B8E;
	s24 =	sld [smem:$0x3FFE];
	[sflag:s23] =	ssyncadd.s32 $0xFFFFFFFF  }
0xa5: {  	s26 =	simm.s32 $execute0_lowered;
	[smem:$0x3FD2] =	sst s25  }
0xa6: {  	s5 =	sshll.u32 s26, $0x1;
	_ =	strace $0x8000004C;
	[dreg:$0x1] =	wrdreg $0xFFFFFFFF  }
0xa7: {  	s28 =	simm.s32 $_size_execute0_lowered;
	s3 =	sadd.s32 s3, s5;
	[dreg:$0x0] =	wrdreg $0x0  }
0xa8: {  	s5 =	sshll.u32 s28, $0x1;
	[dreg:$0x2] =	wrdreg s3  }
0xa9: {  	[dreg:$0x3] =	wrdreg s5  }
0xaa: {  	[dreg:$0x4] =	wrdreg $0xC0  }
0xab: {  	_ =	task [dreg:s7], $0x5FFFF  }
0xac: {  	[dreg:$0x1] =	wrdreg $0xFFFFFFFF  }
0xad: {  	[dreg:$0x0] =	wrdreg $0x60  }
0xae: {  	[dreg:$0x2] =	wrdreg s24  }
0xaf: {  	[dreg:$0x3] =	wrdreg s2  }
0xb0: {  	[dreg:$0x4] =	wrdreg $0x9  }
0xb1: {  	_ =	task.clear_ibuf [dreg:s7], $0x5FFFF;
	_ =	strace $0x9000004C  }
0xb2: {  	s29 =	simm.s32 $0x9;
	_ =	strace $0x8000004E  }
0xb3: {  	_ =	swait.ge [sflag:s29], $0x1  }
0xb4: {  	[sflag:s29] =	ssyncadd.s32 $0xFFFFFFFF  }
0xb5: {  	_ =	strace $0x9000004E  }
0xb6: {  	_ =	sfence  }
0xb7: {  	s30 =	sld [smem:$0x0];
	_ =	sdelay $0x2  }
0xb8: {  	s31 =	sshll.u32 s1, $0xD;
	s1 =	sshrl.u32 s1, $0x2  }
0xb9: {  	s3 =	sand.u32 $0x4000, s31;
	s1 =	sadd.s32 s1, s30  }
0xba: {  	s0 =	sor.u32 s3, s0;
	s1 =	sshll.u32 s1, $0x11  }
0xbb: {  	s0 =	sor.u32 s1, s0  }
0xbc: {  	s0 =	sadd.s32 $0x8F2B, s0  }
0xbd: {  	[sflag:s0] =	ssyncadd.remote.s32 $0x1  }
0xbe: {  	_ =	sfence.sel $0xFFFF  }
0xbf: {  	[dreg:$0x0] =	wrdreg $0xFFFFFFFF;
	(pc) =	sbr.abs _section_cstart, $3  }
0xc0: {  	[dreg:$0x1] =	wrdreg $0xFFFFFFFF  }
0xc1: {  	_ =	task.clear_ibuf [dreg:s7], $0x2FFFF;
	_ =	strace $0x9FFFFFFF  }
0xc2: {  	(tm) =	ssettm $0x7FFFFFFF  }
0xc3: {  	_ =	shalt  }
tec
execute0_lowered:
.L_overlay_start_1:
0x0: {  	(tag) =	ssettag $0x1  }
0x1: {  	s1 =	srdreg.scid;
	s5 =	rddreg [dreg:$0x0]  }
0x2: {  	s0 =	stileid.u32;
	s2 =	rddreg [dreg:$0x1];
	s6 =	simm.s32 $0x1  }
0x3: {  	s9 =	simm.s32 $0x1;
	s10 =	simm.s32 $0x3;
	s1 =	sshll.u32 s1, $0xD  }
0x4: {  	s13 =	simm.s32 $0x0;
	s3 =	sshll.u32 s0, $0xE;
	s4 =	sand.u32 $0x2000, s1  }
0x5: {  	s12 =	simm.s32 $0x0;
	s1 =	rddreg [dreg:$0x2];
	s3 =	sor.u32 s3, s4  }
0x6: {  	_ =	strace $0x8000004D;
	s4 =	sadd.s32 $0xE6400, s5;
	s8 =	ssub.s32 $0x50000, s3  }
.Ltmp0:
0x7: {  	s5 =	sadd.s32 $0x6000, s5;
	s7 =	sand.u32 $0x3E000, s8;
	(pc) =	sbr.rel .LBB2_1-.Ltmp0, $4  }
0x8: {  	[sflag:s6] =	ssyncpa.u1 $0x0;
	s11 =	smov.u32 s3;
	p0 =	sne.s32 s7, $0x0  }
0x9: {  	s8 =	sshrl.u32 s8, $0x12;
	s7 =	simm.s32 $0x2;
	s9 =	simm.s32 @!p0 $0x0  }
0xa: {  	[sflag:s7] =	ssyncpa.u1 $0x0;
	p0 =	por $0x0, $0x0;
	s8 =	sadd.s32 s9, s8  }
0xb: {  	vm0 =	vmmov $0xffff;
	[sflag:s10] =	ssyncpa.u1 $0x0;
	s10 =	simm.s32 $0x0;
	s9 =	sadd.s32 $0x1, s8  }
.LBB2_4:
0xc: {  	v5 =	vand.u32 $0x7F, v4;
	v3 =	vsel vm1, $0xFFF60000, v3;
	v6 =	vshll.u32 v2, $0xB  }
0xd: {  	vm1 =	vmmov vm2;
	v57 =	vshll.u32 v4, $0x3;
	v58 =	vshll.u32 v2, $0x7  }
0xe: {  	v59 =	vand.u32 $0x7, v1;
	v60 =	vshrl.u32 v1, $0x3;
	v61 =	vshrl.u32 v1, $0xE  }
0xf: {  	v6 =	vand.u32 $0xFFFFC000, v6;
	v3 =	vor.u32 v3, v5;
	v4 =	vand.u32 $0xFFFFFC00, v57  }
0x10: {  	v2 =	vand.u32 $0x380, v58;
	v5 =	vmul.u32 $0xA0000, v59;
	v3 =	vadd.s32 v6, v3  }
0x11: {  	v1 =	vand.u32 $0x1FF, v61;
	v3 =	vadd.s32 v4, v3;
	v4 =	vand.u32 $0x7FF, v60  }
0x12: {  	v1 =	vsel vm1, $0xFFFFFFFF, v1;
	v5 =	vsel vm1, $0xFFF60000, v5;
	v62 =	vsel vm1, $0xFFFFFFFF, v4  }
0x13: {  	v63 =	vshll.u32 v1, $0xB;
	v2 =	vor.u32 v2, v3;
	v4 =	vand.u32 $0x7F, v62  }
0x14: {  	v6 =	vand.u32 $0xFFFFC000, v63;
	v3 =	vshll.u32 v62, $0x3;
	v4 =	vor.u32 v5, v4  }
0x15: {  	v1 =	vshll.u32 v1, $0x7;
	v3 =	vand.u32 $0xFFFFFC00, v3;
	v4 =	vadd.s32 v6, v4  }
0x16: {  	v1 =	vand.u32 $0x380, v1;
	v3 =	vadd.s32 v3, v4  }
0x17: {  	(ifvalue) =	ssetifvalue $0x7FFFFFFF;
	s15 =	sadd.s32 $0x10, s15;
	v1 =	vor.u32 v1, v3  }
0x18: {  	[tilespmem:s15], [sflag:$0x1] =	stream.indirect_vreg.gather [hbm4b:s4+s10], $0x1, v0, vm0, $0x4038;
	[tilespmem:$0x8000] =	vst v63  }
0x19: {  	(ifvalue) =	ssetifvalue $0x7FFFFFFF;
	s15 =	sadd.s32 $0x10, s15  }
0x1a: {  	[tilespmem:s15], [sflag:$0x1] =	stream.indirect_vreg.gather [hbm4b:s4+s10], $0x1, v2, vm0, $0x4038;
	[tilespmem:$0x8000] =	vst v63  }
0x1b: {  	(ifvalue) =	ssetifvalue $0x7FFFFFFF;
	s15 =	sadd.s32 $0x10, s15  }
0x1c: {  	[tilespmem:s15], [sflag:$0x1] =	stream.indirect_vreg.gather [hbm4b:s4+s10], $0x1, v1, vm0, $0x4038;
	[tilespmem:$0x8000] =	vst v63  }
0x1d: {  	_ =	swait.ge [sflag:s6], $0x2000  }
0x1e: {  	s30 =	sshrl.u32 s13, $0x3;
	[sflag:s6] =	ssyncset.done $0x0  }
0x1f: {  	s31 =	sand.u32 $0x7, s13;
	s15 =	sadd.s32 s5, s30;
	[sflag:s6] =	ssyncadd.s32 $0xFFFFE000  }
0x20: {  	[hbm4b:s15+s31] =	stream.linear.scatter [tilespmem:s14], [sflag:$0x3], $0x2000, $0x38;
	[tilespmem:$0x8000] =	vst v63  }
.LBB2_5:
0x21: {  	s15 =	sadd.s32 $0x40000, s11  }
0x22: {  	p2 =	sgt.s32 s15, $0x4FFFF  }
0x23: {  	s15 =	smov.u32 @p2 s3;
	p2 =	sne.s32 s12, s9  }
.Ltmp1:
0x24: {  	p1 =	slt.u32 s12, $0x2;
	(pc) =	sbr.rel @!p2 .LBB2_6-.Ltmp1, $4  }
0x25: {  	s14 =	simm.s32 @!p1 $0x3  }
0x26: {  	s16 =	sadd.s32 $0x1, s12;
	_ =	swait.ge @!p1 [sflag:s14], $0x2000  }
0x27: {  	s13 =	smov.u32 s11;
	p0 =	por !p0, !p0;
	[sflag:s14] =	ssyncset.done @!p1 $0x0  }
0x28: {  	s12 =	smov.u32 s16;
	s11 =	smov.u32 s15;
	[sflag:s14] =	ssyncadd.s32 @!p1 $0xFFFFE000  }
.LBB2_1:
0x29: {  	p1 =	sge.u32 s12, s8  }
0x2a: {  	s14 =	sxor.u32 @!p1 $0xFFFFFFFF, s12  }
0x2b: {  	s31 =	sadd.s32 $0xFFFFFFFF, s12;
	s15 =	sshrl.u32 @!p1 s11, $0x3;
	s14 =	sshll.u32 @!p1 s14, $0xD  }
0x2c: {  	s16 =	sand.u32 @!p1 $0x7, s11;
	s15 =	sadd.s32 @!p1 s2, s15;
	s14 =	sand.u32 @!p1 $0x2000, s14  }
0x2d: {  	[tilespmem:s14], [sflag:$0x2] =	stream.linear.gather @!p1 [hbm4b:s15+s16], $0x2000, $0x38;
	[tilespmem:$0x8000] =	vst v63  }
0x2e: {  	p1 =	sge.u32 s31, s8  }
.Ltmp2:
0x2f: {  	_ = 	snop;
	(pc) =	sbr.rel @p1 .LBB2_5-.Ltmp2, $1  }
0x30: {  	_ =	sdelay $0x3  }
0x31: {  	s14 =	simm.s32 $0x1  }
0x32: {  	_ =	swait.ge [sflag:s7], $0x2000;
	s14 =	simm.s32 @!p0 $0x0  }
0x33: {  	[sflag:s7] =	ssyncset.done $0x0;
	s14 =	sshll.u32 s14, $0xD  }
0x34: {  	[sflag:s7] =	ssyncadd.s32 $0xFFFFE000;
	(ifvalue) =	ssetifvalue $0x7FFFFFFF;
	v0 =	vld.msk [tilespmem:s14+$0x0 ss:$0x1], $0xffff;
	_ =	sdelay $0x1  }
0x35: {  	s15 =	sadd.s32 $0x10, s14  }
0x36: {  	v1 =	vld.msk [tilespmem:s15+$0x0 ss:$0x1], $0xffff;
	_ =	sdelay $0x1  }
0x37: {  	vm1 =	veq.s32 v0, $0x80000000  }
0x38: {  	v2 =	vand.u32 $0x7, v0;
	v3 =	vshrl.u32 v0, $0x3;
	v0 =	vshrl.u32 v0, $0xE  }
0x39: {  	vm1 =	vmmov vm1;
	v3 =	vand.u32 $0x7FF, v3;
	v2 =	vmul.u32 $0xA0000, v2  }
0x3a: {  	v0 =	vand.u32 $0x1FF, v0;
	vm2 =	veq.s32 v1, $0x80000000;
	v3 =	vsel vm1, $0xFFFFFFFF, v3  }
0x3b: {  	v0 =	vsel vm1, $0xFFFFFFFF, v0;
	v4 =	vand.u32 $0x7F, v3;
	v2 =	vsel vm1, $0xFFF60000, v2  }
0x3c: {  	s15 =	sadd.s32 $0x10, s15;
	v5 =	vshll.u32 v0, $0xB;
	vm1 =	vmmov vm2;
	v3 =	vshll.u32 v3, $0x3  }
0x3d: {  	v6 =	vld.msk [tilespmem:s15+$0x0 ss:$0x1], $0xffff;
	v0 =	vshll.u32 v0, $0x7;
	v5 =	vand.u32 $0xFFFFC000, v5;
	v2 =	vor.u32 v2, v4  }
0x3e: {  	v3 =	vand.u32 $0xFFFFFC00, v3;
	v4 =	vand.u32 $0x7, v1;
	v2 =	vadd.s32 v5, v2  }
0x3f: {  	v0 =	vand.u32 $0x380, v0;
	v2 =	vadd.s32 v3, v2;
	v3 =	vshrl.u32 v1, $0x3  }
0x40: {  	v1 =	vshrl.u32 v1, $0xE;
	v0 =	vor.u32 v0, v2;
	v2 =	vand.u32 $0x7FF, v3  }
0x41: {  	v1 =	vand.u32 $0x1FF, v1;
	v3 =	vmul.u32 $0xA0000, v4;
	v2 =	vsel vm1, $0xFFFFFFFF, v2  }
0x42: {  	vm2 =	veq.s32 v6, $0x80000000;
	v4 =	vsel vm1, $0xFFFFFFFF, v1;
	v5 =	vand.u32 $0x7F, v2  }
0x43: {  	s17 =	sadd.s32 $0x10, s15;
	v3 =	vsel vm1, $0xFFF60000, v3;
	v7 =	vshll.u32 v4, $0xB;
	vm1 =	vmmov vm2  }
0x44: {  	v1 =	vld.msk [tilespmem:s17+$0x0 ss:$0x1], $0xffff;
	v2 =	vshll.u32 v2, $0x3;
	v7 =	vand.u32 $0xFFFFC000, v7;
	v3 =	vor.u32 v3, v5  }
0x45: {  	v4 =	vshll.u32 v4, $0x7;
	v2 =	vand.u32 $0xFFFFFC00, v2;
	v3 =	vadd.s32 v7, v3  }
0x46: {  	s31 =	sshll.u32 s12, $0xD;
	s15 =	sor.u32 $0x4000, s14;
	(ifvalue) =	ssetifvalue $0x7FFFFFFF;
	v5 =	vand.u32 $0x7, v6;
	v4 =	vand.u32 $0x380, v4;
	v2 =	vadd.s32 v2, v3  }
0x47: {  	[tilespmem:s15], [sflag:$0x1] =	stream.indirect_vreg.gather [hbm4b:s4+s10], $0x1, v0, vm0, $0x4038;
	v3 =	vshrl.u32 v6, $0x3;
	v6 =	vshrl.u32 v6, $0xE;
	v0 =	vor.u32 v4, v2;
	[tilespmem:$0x8000] =	vst v63  }
0x48: {  	s14 =	sand.u32 $0x2000, s31;
	v2 =	vand.u32 $0x7FF, v3;
	v6 =	vand.u32 $0x1FF, v6;
	v3 =	vmul.u32 $0xA0000, v5  }
0x49: {  	s16 =	simm.s32 $0x30;
	s14 =	sor.u32 $0x4000, s14;
	s17 =	sadd.s32 $0x10, s17;
	vm2 =	veq.s32 v1, $0x80000000;
	v4 =	vsel vm1, $0xFFFFFFFF, v2;
	v2 =	vsel vm1, $0xFFFFFFFF, v6  }
.LBB2_3:
0x4a: {  	v6 =	vand.u32 $0x7F, v4  }
0x4b: {  	v5 =	vld.msk [tilespmem:s17+$0x0 ss:$0x1], $0xffff;
	v3 =	vsel vm1, $0xFFF60000, v3;
	v7 =	vshll.u32 v2, $0xB;
	vm1 =	vmmov vm2;
	s16 =	sadd.s32 $0x10, s16  }
0x4c: {  	v4 =	vshll.u32 v4, $0x3;
	s15 =	sadd.s32 $0x10, s15;
	v7 =	vand.u32 $0xFFFFC000, v7;
	v3 =	vor.u32 v3, v6;
	(ifvalue) =	ssetifvalue $0x7FFFFFFF;
	p1 =	slt.u32 s16, $0x1FF0  }
0x4d: {  	[tilespmem:s15], [sflag:$0x1] =	stream.indirect_vreg.gather [hbm4b:s4+s10], $0x1, v0, vm0, $0x4038;
	[tilespmem:$0x8000] =	vst v63  }
.Ltmp3:
0x4e: {  	v2 =	vshll.u32 v2, $0x7;
	v4 =	vand.u32 $0xFFFFFC00, v4;
	v3 =	vadd.s32 v7, v3;
	(pc) =	sbr.rel @p1 .LBB2_3-.Ltmp3, $4  }
0x4f: {  	v6 =	vand.u32 $0x7, v1;
	v0 =	vand.u32 $0x380, v2;
	v2 =	vadd.s32 v4, v3  }
0x50: {  	v8 =	vshrl.u32 v1, $0xE;
	v3 =	vshrl.u32 v1, $0x3;
	v0 =	vor.u32 v0, v2  }
0x51: {  	v7 =	vand.u32 $0x1FF, v8;
	v2 =	vand.u32 $0x7FF, v3;
	v3 =	vmul.u32 $0xA0000, v6  }
0x52: {  	s17 =	sadd.s32 $0x10, s17;
	vm2 =	veq.s32 v5, $0x80000000;
	v4 =	vsel vm1, $0xFFFFFFFF, v2;
	v2 =	vsel vm1, $0xFFFFFFFF, v7;
	v1 =	vmovc v5  }
.Ltmp4:
0x53: {  	_ = 	snop;
	(pc) =	sbr.rel .LBB2_4-.Ltmp4, $1  }
0x54: {  	_ =	sdelay $0x3  }
.LBB2_6:
0x55: {  	_ =	sfence.sel $0x180000  }
0x56: {  	s2 =	simm.s32 $0x2;
	[bflag:$0x0] =	sbarrier.arrive $0xFFFF  }
0x57: {  	s30 =	simm.s32 $0x3;
	[sflag:s2] =	ssyncpa.u1 $0x1  }
0x58: {  	s31 =	simm.s32 $0x1;
	[sflag:s30] =	ssyncpa.u1 $0x1  }
0x59: {  	[sflag:s31] =	ssyncpa.u1 $0x1  }
0x5a: {  	p0 =	sne.s32 s0, $0x0;
	_ =	strace $0x9000004D  }
0x5b: {  	s0 =	sadd.s32 @!p0 $0x100000, s1;
	[bflag:$0x2] =	sbarrier.arrive $0xFFFF  }
0x5c: {  	[sflag:s0] =	ssyncadd.tile.s32 @!p0 $0x1;
	_ =	shalt  }
.Lfunc_end2:
_tile_overlayer_lowered:
.L_overlay_start_2:
0x5d: {  	(tag) =	ssettag $0x2  }
0x5e: {  	s0 =	rddreg [dreg:$0x0];
	s2 =	stileid.u32  }
0x5f: {  	s1 =	rddreg [dreg:$0x1];
	p0 =	sne.s32 s2, $0x0  }
0x60: {  	s3 =	rddreg [dreg:$0x2];
	[bflag:$0x3] =	sbarrier.arrive $0xFFFF;
	s2 =	simm.s32 @!p0 $0x1C01  }
0x61: {  	[timem:s3], [sflag:s2] =	dma.local @!p0 [hbm:s0], s1  }
0x62: {  	s0 =	simm.s32 @!p0 $0x1  }
0x63: {  	_ =	swait.ge @!p0 [sflag:s0], s1  }
0x64: {  	s1 =	ssub.s32 @!p0 $0x0, s1;
	[sflag:s0] =	ssyncset.done @!p0 $0x0  }
0x65: {  	[sflag:s0] =	ssyncadd.s32 @!p0 s1  }
0x66: {  	[bflag:$0x3] =	sbarrier.arrive $0xFFFF  }
0x67: {  	_ =	shalt  }

// kernel: gather_offload_async_start.2
scs
__scs_entry_jumppad:
0x0: {  	(pc) =	sbr.rel $0x88, $3  }
0x1: {  	(tag) =	ssettag $0x0;
	lr =	simm.s32 $0x1  }
0x2: {  	[smem:$0x3F9A] =	sst lr;
	_ =	strace $0xD0000000  }
0x3: {  	_ = 	snop  }
0x4: {  	_ = 	snop  }
0x5: {  	_ = 	snop  }
0x6: {  	_ = 	snop  }
0x7: {  	_ = 	snop  }
__scs_overlays_trampoline_lowered:
0x8: {  	[smem:$0x3FA9] =	sst s0  }
0x9: {  	[smem:$0x3FAA] =	sst s1  }
0xa: {  	[smem:$0x3FAB] =	sst s2  }
0xb: {  	[smem:$0x3FAC] =	sst s3  }
0xc: {  	[smem:$0x3FAD] =	sst s4  }
0xd: {  	[smem:$0x3FAE] =	sst s5  }
0xe: {  	[smem:$0x3FAF] =	sst s6  }
0xf: {  	[smem:$0x3FB0] =	sst s7  }
0x10: {  	[smem:$0x3FB1] =	sst s8  }
0x11: {  	[smem:$0x3FB2] =	sst s9;
	s0 =	simm.s32 @!p0 $0x0  }
0x12: {  	s1 =	sld [smem:$0x3F98];
	s0 =	simm.s32 @p0 $0x1  }
0x13: {  	[smem:$0x3FB3] =	sst s0;
	s0 =	simm.s32 @!p1 $0x0  }
0x14: {  	s2 =	sld [smem:$0x3F97];
	s0 =	simm.s32 @p1 $0x1  }
0x15: {  	[smem:$0x3FB4] =	sst s0;
	s0 =	simm.s32 @!p2 $0x0  }
0x16: {  	s3 =	sld [smem:$0x3FDB];
	s0 =	simm.s32 @p2 $0x1  }
0x17: {  	s4 =	simm.s32 $0x1BF5;
	[smem:$0x3FB6] =	sst s0  }
0x18: {  	s0 =	sld [smem:$0x3F99];
	_ =	swait.ge [sflag:s4], $0x0  }
0x19: {  	s7 =	sld [smem:$0x3F9A]  }
0x1a: {  	s8 =	sadd.s32 $0xFFFFE003, lr  }
0x1b: {  	s9 =	sadd.s32 $0xFFFFFEF7, lr;
	s5 =	simm.s32 $0xFFFFFFFF;
	p2 =	slt.u32 s8, $0xFFFFF086  }
0x1c: {  	p1 =	slt.u32 s9, $0xF7A;
	s5 =	simm.s32 @!p2 $0x0  }
0x1d: {  	s5 =	simm.s32 @p1 $0x1;
	p0 =	seq.s32 s7, s2  }
0x1e: {  	s7 =	smul.u32 @!p0 $0xF7A, s2;
	p2 =	seq.s32 @!p0 s5, $0x0  }
0x1f: {  	s9 =	smul.u32 $0xF7A, s1;
	s8 =	simm.s32 @!p0 $0x1BF5;
	p2 =	por !p2, p0  }
0x20: {  	[sflag:s8] =	ssyncset.s32 @!p0 $0xFFFFF086;
	s6 =	sadd.s32 @!p0 s3, s7;
	s7 =	simm.s32 @!p0 $0x108  }
0x21: {  	s3 =	sadd.s32 s3, s9;
	s6 =	sadd.s32 @!p0 $0x88, s6;
	s7 =	simm.s32 @p2 $0x1082  }
0x22: {  	[simem:s7], [sflag:s8] =	dma.local @!p0 [hbm:s6], $0xF7A  }
0x23: {  	s9 =	sor.u32 $0xD0000000, s2;
	s6 =	simm.s32 $0x108;
	_ =	swait.ge @!p0 [sflag:s8], $0x0  }
0x24: {  	s3 =	sadd.s32 $0x88, s3;
	s6 =	simm.s32 @!p1 $0x1082;
	[sflag:s4] =	ssyncset.s32 $0xFFFFF086  }
0x25: {  	[simem:s6], [sflag:s4] =	dma.local [hbm:s3], $0xF7A  }
0x26: {  	[smem:$0x3F9A] =	sst s1;
	(tag) =	ssettag s2;
	_ =	strace s9  }
0x27: {  	s1 =	sld [smem:$0x3FAA]  }
0x28: {  	s2 =	sld [smem:$0x3FAB]  }
0x29: {  	s4 =	sld [smem:$0x3FAD]  }
0x2a: {  	p0 =	seq.s32 s5, $0x0;
	s5 =	sld [smem:$0x3FAE]  }
0x2b: {  	s6 =	sld [smem:$0x3FAF]  }
0x2c: {  	s7 =	sld [smem:$0x3FB0]  }
0x2d: {  	s3 =	simm.s32 $0x108;
	s8 =	sld [smem:$0x3FB1]  }
0x2e: {  	s3 =	simm.s32 @!p0 $0x1082;
	s9 =	sld [smem:$0x3FB2]  }
0x2f: {  	lr =	sadd.s32 s0, s3;
	s0 =	sld [smem:$0x3FA9]  }
0x30: {  	s3 =	sld [smem:$0x3FAC]  }
0x31: {  	[smem:$0x3FB5] =	sst s10  }
0x32: {  	s10 =	sld [smem:$0x3FB3];
	_ =	sdelay $0x3  }
0x33: {  	p0 =	seq.s32 s10, $0x1;
	s10 =	sld [smem:$0x3FB5];
	_ =	sdelay $0x3  }
0x34: {  	[smem:$0x3FB5] =	sst s10  }
0x35: {  	s10 =	sld [smem:$0x3FB4];
	_ =	sdelay $0x3  }
0x36: {  	p1 =	seq.s32 s10, $0x1;
	s10 =	sld [smem:$0x3FB5];
	_ =	sdelay $0x3  }
0x37: {  	[smem:$0x3FB5] =	sst s10  }
0x38: {  	s10 =	sld [smem:$0x3FB6]  }
0x39: {  	_ = 	snop;
	(pc) =	sbr.ind lr, $3  }
0x3a: {  	_ = 	snop  }
0x3b: {  	_ = 	snop  }
0x3c: {  	p2 =	seq.s32 s10, $0x1;
	s10 =	sld [smem:$0x3FB5]  }
0x3d: {  	_ =	shalt  }
0x3e: {  	_ =	shalt  }
0x3f: {  	_ =	shalt  }
0x40: {  	_ =	shalt  }
0x41: {  	_ =	shalt  }
0x42: {  	_ =	shalt  }
0x43: {  	_ =	shalt  }
0x44: {  	_ =	shalt  }
0x45: {  	_ =	shalt  }
0x46: {  	_ =	shalt  }
0x47: {  	_ =	shalt  }
0x48: {  	_ =	shalt  }
0x49: {  	_ =	shalt  }
0x4a: {  	_ =	shalt  }
0x4b: {  	_ =	shalt  }
0x4c: {  	_ =	shalt  }
0x4d: {  	_ =	shalt  }
0x4e: {  	_ =	shalt  }
0x4f: {  	_ =	shalt  }
0x50: {  	_ =	shalt  }
0x51: {  	_ =	shalt  }
0x52: {  	_ =	shalt  }
0x53: {  	_ =	shalt  }
0x54: {  	_ =	shalt  }
0x55: {  	_ =	shalt  }
0x56: {  	_ =	shalt  }
0x57: {  	_ =	shalt  }
0x58: {  	_ =	shalt  }
0x59: {  	_ =	shalt  }
0x5a: {  	_ =	shalt  }
0x5b: {  	_ =	shalt  }
0x5c: {  	_ =	shalt  }
0x5d: {  	_ =	shalt  }
0x5e: {  	_ =	shalt  }
0x5f: {  	_ =	shalt  }
0x60: {  	_ =	shalt  }
0x61: {  	_ =	shalt  }
0x62: {  	_ =	shalt  }
0x63: {  	_ =	shalt  }
0x64: {  	_ =	shalt  }
0x65: {  	_ =	shalt  }
0x66: {  	_ =	shalt  }
0x67: {  	_ =	shalt  }
0x68: {  	_ =	shalt  }
0x69: {  	_ =	shalt  }
0x6a: {  	_ =	shalt  }
0x6b: {  	_ =	shalt  }
0x6c: {  	_ =	shalt  }
0x6d: {  	_ =	shalt  }
0x6e: {  	_ =	shalt  }
0x6f: {  	_ =	shalt  }
0x70: {  	_ =	shalt  }
0x71: {  	_ =	shalt  }
0x72: {  	_ =	shalt  }
0x73: {  	_ =	shalt  }
0x74: {  	_ =	shalt  }
0x75: {  	_ =	shalt  }
0x76: {  	_ =	shalt  }
0x77: {  	_ =	shalt  }
0x78: {  	_ =	shalt  }
0x79: {  	_ =	shalt  }
0x7a: {  	_ =	shalt  }
0x7b: {  	_ =	shalt  }
0x7c: {  	_ =	shalt  }
0x7d: {  	_ =	shalt  }
0x7e: {  	_ =	shalt  }
0x7f: {  	_ =	shalt  }
0x80: {  	_ =	shalt  }
0x81: {  	_ =	shalt  }
0x82: {  	_ =	shalt  }
0x83: {  	_ =	shalt  }
0x84: {  	_ =	shalt  }
0x85: {  	_ =	shalt  }
0x86: {  	_ =	shalt  }
0x87: {  	_ =	shalt  }
.Lfunc_end0:
.L_simem_size_0:
called_computation.4_lowered:
.L_overlay_start_0:
0x88: {  	s2 =	sld [smem:$0x3FD9]  }
0x89: {  	s3 =	sld [smem:$0x3FFE];
	_ =	sdelay $0x1  }
0x8a: {  	s1 =	srdreg.scid  }
0x8b: {  	s0 =	sand.u32 $0x1, s1  }
0x8c: {  	s17 =	sshll.u32 s0, $0xA;
	s2 =	sadd.s32 s3, s2  }
0x8d: {  	s2 =	sadd.s32 s2, s17  }
0x8e: {  	[smem:$0x3FC1] =	sst s2  }
0x8f: {  	_ = 	snop  }
0x90: {  	s2 =	sld [smem:$0x3FD0];
	(tm) =	ssettm $0x1  }
0x91: {  	s18 =	sld [smem:$0x3FFB];
	_ =	sdelay $0x3  }
0x92: {  	_ =	strace s18  }
0x93: {  	s3 =	sld [smem:$0x3FFC];
	_ =	sdelay $0x3  }
0x94: {  	_ =	strace s3  }
0x95: {  	s3 =	sld [smem:$0x3FFD];
	_ =	sdelay $0x3  }
0x96: {  	_ =	strace s3  }
0x97: {  	_ =	strace $0x8FFFFFFF  }
0x98: {  	s19 =	sld [smem:$0x3FDB];
	_ =	sdelay $0x1  }
0x99: {  	s4 =	simm.s32 $_scs_section_size  }
0x9a: {  	s5 =	simm.s32 $_size__tile_overlayer_lowered;
	s6 =	simm.s32 $_tile_overlayer_lowered  }
0x9b: {  	s22 =	simm.s32 $0x1BFF;
	s21 =	sshll.u32 s6, $0x1;
	s3 =	sadd.s32 s4, s19  }
0x9c: {  	s7 =	simm.s32 $0x0;
	s20 =	sshll.u32 s5, $0x1;
	s5 =	sadd.s32 s21, s3  }
0x9d: {  	[timem:s7], [sflag:s22] =	dma.local [hbm:s5], s20  }
0x9e: {  	_ =	swait.ge [sflag:s22], s20  }
0x9f: {  	s4 =	ssub.s32 $0x0, s20;
	[sflag:s22] =	ssyncset.done $0x0  }
0xa0: {  	[sflag:s22] =	ssyncadd.s32 s4;
	_ =	sdelay $0x1  }
0xa1: {  	s23 =	simm.s32 $0x1B8B  }
0xa2: {  	_ =	swait.ge [sflag:s23], $0x1  }
0xa3: {  	[sflag:s23] =	ssyncset.done $0x0  }
0xa4: {  	s25 =	simm.s32 $0x1B8E;
	s24 =	sld [smem:$0x3FFE];
	[sflag:s23] =	ssyncadd.s32 $0xFFFFFFFF  }
0xa5: {  	s26 =	simm.s32 $execute0_lowered;
	[smem:$0x3FD2] =	sst s25  }
0xa6: {  	s5 =	sshll.u32 s26, $0x1;
	_ =	strace $0x80000052;
	[dreg:$0x1] =	wrdreg $0xFFFFFFFF  }
0xa7: {  	s28 =	simm.s32 $_size_execute0_lowered;
	s3 =	sadd.s32 s3, s5;
	[dreg:$0x0] =	wrdreg $0x0  }
0xa8: {  	s5 =	sshll.u32 s28, $0x1;
	[dreg:$0x2] =	wrdreg s3  }
0xa9: {  	[dreg:$0x3] =	wrdreg s5  }
0xaa: {  	[dreg:$0x4] =	wrdreg $0xC0  }
0xab: {  	_ =	task [dreg:s7], $0x5FFFF  }
0xac: {  	[dreg:$0x1] =	wrdreg $0xFFFFFFFF  }
0xad: {  	[dreg:$0x0] =	wrdreg $0x60  }
0xae: {  	[dreg:$0x2] =	wrdreg s24  }
0xaf: {  	[dreg:$0x3] =	wrdreg s2  }
0xb0: {  	[dreg:$0x4] =	wrdreg $0x9  }
0xb1: {  	_ =	task.clear_ibuf [dreg:s7], $0x5FFFF;
	_ =	strace $0x90000052  }
0xb2: {  	s29 =	simm.s32 $0x9;
	_ =	strace $0x80000054  }
0xb3: {  	_ =	swait.ge [sflag:s29], $0x1  }
0xb4: {  	[sflag:s29] =	ssyncadd.s32 $0xFFFFFFFF  }
0xb5: {  	_ =	strace $0x90000054  }
0xb6: {  	_ =	sfence  }
0xb7: {  	s30 =	sld [smem:$0x0];
	_ =	sdelay $0x2  }
0xb8: {  	s31 =	sshll.u32 s1, $0xD;
	s1 =	sshrl.u32 s1, $0x2  }
0xb9: {  	s3 =	sand.u32 $0x4000, s31;
	s1 =	sadd.s32 s1, s30  }
0xba: {  	s0 =	sor.u32 s3, s0;
	s1 =	sshll.u32 s1, $0x11  }
0xbb: {  	s0 =	sor.u32 s1, s0  }
0xbc: {  	s0 =	sadd.s32 $0x8F2B, s0  }
0xbd: {  	[sflag:s0] =	ssyncadd.remote.s32 $0x1  }
0xbe: {  	_ =	sfence.sel $0xFFFF  }
0xbf: {  	[dreg:$0x0] =	wrdreg $0xFFFFFFFF;
	(pc) =	sbr.abs _section_cstart, $3  }
0xc0: {  	[dreg:$0x1] =	wrdreg $0xFFFFFFFF  }
0xc1: {  	_ =	task.clear_ibuf [dreg:s7], $0x2FFFF;
	_ =	strace $0x9FFFFFFF  }
0xc2: {  	(tm) =	ssettm $0x7FFFFFFF  }
0xc3: {  	_ =	shalt  }
tec
execute0_lowered:
.L_overlay_start_1:
0x0: {  	(tag) =	ssettag $0x1  }
0x1: {  	s0 =	stileid.u32;
	s1 =	srdreg.scid  }
0x2: {  	s1 =	sand.u32 $0x1, s1;
	s2 =	sshll.u32 s0, $0x1  }
0x3: {  	s1 =	sor.u32 s2, s1  }
0x4: {  	s2 =	smul.u32 $0xA00, s1;
	_ =	sdelay $0x1  }
0x5: {  	s7 =	ssub.s32 $0x50000, s2  }
0x6: {  	s3 =	rddreg [dreg:$0x0];
	s5 =	smulhi.u32 $0x66667, s7  }
0x7: {  	s4 =	rddreg [dreg:$0x1];
	s6 =	simm.s32 $0x2;
	s10 =	simm.s32 $0x3  }
0x8: {  	s11 =	simm.s32 $0x0;
	s14 =	simm.s32 $0x0;
	s8 =	sshrl.u32 s5, $0x3  }
0x9: {  	s13 =	simm.s32 $0x0;
	s1 =	rddreg [dreg:$0x2];
	s9 =	smul.u32 $0x14000, s8  }
.Ltmp0:
0xa: {  	_ =	strace $0x80000053;
	s5 =	simm.s32 $0x1;
	(pc) =	sbr.rel .LBB2_1-.Ltmp0, $4  }
0xb: {  	[sflag:s5] =	ssyncpa.u1 $0x0;
	p0 =	sne.s32 s7, s9;
	s9 =	simm.s32 $0x1  }
0xc: {  	s12 =	smov.u32 s2;
	[sflag:s6] =	ssyncpa.u1 $0x0;
	s9 =	simm.s32 @!p0 $0x0  }
0xd: {  	s7 =	sadd.s32 $0x846000, s3;
	[sflag:s10] =	ssyncpa.u1 $0x0;
	s8 =	sadd.s32 s9, s8  }
0xe: {  	vm0 =	vmmov $0xffff;
	v0 =	vlaneseq.u32;
	p0 =	por $0x0, $0x0;
	s9 =	sadd.s32 $0x50000, s3;
	s10 =	sadd.s32 $0x1, s8  }
.LBB2_4:
0xf: {  	_ =	sdelay $0x2  }
0x10: {  	(ifvalue) =	ssetifvalue $0x7FFFFFFF  }
0x11: {  	[tilespmem:s23], [sflag:$0x1] =	stream.indirect_vreg.gather [hbm4b:s7+s11], $0x1, v1, vm0, $0x4038;
	[tilespmem:$0x15400] =	vst v63  }
0x12: {  	s17 =	sshll.u32 s14, $0x3  }
0x13: {  	s30 =	sand.u32 $0x78, s14;
	s17 =	sand.u32 $0xFFFFFC00, s17  }
0x14: {  	_ =	swait.ge [sflag:s5], $0xA000;
	s14 =	sor.u32 s30, s17  }
0x15: {  	[sflag:s5] =	ssyncset.done $0x0;
	s14 =	sshrl.u32 s14, $0x3  }
0x16: {  	[sflag:s5] =	ssyncadd.s32 $0xFFFF6000;
	s31 =	sadd.s32 s3, s14  }
0x17: {  	[hbm:s31] =	stream.linear.scatter [tilespmem:s16], [sflag:$0x3], $0x5000, $0x38;
	[tilespmem:$0x15400] =	vst v63  }
0x18: {  	s15 =	sadd.s32 $0x6400, s15;
	s14 =	sadd.s32 s14, s9  }
0x19: {  	[hbm:s14] =	stream.linear.scatter [tilespmem:s15], [sflag:$0x3], $0x5000, $0x38;
	[tilespmem:$0x15400] =	vst v63  }
.LBB2_5:
0x1a: {  	s16 =	sadd.s32 $0x14000, s12  }
0x1b: {  	p2 =	sgt.s32 s16, $0x4FFFF  }
0x1c: {  	s16 =	smov.u32 @p2 s2;
	p2 =	sne.s32 s13, s10  }
.Ltmp1:
0x1d: {  	p1 =	slt.u32 s13, $0x2;
	(pc) =	sbr.rel @!p2 .LBB2_6-.Ltmp1, $4  }
0x1e: {  	s15 =	simm.s32 @!p1 $0x3  }
0x1f: {  	s17 =	sadd.s32 $0x1, s13;
	_ =	swait.ge @!p1 [sflag:s15], $0xA000  }
0x20: {  	s14 =	smov.u32 s12;
	p0 =	por !p0, !p0;
	[sflag:s15] =	ssyncset.done @!p1 $0x0  }
0x21: {  	s13 =	smov.u32 s17;
	s12 =	smov.u32 s16;
	[sflag:s15] =	ssyncadd.s32 @!p1 $0xFFFF6000  }
.LBB2_1:
0x22: {  	p1 =	sge.u32 s13, s8  }
0x23: {  	s15 =	sxor.u32 @!p1 $0xFFFFFFFF, s13  }
0x24: {  	s15 =	sand.u32 @!p1 $0x1, s15  }
0x25: {  	s15 =	smul.u32 @!p1 $0x2800, s15  }
0x26: {  	s31 =	sadd.s32 $0xFFFFFFFF, s13;
	s16 =	sshrl.u32 @!p1 s12, $0x3  }
0x27: {  	s17 =	sand.u32 @!p1 $0x7, s12;
	s16 =	sadd.s32 @!p1 s4, s16;
	s15 =	sshrl.u32 @!p1 s15, $0x2  }
0x28: {  	[tilespmem:s15], [sflag:$0x2] =	stream.linear.gather @!p1 [hbm4b:s16+s17], $0xA00, $0x38;
	[tilespmem:$0x15400] =	vst v63  }
0x29: {  	p1 =	sge.u32 s31, s8  }
.Ltmp2:
0x2a: {  	_ = 	snop;
	(pc) =	sbr.rel @p1 .LBB2_5-.Ltmp2, $1  }
0x2b: {  	_ =	sdelay $0x3  }
0x2c: {  	s15 =	simm.s32 $0x1  }
0x2d: {  	s15 =	simm.s32 @!p0 $0x0  }
0x2e: {  	_ =	swait.ge [sflag:s6], $0xA00;
	s15 =	smul.u32 $0x2800, s15  }
0x2f: {  	[sflag:s6] =	ssyncset.done $0x0  }
0x30: {  	[sflag:s6] =	ssyncadd.s32 $0xFFFFF600;
	s21 =	sshrl.u32 s15, $0x2  }
0x31: {  	v1 =	vld.msk [tilespmem:s21+$0x0 ss:$0x1], $0xffff;
	_ =	sdelay $0x3  }
0x32: {  	s19 =	ssub.s32 $0x50000, s14  }
0x33: {  	p1 =	slt.s32 s19, $0xA00;
	v2 =	vshrl.u32 v1, $0xE  }
0x34: {  	s19 =	simm.s32 @!p1 $0xA00;
	v3 =	vshll.u32 v1, $0x16;
	v4 =	vshll.u32 v1, $0x8;
	vm1 =	veq.s32 v1, $0x80000000  }
0x35: {  	p1 =	sgt.s32 s19, $0x0;
	s15 =	smov.u32 s19;
	v2 =	vand.u32 $0x7F, v2;
	v3 =	vand.u32 $0x1C00000, v3;
	v4 =	vand.u32 $0x3FF800, v4  }
0x36: {  	s15 =	simm.s32 @!p1 $0x0;
	v1 =	vor.u32 v4, v3;
	v2 =	vsel vm1, $0xFFFFFFFF, v2  }
0x37: {  	s15 =	smin.u32 s15, $0x10;
	v1 =	vsel vm1, $0xFFBFF800, v1;
	v3 =	vand.u32 $0xFFFFFC00, v2  }
0x38: {  	s16 =	sand.u32 $0x1, s13;
	v50 =	vmov s15;
	v2 =	vand.u32 $0x7F, v2;
	v1 =	vadd.s32 v3, v1  }
0x39: {  	s26 =	smul.u32 $0x28000, s16;
	vm1 =	vgt.u32 v50, v0;
	v1 =	vor.u32 v2, v1  }
0x3a: {  	v2 =	vnsel vm1, $0x7FFFFFFF, v1  }
0x3b: {  	s18 =	simm.s32 $0x0;
	s15 =	sshrl.u32 s26, $0x2  }
0x3c: {  	s17 =	simm.s32 $0x0;
	s18 =	sand.u32 $0x7C00, s18;
	s16 =	sor.u32 $0x1400, s15;
	v3 =	vor.u32 $0x80, v1  }
0x3d: {  	s20 =	sand.u32 $0x70, s17;
	(ifvalue) =	ssetifvalue $0x7FFFFFFF;
	s18 =	sadd.s32 s18, s16;
	v3 =	vnsel vm1, $0x7FFFFFFF, v3  }
0x3e: {  	(ifvalue) =	ssetifvalue $0x7FFFFFFF;
	s20 =	sadd.s32 s20, s18  }
0x3f: {  	v51 =	vor.u32 $0x100, v1;
	[tilespmem:s20], [sflag:$0x1] =	stream.indirect_vreg.gather [hbm4b:s7+s11], $0x1, v2, vm0, $0x4038;
	[tilespmem:$0x15400] =	vst v63  }
0x40: {  	v2 =	vnsel vm1, $0x7FFFFFFF, v51;
	(ifvalue) =	ssetifvalue $0x7FFFFFFF  }
0x41: {  	s18 =	sadd.s32 $0x80, s20;
	(ifvalue) =	ssetifvalue $0x7FFFFFFF  }
0x42: {  	v52 =	vor.u32 $0x180, v1;
	[tilespmem:s18], [sflag:$0x1] =	stream.indirect_vreg.gather [hbm4b:s7+s11], $0x1, v3, vm0, $0x4038;
	[tilespmem:$0x15400] =	vst v63  }
0x43: {  	v3 =	vnsel vm1, $0x7FFFFFFF, v52;
	(ifvalue) =	ssetifvalue $0x7FFFFFFF  }
0x44: {  	s28 =	sadd.s32 $0x100, s20;
	(ifvalue) =	ssetifvalue $0x7FFFFFFF  }
0x45: {  	v53 =	vor.u32 $0x200, v1;
	[tilespmem:s28], [sflag:$0x1] =	stream.indirect_vreg.gather [hbm4b:s7+s11], $0x1, v2, vm0, $0x4038;
	[tilespmem:$0x15400] =	vst v63  }
0x46: {  	v2 =	vnsel vm1, $0x7FFFFFFF, v53;
	(ifvalue) =	ssetifvalue $0x7FFFFFFF  }
0x47: {  	s29 =	sadd.s32 $0x180, s20;
	(ifvalue) =	ssetifvalue $0x7FFFFFFF  }
0x48: {  	v54 =	vor.u32 $0x280, v1;
	[tilespmem:s29], [sflag:$0x1] =	stream.indirect_vreg.gather [hbm4b:s7+s11], $0x1, v3, vm0, $0x4038;
	[tilespmem:$0x15400] =	vst v63  }
0x49: {  	v3 =	vnsel vm1, $0x7FFFFFFF, v54;
	(ifvalue) =	ssetifvalue $0x7FFFFFFF  }
0x4a: {  	s30 =	sadd.s32 $0x200, s20;
	(ifvalue) =	ssetifvalue $0x7FFFFFFF  }
0x4b: {  	v55 =	vor.u32 $0x300, v1;
	[tilespmem:s30], [sflag:$0x1] =	stream.indirect_vreg.gather [hbm4b:s7+s11], $0x1, v2, vm0, $0x4038;
	[tilespmem:$0x15400] =	vst v63  }
0x4c: {  	v2 =	vnsel vm1, $0x7FFFFFFF, v55;
	(ifvalue) =	ssetifvalue $0x7FFFFFFF  }
0x4d: {  	s22 =	sand.u32 $0x7, s17;
	s31 =	sadd.s32 $0x280, s20;
	(ifvalue) =	ssetifvalue $0x7FFFFFFF  }
0x4e: {  	v56 =	vor.u32 $0x380, v1;
	[tilespmem:s31], [sflag:$0x1] =	stream.indirect_vreg.gather [hbm4b:s7+s11], $0x1, v3, vm0, $0x4038;
	[tilespmem:$0x15400] =	vst v63  }
0x4f: {  	s22 =	sshll.u32 s22, $0x4;
	v3 =	vnsel vm1, $0x7FFFFFFF, v56;
	(ifvalue) =	ssetifvalue $0x7FFFFFFF  }
0x50: {  	s23 =	sadd.s32 $0x300, s20;
	s18 =	sadd.s32 $0x0, s22;
	(ifvalue) =	ssetifvalue $0x7FFFFFFF  }
0x51: {  	v57 =	vadd.s32 $0x400, v1;
	[tilespmem:s23], [sflag:$0x1] =	stream.indirect_vreg.gather [hbm4b:s7+s11], $0x1, v2, vm0, $0x4038;
	[tilespmem:$0x15400] =	vst v63  }
0x52: {  	s18 =	sor.u32 $0x380, s18;
	v2 =	vnsel vm1, $0x7FFFFFFF, v57;
	(ifvalue) =	ssetifvalue $0x7FFFFFFF  }
0x53: {  	s18 =	sadd.s32 s18, s16;
	(ifvalue) =	ssetifvalue $0x7FFFFFFF  }
0x54: {  	v58 =	vadd.s32 $0x480, v1;
	[tilespmem:s18], [sflag:$0x1] =	stream.indirect_vreg.gather [hbm4b:s7+s11], $0x1, v3, vm0, $0x4038;
	[tilespmem:$0x15400] =	vst v63  }
0x55: {  	v3 =	vnsel vm1, $0x7FFFFFFF, v58;
	(ifvalue) =	ssetifvalue $0x7FFFFFFF  }
0x56: {  	s24 =	sadd.s32 $0x5000, s20;
	(ifvalue) =	ssetifvalue $0x7FFFFFFF  }
0x57: {  	v59 =	vadd.s32 $0x500, v1;
	[tilespmem:s24], [sflag:$0x1] =	stream.indirect_vreg.gather [hbm4b:s7+s11], $0x1, v2, vm0, $0x4038;
	[tilespmem:$0x15400] =	vst v63  }
0x58: {  	v2 =	vnsel vm1, $0x7FFFFFFF, v59;
	(ifvalue) =	ssetifvalue $0x7FFFFFFF  }
0x59: {  	s25 =	sadd.s32 $0x5080, s20;
	(ifvalue) =	ssetifvalue $0x7FFFFFFF  }
0x5a: {  	v60 =	vadd.s32 $0x580, v1;
	[tilespmem:s25], [sflag:$0x1] =	stream.indirect_vreg.gather [hbm4b:s7+s11], $0x1, v3, vm0, $0x4038;
	[tilespmem:$0x15400] =	vst v63  }
0x5b: {  	v3 =	vnsel vm1, $0x7FFFFFFF, v60;
	(ifvalue) =	ssetifvalue $0x7FFFFFFF  }
0x5c: {  	s26 =	sadd.s32 $0x5100, s20;
	(ifvalue) =	ssetifvalue $0x7FFFFFFF  }
0x5d: {  	v61 =	vadd.s32 $0x600, v1;
	[tilespmem:s26], [sflag:$0x1] =	stream.indirect_vreg.gather [hbm4b:s7+s11], $0x1, v2, vm0, $0x4038;
	[tilespmem:$0x15400] =	vst v63  }
0x5e: {  	v2 =	vnsel vm1, $0x7FFFFFFF, v61;
	(ifvalue) =	ssetifvalue $0x7FFFFFFF  }
0x5f: {  	s28 =	sadd.s32 $0x5180, s20;
	(ifvalue) =	ssetifvalue $0x7FFFFFFF  }
0x60: {  	v62 =	vadd.s32 $0x680, v1;
	[tilespmem:s28], [sflag:$0x1] =	stream.indirect_vreg.gather [hbm4b:s7+s11], $0x1, v3, vm0, $0x4038;
	[tilespmem:$0x15400] =	vst v63  }
0x61: {  	v3 =	vnsel vm1, $0x7FFFFFFF, v62;
	(ifvalue) =	ssetifvalue $0x7FFFFFFF  }
0x62: {  	s29 =	sadd.s32 $0x5200, s20;
	(ifvalue) =	ssetifvalue $0x7FFFFFFF  }
0x63: {  	v63 =	vadd.s32 $0x700, v1;
	[tilespmem:s29], [sflag:$0x1] =	stream.indirect_vreg.gather [hbm4b:s7+s11], $0x1, v2, vm0, $0x4038;
	[tilespmem:$0x15400] =	vst v63  }
0x64: {  	v2 =	vnsel vm1, $0x7FFFFFFF, v63;
	(ifvalue) =	ssetifvalue $0x7FFFFFFF  }
0x65: {  	s19 =	sadd.s32 $0xFFFFFFF0, s19;
	s30 =	sadd.s32 $0x5280, s20;
	(ifvalue) =	ssetifvalue $0x7FFFFFFF  }
0x66: {  	v1 =	vadd.s32 $0x780, v1;
	[tilespmem:s30], [sflag:$0x1] =	stream.indirect_vreg.gather [hbm4b:s7+s11], $0x1, v3, vm0, $0x4038;
	[tilespmem:$0x15400] =	vst v63  }
0x67: {  	s21 =	sadd.s32 $0x10, s21;
	v1 =	vnsel vm1, $0x7FFFFFFF, v1;
	s22 =	simm.s32 $0x0;
	(ifvalue) =	ssetifvalue $0x7FFFFFFF  }
0x68: {  	s31 =	sadd.s32 $0x5300, s20;
	s23 =	sadd.s32 $0x5380, s20;
	(ifvalue) =	ssetifvalue $0x7FFFFFFF  }
0x69: {  	[tilespmem:s31], [sflag:$0x1] =	stream.indirect_vreg.gather [hbm4b:s7+s11], $0x1, v2, vm0, $0x4038;
	[tilespmem:$0x15400] =	vst v63  }
0x6a: {  	s20 =	simm.s32 $0xFFFFB080;
	s18 =	simm.s32 $0x10;
	(ifvalue) =	ssetifvalue $0x7FFFFFFF  }
.LBB2_3:
0x6b: {  	(ifvalue) =	ssetifvalue $0x7FFFFFFF;
	s17 =	sadd.s32 $0x80, s17;
	s22 =	sadd.s32 $0x1, s22  }
0x6c: {  	[tilespmem:s23], [sflag:$0x1] =	stream.indirect_vreg.gather [hbm4b:s7+s11], $0x1, v1, vm0, $0x4038;
	[tilespmem:$0x15400] =	vst v63  }
0x6d: {  	p1 =	sne.s32 s18, $0x9F0;
	s23 =	smov.u32 s18;
	s18 =	sadd.s32 $0x10, s18  }
0x6e: {  	v1 =	vld.msk [tilespmem:s21+$0x0 ss:$0x1], $0xffff  }
0x6f: {  	(ifvalue) =	ssetifvalue $0x7FFFFFFF;
	_ =	sdelay $0x4  }
0x70: {  	v2 =	vshrl.u32 v1, $0xE;
	v3 =	vshll.u32 v1, $0x16;
	v4 =	vshll.u32 v1, $0x8  }
0x71: {  	p2 =	sgt.s32 s19, $0x0;
	s24 =	smov.u32 s19;
	v2 =	vand.u32 $0x7F, v2;
	v3 =	vand.u32 $0x1C00000, v3;
	v4 =	vand.u32 $0x3FF800, v4  }
0x72: {  	s24 =	simm.s32 @!p2 $0x0;
	vm1 =	veq.s32 v1, $0x80000000;
	v1 =	vor.u32 v4, v3  }
0x73: {  	s24 =	smin.u32 s24, $0x10;
	v2 =	vsel vm1, $0xFFFFFFFF, v2;
	v1 =	vsel vm1, $0xFFBFF800, v1  }
0x74: {  	v4 =	vmov s24;
	v3 =	vand.u32 $0x7F, v2;
	v2 =	vand.u32 $0xFFFFFC00, v2  }
0x75: {  	vm1 =	vgt.u32 v4, v0;
	v1 =	vadd.s32 v2, v1  }
0x76: {  	v1 =	vor.u32 v3, v1  }
0x77: {  	s24 =	sadd.s32 $0x5000, s20;
	v2 =	vnsel vm1, $0x7FFFFFFF, v1;
	v3 =	vor.u32 $0x80, v1;
	v4 =	vor.u32 $0x100, v1  }
0x78: {  	s24 =	sand.u32 $0x7C00, s24;
	v5 =	vor.u32 $0x180, v1;
	v6 =	vor.u32 $0x200, v1;
	v7 =	vor.u32 $0x280, v1  }
0x79: {  	s23 =	sand.u32 $0x70, s23;
	s24 =	sadd.s32 s24, s16;
	v3 =	vnsel vm1, $0x7FFFFFFF, v3;
	v6 =	vnsel vm1, $0x7FFFFFFF, v6;
	v7 =	vnsel vm1, $0x7FFFFFFF, v7  }
0x7a: {  	s24 =	sadd.s32 s23, s24;
	v8 =	vor.u32 $0x300, v1;
	v9 =	vor.u32 $0x380, v1;
	v10 =	vadd.s32 $0x400, v1;
	(ifvalue) =	ssetifvalue $0x7FFFFFFF  }
0x7b: {  	s23 =	sadd.s32 $0x5380, s24;
	v8 =	vnsel vm1, $0x7FFFFFFF, v8;
	v9 =	vnsel vm1, $0x7FFFFFFF, v9;
	v10 =	vnsel vm1, $0x7FFFFFFF, v10  }
0x7c: {  	v11 =	vadd.s32 $0x500, v1;
	[tilespmem:s24], [sflag:$0x1] =	stream.indirect_vreg.gather [hbm4b:s7+s11], $0x1, v2, vm0, $0x4038;
	v2 =	vnsel vm1, $0x7FFFFFFF, v4;
	v4 =	vadd.s32 $0x480, v1;
	[tilespmem:$0x15400] =	vst v63  }
0x7d: {  	s25 =	sadd.s32 $0x80, s24;
	v12 =	vadd.s32 $0x580, v1;
	v11 =	vnsel vm1, $0x7FFFFFFF, v11;
	(ifvalue) =	ssetifvalue $0x7FFFFFFF;
	v4 =	vnsel vm1, $0x7FFFFFFF, v4  }
0x7e: {  	v13 =	vadd.s32 $0x600, v1;
	v14 =	vadd.s32 $0x680, v1;
	v12 =	vnsel vm1, $0x7FFFFFFF, v12;
	(ifvalue) =	ssetifvalue $0x7FFFFFFF  }
0x7f: {  	[tilespmem:s25], [sflag:$0x1] =	stream.indirect_vreg.gather [hbm4b:s7+s11], $0x1, v3, vm0, $0x4038;
	v3 =	vnsel vm1, $0x7FFFFFFF, v5;
	v5 =	vnsel vm1, $0x7FFFFFFF, v13;
	v13 =	vnsel vm1, $0x7FFFFFFF, v14;
	[tilespmem:$0x15400] =	vst v63  }
0x80: {  	s25 =	sadd.s32 $0x100, s24;
	v14 =	vadd.s32 $0x700, v1;
	v1 =	vadd.s32 $0x780, v1;
	(ifvalue) =	ssetifvalue $0x7FFFFFFF  }
0x81: {  	v14 =	vnsel vm1, $0x7FFFFFFF, v14;
	v1 =	vnsel vm1, $0x7FFFFFFF, v1;
	(ifvalue) =	ssetifvalue $0x7FFFFFFF  }
0x82: {  	[tilespmem:s25], [sflag:$0x1] =	stream.indirect_vreg.gather [hbm4b:s7+s11], $0x1, v2, vm0, $0x4038;
	[tilespmem:$0x15400] =	vst v63  }
0x83: {  	s25 =	sadd.s32 $0x180, s24;
	(ifvalue) =	ssetifvalue $0x7FFFFFFF  }
0x84: {  	(ifvalue) =	ssetifvalue $0x7FFFFFFF  }
0x85: {  	[tilespmem:s25], [sflag:$0x1] =	stream.indirect_vreg.gather [hbm4b:s7+s11], $0x1, v3, vm0, $0x4038;
	[tilespmem:$0x15400] =	vst v63  }
0x86: {  	s25 =	sadd.s32 $0x200, s24;
	(ifvalue) =	ssetifvalue $0x7FFFFFFF  }
0x87: {  	(ifvalue) =	ssetifvalue $0x7FFFFFFF  }
0x88: {  	[tilespmem:s25], [sflag:$0x1] =	stream.indirect_vreg.gather [hbm4b:s7+s11], $0x1, v6, vm0, $0x4038;
	[tilespmem:$0x15400] =	vst v63  }
0x89: {  	s25 =	sadd.s32 $0x280, s24;
	(ifvalue) =	ssetifvalue $0x7FFFFFFF  }
0x8a: {  	s26 =	sand.u32 $0x7, s22;
	(ifvalue) =	ssetifvalue $0x7FFFFFFF  }
0x8b: {  	[tilespmem:s25], [sflag:$0x1] =	stream.indirect_vreg.gather [hbm4b:s7+s11], $0x1, v7, vm0, $0x4038;
	[tilespmem:$0x15400] =	vst v63  }
0x8c: {  	s25 =	sshll.u32 s26, $0x4;
	s26 =	sadd.s32 $0x300, s24;
	(ifvalue) =	ssetifvalue $0x7FFFFFFF  }
0x8d: {  	s25 =	sadd.s32 s25, s17;
	(ifvalue) =	ssetifvalue $0x7FFFFFFF  }
0x8e: {  	[tilespmem:s26], [sflag:$0x1] =	stream.indirect_vreg.gather [hbm4b:s7+s11], $0x1, v8, vm0, $0x4038;
	[tilespmem:$0x15400] =	vst v63  }
0x8f: {  	s25 =	sor.u32 $0x380, s25;
	(ifvalue) =	ssetifvalue $0x7FFFFFFF  }
0x90: {  	s25 =	sadd.s32 s25, s16;
	(ifvalue) =	ssetifvalue $0x7FFFFFFF  }
0x91: {  	[tilespmem:s25], [sflag:$0x1] =	stream.indirect_vreg.gather [hbm4b:s7+s11], $0x1, v9, vm0, $0x4038;
	[tilespmem:$0x15400] =	vst v63  }
0x92: {  	s25 =	sadd.s32 $0x5000, s24;
	(ifvalue) =	ssetifvalue $0x7FFFFFFF  }
0x93: {  	(ifvalue) =	ssetifvalue $0x7FFFFFFF  }
0x94: {  	[tilespmem:s25], [sflag:$0x1] =	stream.indirect_vreg.gather [hbm4b:s7+s11], $0x1, v10, vm0, $0x4038;
	[tilespmem:$0x15400] =	vst v63  }
0x95: {  	s25 =	sadd.s32 $0x5080, s24;
	(ifvalue) =	ssetifvalue $0x7FFFFFFF  }
0x96: {  	(ifvalue) =	ssetifvalue $0x7FFFFFFF  }
0x97: {  	[tilespmem:s25], [sflag:$0x1] =	stream.indirect_vreg.gather [hbm4b:s7+s11], $0x1, v4, vm0, $0x4038;
	[tilespmem:$0x15400] =	vst v63  }
0x98: {  	s25 =	sadd.s32 $0x5100, s24;
	(ifvalue) =	ssetifvalue $0x7FFFFFFF  }
0x99: {  	(ifvalue) =	ssetifvalue $0x7FFFFFFF  }
0x9a: {  	[tilespmem:s25], [sflag:$0x1] =	stream.indirect_vreg.gather [hbm4b:s7+s11], $0x1, v11, vm0, $0x4038;
	[tilespmem:$0x15400] =	vst v63  }
0x9b: {  	s25 =	sadd.s32 $0x5180, s24;
	(ifvalue) =	ssetifvalue $0x7FFFFFFF  }
0x9c: {  	(ifvalue) =	ssetifvalue $0x7FFFFFFF  }
0x9d: {  	[tilespmem:s25], [sflag:$0x1] =	stream.indirect_vreg.gather [hbm4b:s7+s11], $0x1, v12, vm0, $0x4038;
	[tilespmem:$0x15400] =	vst v63  }
0x9e: {  	s25 =	sadd.s32 $0x5200, s24;
	(ifvalue) =	ssetifvalue $0x7FFFFFFF  }
0x9f: {  	(ifvalue) =	ssetifvalue $0x7FFFFFFF  }
0xa0: {  	[tilespmem:s25], [sflag:$0x1] =	stream.indirect_vreg.gather [hbm4b:s7+s11], $0x1, v5, vm0, $0x4038;
	[tilespmem:$0x15400] =	vst v63  }
0xa1: {  	(ifvalue) =	ssetifvalue $0x7FFFFFFF  }
0xa2: {  	s25 =	sadd.s32 $0x5280, s24;
	(ifvalue) =	ssetifvalue $0x7FFFFFFF  }
0xa3: {  	[tilespmem:s25], [sflag:$0x1] =	stream.indirect_vreg.gather [hbm4b:s7+s11], $0x1, v13, vm0, $0x4038;
	[tilespmem:$0x15400] =	vst v63  }
.Ltmp3:
0xa4: {  	_ = 	snop;
	(pc) =	sbr.rel @p1 .LBB2_3-.Ltmp3, $4  }
0xa5: {  	(ifvalue) =	ssetifvalue $0x7FFFFFFF  }
0xa6: {  	s19 =	sadd.s32 $0xFFFFFFF0, s19;
	s24 =	sadd.s32 $0x5300, s24;
	(ifvalue) =	ssetifvalue $0x7FFFFFFF  }
0xa7: {  	[tilespmem:s24], [sflag:$0x1] =	stream.indirect_vreg.gather [hbm4b:s7+s11], $0x1, v14, vm0, $0x4038;
	[tilespmem:$0x15400] =	vst v63  }
0xa8: {  	s21 =	sadd.s32 $0x10, s21;
	s20 =	sadd.s32 $0x80, s20;
	(ifvalue) =	ssetifvalue $0x7FFFFFFF  }
.Ltmp4:
0xa9: {  	_ = 	snop;
	(pc) =	sbr.rel .LBB2_4-.Ltmp4, $1  }
0xaa: {  	_ =	sdelay $0x3  }
.LBB2_6:
0xab: {  	_ =	sfence.sel $0x180000  }
0xac: {  	s2 =	simm.s32 $0x2;
	[bflag:$0x0] =	sbarrier.arrive $0xFFFF  }
0xad: {  	s30 =	simm.s32 $0x3;
	[sflag:s2] =	ssyncpa.u1 $0x1  }
0xae: {  	s31 =	simm.s32 $0x1;
	[sflag:s30] =	ssyncpa.u1 $0x1  }
0xaf: {  	[sflag:s31] =	ssyncpa.u1 $0x1  }
0xb0: {  	p0 =	sne.s32 s0, $0x0;
	_ =	strace $0x90000053  }
0xb1: {  	s0 =	sadd.s32 @!p0 $0x100000, s1;
	[bflag:$0x2] =	sbarrier.arrive $0xFFFF  }
0xb2: {  	[sflag:s0] =	ssyncadd.tile.s32 @!p0 $0x1;
	_ =	shalt  }
.Lfunc_end2:
_tile_overlayer_lowered:
.L_overlay_start_2:
0xb3: {  	(tag) =	ssettag $0x2  }
0xb4: {  	s0 =	rddreg [dreg:$0x0];
	s2 =	stileid.u32  }
0xb5: {  	s1 =	rddreg [dreg:$0x1];
	p0 =	sne.s32 s2, $0x0  }
0xb6: {  	s3 =	rddreg [dreg:$0x2];
	[bflag:$0x3] =	sbarrier.arrive $0xFFFF;
	s2 =	simm.s32 @!p0 $0x1C01  }
0xb7: {  	[timem:s3], [sflag:s2] =	dma.local @!p0 [hbm:s0], s1  }
0xb8: {  	s0 =	simm.s32 @!p0 $0x1  }
0xb9: {  	_ =	swait.ge @!p0 [sflag:s0], s1  }
0xba: {  	s1 =	ssub.s32 @!p0 $0x0, s1;
	[sflag:s0] =	ssyncset.done @!p0 $0x0  }
0xbb: {  	[sflag:s0] =	ssyncadd.s32 @!p0 s1  }
0xbc: {  	[bflag:$0x3] =	sbarrier.arrive $0xFFFF  }
0xbd: {  	_ =	shalt  }

// kernel: gather_offload_async_start.3
scs
__scs_entry_jumppad:
0x0: {  	(pc) =	sbr.rel $0x88, $3  }
0x1: {  	(tag) =	ssettag $0x0;
	lr =	simm.s32 $0x1  }
0x2: {  	[smem:$0x3F9A] =	sst lr;
	_ =	strace $0xD0000000  }
0x3: {  	_ = 	snop  }
0x4: {  	_ = 	snop  }
0x5: {  	_ = 	snop  }
0x6: {  	_ = 	snop  }
0x7: {  	_ = 	snop  }
__scs_overlays_trampoline_lowered:
0x8: {  	[smem:$0x3FA9] =	sst s0  }
0x9: {  	[smem:$0x3FAA] =	sst s1  }
0xa: {  	[smem:$0x3FAB] =	sst s2  }
0xb: {  	[smem:$0x3FAC] =	sst s3  }
0xc: {  	[smem:$0x3FAD] =	sst s4  }
0xd: {  	[smem:$0x3FAE] =	sst s5  }
0xe: {  	[smem:$0x3FAF] =	sst s6  }
0xf: {  	[smem:$0x3FB0] =	sst s7  }
0x10: {  	[smem:$0x3FB1] =	sst s8  }
0x11: {  	[smem:$0x3FB2] =	sst s9;
	s0 =	simm.s32 @!p0 $0x0  }
0x12: {  	s1 =	sld [smem:$0x3F98];
	s0 =	simm.s32 @p0 $0x1  }
0x13: {  	[smem:$0x3FB3] =	sst s0;
	s0 =	simm.s32 @!p1 $0x0  }
0x14: {  	s2 =	sld [smem:$0x3F97];
	s0 =	simm.s32 @p1 $0x1  }
0x15: {  	[smem:$0x3FB4] =	sst s0;
	s0 =	simm.s32 @!p2 $0x0  }
0x16: {  	s3 =	sld [smem:$0x3FDB];
	s0 =	simm.s32 @p2 $0x1  }
0x17: {  	s4 =	simm.s32 $0x1BF5;
	[smem:$0x3FB6] =	sst s0  }
0x18: {  	s0 =	sld [smem:$0x3F99];
	_ =	swait.ge [sflag:s4], $0x0  }
0x19: {  	s7 =	sld [smem:$0x3F9A]  }
0x1a: {  	s8 =	sadd.s32 $0xFFFFE003, lr  }
0x1b: {  	s9 =	sadd.s32 $0xFFFFFEF7, lr;
	s5 =	simm.s32 $0xFFFFFFFF;
	p2 =	slt.u32 s8, $0xFFFFF086  }
0x1c: {  	p1 =	slt.u32 s9, $0xF7A;
	s5 =	simm.s32 @!p2 $0x0  }
0x1d: {  	s5 =	simm.s32 @p1 $0x1;
	p0 =	seq.s32 s7, s2  }
0x1e: {  	s7 =	smul.u32 @!p0 $0xF7A, s2;
	p2 =	seq.s32 @!p0 s5, $0x0  }
0x1f: {  	s9 =	smul.u32 $0xF7A, s1;
	s8 =	simm.s32 @!p0 $0x1BF5;
	p2 =	por !p2, p0  }
0x20: {  	[sflag:s8] =	ssyncset.s32 @!p0 $0xFFFFF086;
	s6 =	sadd.s32 @!p0 s3, s7;
	s7 =	simm.s32 @!p0 $0x108  }
0x21: {  	s3 =	sadd.s32 s3, s9;
	s6 =	sadd.s32 @!p0 $0x88, s6;
	s7 =	simm.s32 @p2 $0x1082  }
0x22: {  	[simem:s7], [sflag:s8] =	dma.local @!p0 [hbm:s6], $0xF7A  }
0x23: {  	s9 =	sor.u32 $0xD0000000, s2;
	s6 =	simm.s32 $0x108;
	_ =	swait.ge @!p0 [sflag:s8], $0x0  }
0x24: {  	s3 =	sadd.s32 $0x88, s3;
	s6 =	simm.s32 @!p1 $0x1082;
	[sflag:s4] =	ssyncset.s32 $0xFFFFF086  }
0x25: {  	[simem:s6], [sflag:s4] =	dma.local [hbm:s3], $0xF7A  }
0x26: {  	[smem:$0x3F9A] =	sst s1;
	(tag) =	ssettag s2;
	_ =	strace s9  }
0x27: {  	s1 =	sld [smem:$0x3FAA]  }
0x28: {  	s2 =	sld [smem:$0x3FAB]  }
0x29: {  	s4 =	sld [smem:$0x3FAD]  }
0x2a: {  	p0 =	seq.s32 s5, $0x0;
	s5 =	sld [smem:$0x3FAE]  }
0x2b: {  	s6 =	sld [smem:$0x3FAF]  }
0x2c: {  	s7 =	sld [smem:$0x3FB0]  }
0x2d: {  	s3 =	simm.s32 $0x108;
	s8 =	sld [smem:$0x3FB1]  }
0x2e: {  	s3 =	simm.s32 @!p0 $0x1082;
	s9 =	sld [smem:$0x3FB2]  }
0x2f: {  	lr =	sadd.s32 s0, s3;
	s0 =	sld [smem:$0x3FA9]  }
0x30: {  	s3 =	sld [smem:$0x3FAC]  }
0x31: {  	[smem:$0x3FB5] =	sst s10  }
0x32: {  	s10 =	sld [smem:$0x3FB3];
	_ =	sdelay $0x3  }
0x33: {  	p0 =	seq.s32 s10, $0x1;
	s10 =	sld [smem:$0x3FB5];
	_ =	sdelay $0x3  }
0x34: {  	[smem:$0x3FB5] =	sst s10  }
0x35: {  	s10 =	sld [smem:$0x3FB4];
	_ =	sdelay $0x3  }
0x36: {  	p1 =	seq.s32 s10, $0x1;
	s10 =	sld [smem:$0x3FB5];
	_ =	sdelay $0x3  }
0x37: {  	[smem:$0x3FB5] =	sst s10  }
0x38: {  	s10 =	sld [smem:$0x3FB6]  }
0x39: {  	_ = 	snop;
	(pc) =	sbr.ind lr, $3  }
0x3a: {  	_ = 	snop  }
0x3b: {  	_ = 	snop  }
0x3c: {  	p2 =	seq.s32 s10, $0x1;
	s10 =	sld [smem:$0x3FB5]  }
0x3d: {  	_ =	shalt  }
0x3e: {  	_ =	shalt  }
0x3f: {  	_ =	shalt  }
0x40: {  	_ =	shalt  }
0x41: {  	_ =	shalt  }
0x42: {  	_ =	shalt  }
0x43: {  	_ =	shalt  }
0x44: {  	_ =	shalt  }
0x45: {  	_ =	shalt  }
0x46: {  	_ =	shalt  }
0x47: {  	_ =	shalt  }
0x48: {  	_ =	shalt  }
0x49: {  	_ =	shalt  }
0x4a: {  	_ =	shalt  }
0x4b: {  	_ =	shalt  }
0x4c: {  	_ =	shalt  }
0x4d: {  	_ =	shalt  }
0x4e: {  	_ =	shalt  }
0x4f: {  	_ =	shalt  }
0x50: {  	_ =	shalt  }
0x51: {  	_ =	shalt  }
0x52: {  	_ =	shalt  }
0x53: {  	_ =	shalt  }
0x54: {  	_ =	shalt  }
0x55: {  	_ =	shalt  }
0x56: {  	_ =	shalt  }
0x57: {  	_ =	shalt  }
0x58: {  	_ =	shalt  }
0x59: {  	_ =	shalt  }
0x5a: {  	_ =	shalt  }
0x5b: {  	_ =	shalt  }
0x5c: {  	_ =	shalt  }
0x5d: {  	_ =	shalt  }
0x5e: {  	_ =	shalt  }
0x5f: {  	_ =	shalt  }
0x60: {  	_ =	shalt  }
0x61: {  	_ =	shalt  }
0x62: {  	_ =	shalt  }
0x63: {  	_ =	shalt  }
0x64: {  	_ =	shalt  }
0x65: {  	_ =	shalt  }
0x66: {  	_ =	shalt  }
0x67: {  	_ =	shalt  }
0x68: {  	_ =	shalt  }
0x69: {  	_ =	shalt  }
0x6a: {  	_ =	shalt  }
0x6b: {  	_ =	shalt  }
0x6c: {  	_ =	shalt  }
0x6d: {  	_ =	shalt  }
0x6e: {  	_ =	shalt  }
0x6f: {  	_ =	shalt  }
0x70: {  	_ =	shalt  }
0x71: {  	_ =	shalt  }
0x72: {  	_ =	shalt  }
0x73: {  	_ =	shalt  }
0x74: {  	_ =	shalt  }
0x75: {  	_ =	shalt  }
0x76: {  	_ =	shalt  }
0x77: {  	_ =	shalt  }
0x78: {  	_ =	shalt  }
0x79: {  	_ =	shalt  }
0x7a: {  	_ =	shalt  }
0x7b: {  	_ =	shalt  }
0x7c: {  	_ =	shalt  }
0x7d: {  	_ =	shalt  }
0x7e: {  	_ =	shalt  }
0x7f: {  	_ =	shalt  }
0x80: {  	_ =	shalt  }
0x81: {  	_ =	shalt  }
0x82: {  	_ =	shalt  }
0x83: {  	_ =	shalt  }
0x84: {  	_ =	shalt  }
0x85: {  	_ =	shalt  }
0x86: {  	_ =	shalt  }
0x87: {  	_ =	shalt  }
.Lfunc_end0:
.L_simem_size_0:
called_computation.5_lowered:
.L_overlay_start_0:
0x88: {  	s2 =	sld [smem:$0x3FD9]  }
0x89: {  	s3 =	sld [smem:$0x3FFE];
	_ =	sdelay $0x1  }
0x8a: {  	s1 =	srdreg.scid  }
0x8b: {  	s0 =	sand.u32 $0x1, s1  }
0x8c: {  	s17 =	sshll.u32 s0, $0xA;
	s2 =	sadd.s32 s3, s2  }
0x8d: {  	s2 =	sadd.s32 s2, s17  }
0x8e: {  	[smem:$0x3FC1] =	sst s2  }
0x8f: {  	_ = 	snop  }
0x90: {  	s2 =	sld [smem:$0x3FD0];
	(tm) =	ssettm $0x1  }
0x91: {  	s18 =	sld [smem:$0x3FFB];
	_ =	sdelay $0x3  }
0x92: {  	_ =	strace s18  }
0x93: {  	s3 =	sld [smem:$0x3FFC];
	_ =	sdelay $0x3  }
0x94: {  	_ =	strace s3  }
0x95: {  	s3 =	sld [smem:$0x3FFD];
	_ =	sdelay $0x3  }
0x96: {  	_ =	strace s3  }
0x97: {  	_ =	strace $0x8FFFFFFF  }
0x98: {  	s19 =	sld [smem:$0x3FDB];
	_ =	sdelay $0x1  }
0x99: {  	s4 =	simm.s32 $_scs_section_size  }
0x9a: {  	s5 =	simm.s32 $_size__tile_overlayer_lowered;
	s6 =	simm.s32 $_tile_overlayer_lowered  }
0x9b: {  	s22 =	simm.s32 $0x1BFF;
	s21 =	sshll.u32 s6, $0x1;
	s3 =	sadd.s32 s4, s19  }
0x9c: {  	s7 =	simm.s32 $0x0;
	s20 =	sshll.u32 s5, $0x1;
	s5 =	sadd.s32 s21, s3  }
0x9d: {  	[timem:s7], [sflag:s22] =	dma.local [hbm:s5], s20  }
0x9e: {  	_ =	swait.ge [sflag:s22], s20  }
0x9f: {  	s4 =	ssub.s32 $0x0, s20;
	[sflag:s22] =	ssyncset.done $0x0  }
0xa0: {  	[sflag:s22] =	ssyncadd.s32 s4;
	_ =	sdelay $0x1  }
0xa1: {  	s23 =	simm.s32 $0x1B8B  }
0xa2: {  	_ =	swait.ge [sflag:s23], $0x1  }
0xa3: {  	[sflag:s23] =	ssyncset.done $0x0  }
0xa4: {  	s25 =	simm.s32 $0x1B8E;
	s24 =	sld [smem:$0x3FFE];
	[sflag:s23] =	ssyncadd.s32 $0xFFFFFFFF  }
0xa5: {  	s26 =	simm.s32 $execute0_lowered;
	[smem:$0x3FD2] =	sst s25  }
0xa6: {  	s5 =	sshll.u32 s26, $0x1;
	_ =	strace $0x80000055;
	[dreg:$0x1] =	wrdreg $0xFFFFFFFF  }
0xa7: {  	s28 =	simm.s32 $_size_execute0_lowered;
	s3 =	sadd.s32 s3, s5;
	[dreg:$0x0] =	wrdreg $0x0  }
0xa8: {  	s5 =	sshll.u32 s28, $0x1;
	[dreg:$0x2] =	wrdreg s3  }
0xa9: {  	[dreg:$0x3] =	wrdreg s5  }
0xaa: {  	[dreg:$0x4] =	wrdreg $0xC0  }
0xab: {  	_ =	task [dreg:s7], $0x5FFFF  }
0xac: {  	[dreg:$0x1] =	wrdreg $0xFFFFFFFF  }
0xad: {  	[dreg:$0x0] =	wrdreg $0x60  }
0xae: {  	[dreg:$0x2] =	wrdreg s24  }
0xaf: {  	[dreg:$0x3] =	wrdreg s2  }
0xb0: {  	[dreg:$0x4] =	wrdreg $0x9  }
0xb1: {  	_ =	task.clear_ibuf [dreg:s7], $0x5FFFF;
	_ =	strace $0x90000055  }
0xb2: {  	s29 =	simm.s32 $0x9;
	_ =	strace $0x80000057  }
0xb3: {  	_ =	swait.ge [sflag:s29], $0x1  }
0xb4: {  	[sflag:s29] =	ssyncadd.s32 $0xFFFFFFFF  }
0xb5: {  	_ =	strace $0x90000057  }
0xb6: {  	_ =	sfence  }
0xb7: {  	s30 =	sld [smem:$0x0];
	_ =	sdelay $0x2  }
0xb8: {  	s31 =	sshll.u32 s1, $0xD;
	s1 =	sshrl.u32 s1, $0x2  }
0xb9: {  	s3 =	sand.u32 $0x4000, s31;
	s1 =	sadd.s32 s1, s30  }
0xba: {  	s0 =	sor.u32 s3, s0;
	s1 =	sshll.u32 s1, $0x11  }
0xbb: {  	s0 =	sor.u32 s1, s0  }
0xbc: {  	s0 =	sadd.s32 $0x8F2B, s0  }
0xbd: {  	[sflag:s0] =	ssyncadd.remote.s32 $0x1  }
0xbe: {  	_ =	sfence.sel $0xFFFF  }
0xbf: {  	[dreg:$0x0] =	wrdreg $0xFFFFFFFF;
	(pc) =	sbr.abs _section_cstart, $3  }
0xc0: {  	[dreg:$0x1] =	wrdreg $0xFFFFFFFF  }
0xc1: {  	_ =	task.clear_ibuf [dreg:s7], $0x2FFFF;
	_ =	strace $0x9FFFFFFF  }
0xc2: {  	(tm) =	ssettm $0x7FFFFFFF  }
0xc3: {  	_ =	shalt  }
tec
execute0_lowered:
.L_overlay_start_1:
0x0: {  	(tag) =	ssettag $0x1  }
0x1: {  	s5 =	rddreg [dreg:$0x0];
	s0 =	srdreg.scid  }
0x2: {  	s2 =	rddreg [dreg:$0x1];
	s1 =	stileid.u32;
	s6 =	simm.s32 $0x1  }
0x3: {  	s9 =	simm.s32 $0x1;
	s10 =	simm.s32 $0x3;
	s3 =	sshll.u32 s0, $0xD  }
0x4: {  	s13 =	simm.s32 $0x0;
	s4 =	sshll.u32 s1, $0xE;
	s3 =	sand.u32 $0x2000, s3  }
0x5: {  	s0 =	rddreg [dreg:$0x2];
	_ =	strace $0x80000056;
	s3 =	sor.u32 s4, s3  }
0x6: {  	s12 =	simm.s32 $0x0;
	[sflag:s6] =	ssyncpa.u1 $0x0;
	s8 =	ssub.s32 $0x50000, s3  }
.Ltmp0:
0x7: {  	s4 =	sadd.s32 $0x286400, s5;
	s7 =	sand.u32 $0x3E000, s8;
	(pc) =	sbr.rel .LBB2_1-.Ltmp0, $4  }
0x8: {  	s5 =	sadd.s32 $0xD0200, s5;
	s11 =	smov.u32 s3;
	p0 =	sne.s32 s7, $0x0  }
0x9: {  	s8 =	sshrl.u32 s8, $0x12;
	s7 =	simm.s32 $0x2;
	s9 =	simm.s32 @!p0 $0x0  }
0xa: {  	[sflag:s7] =	ssyncpa.u1 $0x0;
	p0 =	por $0x0, $0x0;
	s8 =	sadd.s32 s9, s8  }
0xb: {  	vm0 =	vmmov $0xffff;
	[sflag:s10] =	ssyncpa.u1 $0x0;
	s10 =	simm.s32 $0x0;
	s9 =	sadd.s32 $0x1, s8  }
.LBB2_4:
0xc: {  	v5 =	vand.u32 $0x7F, v4;
	v3 =	vsel vm1, $0xFFF60000, v3;
	v6 =	vshll.u32 v2, $0xB  }
0xd: {  	vm1 =	vmmov vm2;
	v57 =	vshll.u32 v4, $0x3;
	v58 =	vshll.u32 v2, $0x7  }
0xe: {  	v59 =	vand.u32 $0x7, v1;
	v60 =	vshrl.u32 v1, $0x3;
	v61 =	vshrl.u32 v1, $0xE  }
0xf: {  	v6 =	vand.u32 $0xFFFFC000, v6;
	v3 =	vor.u32 v3, v5;
	v4 =	vand.u32 $0xFFFFFC00, v57  }
0x10: {  	v2 =	vand.u32 $0x380, v58;
	v5 =	vmul.u32 $0xA0000, v59;
	v3 =	vadd.s32 v6, v3  }
0x11: {  	v1 =	vand.u32 $0x1FF, v61;
	v3 =	vadd.s32 v4, v3;
	v4 =	vand.u32 $0x7FF, v60  }
0x12: {  	v1 =	vsel vm1, $0xFFFFFFFF, v1;
	v5 =	vsel vm1, $0xFFF60000, v5;
	v62 =	vsel vm1, $0xFFFFFFFF, v4  }
0x13: {  	v63 =	vshll.u32 v1, $0xB;
	v2 =	vor.u32 v2, v3;
	v4 =	vand.u32 $0x7F, v62  }
0x14: {  	v6 =	vand.u32 $0xFFFFC000, v63;
	v3 =	vshll.u32 v62, $0x3;
	v4 =	vor.u32 v5, v4  }
0x15: {  	v1 =	vshll.u32 v1, $0x7;
	v3 =	vand.u32 $0xFFFFFC00, v3;
	v4 =	vadd.s32 v6, v4  }
0x16: {  	v1 =	vand.u32 $0x380, v1;
	v3 =	vadd.s32 v3, v4  }
0x17: {  	(ifvalue) =	ssetifvalue $0x7FFFFFFF;
	s15 =	sadd.s32 $0x10, s15;
	v1 =	vor.u32 v1, v3  }
0x18: {  	[tilespmem:s15], [sflag:$0x1] =	stream.indirect_vreg.gather [hbm4b:s4+s10], $0x1, v0, vm0, $0x4038;
	[tilespmem:$0x8000] =	vst v63  }
0x19: {  	(ifvalue) =	ssetifvalue $0x7FFFFFFF;
	s15 =	sadd.s32 $0x10, s15  }
0x1a: {  	[tilespmem:s15], [sflag:$0x1] =	stream.indirect_vreg.gather [hbm4b:s4+s10], $0x1, v2, vm0, $0x4038;
	[tilespmem:$0x8000] =	vst v63  }
0x1b: {  	(ifvalue) =	ssetifvalue $0x7FFFFFFF;
	s15 =	sadd.s32 $0x10, s15  }
0x1c: {  	[tilespmem:s15], [sflag:$0x1] =	stream.indirect_vreg.gather [hbm4b:s4+s10], $0x1, v1, vm0, $0x4038;
	[tilespmem:$0x8000] =	vst v63  }
0x1d: {  	_ =	swait.ge [sflag:s6], $0x2000  }
0x1e: {  	s30 =	sshrl.u32 s13, $0x3;
	[sflag:s6] =	ssyncset.done $0x0  }
0x1f: {  	s31 =	sand.u32 $0x7, s13;
	s15 =	sadd.s32 s5, s30;
	[sflag:s6] =	ssyncadd.s32 $0xFFFFE000  }
0x20: {  	[hbm4b:s15+s31] =	stream.linear.scatter [tilespmem:s14], [sflag:$0x3], $0x2000, $0x38;
	[tilespmem:$0x8000] =	vst v63  }
.LBB2_5:
0x21: {  	s15 =	sadd.s32 $0x40000, s11  }
0x22: {  	p2 =	sgt.s32 s15, $0x4FFFF  }
0x23: {  	s15 =	smov.u32 @p2 s3;
	p2 =	sne.s32 s12, s9  }
.Ltmp1:
0x24: {  	p1 =	slt.u32 s12, $0x2;
	(pc) =	sbr.rel @!p2 .LBB2_6-.Ltmp1, $4  }
0x25: {  	s14 =	simm.s32 @!p1 $0x3  }
0x26: {  	s16 =	sadd.s32 $0x1, s12;
	_ =	swait.ge @!p1 [sflag:s14], $0x2000  }
0x27: {  	s13 =	smov.u32 s11;
	p0 =	por !p0, !p0;
	[sflag:s14] =	ssyncset.done @!p1 $0x0  }
0x28: {  	s12 =	smov.u32 s16;
	s11 =	smov.u32 s15;
	[sflag:s14] =	ssyncadd.s32 @!p1 $0xFFFFE000  }
.LBB2_1:
0x29: {  	p1 =	sge.u32 s12, s8  }
0x2a: {  	s14 =	sxor.u32 @!p1 $0xFFFFFFFF, s12  }
0x2b: {  	s31 =	sadd.s32 $0xFFFFFFFF, s12;
	s15 =	sshrl.u32 @!p1 s11, $0x3;
	s14 =	sshll.u32 @!p1 s14, $0xD  }
0x2c: {  	s16 =	sand.u32 @!p1 $0x7, s11;
	s15 =	sadd.s32 @!p1 s2, s15;
	s14 =	sand.u32 @!p1 $0x2000, s14  }
0x2d: {  	[tilespmem:s14], [sflag:$0x2] =	stream.linear.gather @!p1 [hbm4b:s15+s16], $0x2000, $0x38;
	[tilespmem:$0x8000] =	vst v63  }
0x2e: {  	p1 =	sge.u32 s31, s8  }
.Ltmp2:
0x2f: {  	_ = 	snop;
	(pc) =	sbr.rel @p1 .LBB2_5-.Ltmp2, $1  }
0x30: {  	_ =	sdelay $0x3  }
0x31: {  	s14 =	simm.s32 $0x1  }
0x32: {  	_ =	swait.ge [sflag:s7], $0x2000;
	s14 =	simm.s32 @!p0 $0x0  }
0x33: {  	[sflag:s7] =	ssyncset.done $0x0;
	s14 =	sshll.u32 s14, $0xD  }
0x34: {  	[sflag:s7] =	ssyncadd.s32 $0xFFFFE000;
	(ifvalue) =	ssetifvalue $0x7FFFFFFF;
	v0 =	vld.msk [tilespmem:s14+$0x0 ss:$0x1], $0xffff;
	_ =	sdelay $0x1  }
0x35: {  	s15 =	sadd.s32 $0x10, s14  }
0x36: {  	v1 =	vld.msk [tilespmem:s15+$0x0 ss:$0x1], $0xffff;
	_ =	sdelay $0x1  }
0x37: {  	vm1 =	veq.s32 v0, $0x80000000  }
0x38: {  	v2 =	vand.u32 $0x7, v0;
	v3 =	vshrl.u32 v0, $0x3;
	v0 =	vshrl.u32 v0, $0xE  }
0x39: {  	vm1 =	vmmov vm1;
	v3 =	vand.u32 $0x7FF, v3;
	v2 =	vmul.u32 $0xA0000, v2  }
0x3a: {  	v0 =	vand.u32 $0x1FF, v0;
	vm2 =	veq.s32 v1, $0x80000000;
	v3 =	vsel vm1, $0xFFFFFFFF, v3  }
0x3b: {  	v0 =	vsel vm1, $0xFFFFFFFF, v0;
	v4 =	vand.u32 $0x7F, v3;
	v2 =	vsel vm1, $0xFFF60000, v2  }
0x3c: {  	s15 =	sadd.s32 $0x10, s15;
	v5 =	vshll.u32 v0, $0xB;
	vm1 =	vmmov vm2;
	v3 =	vshll.u32 v3, $0x3  }
0x3d: {  	v6 =	vld.msk [tilespmem:s15+$0x0 ss:$0x1], $0xffff;
	v0 =	vshll.u32 v0, $0x7;
	v5 =	vand.u32 $0xFFFFC000, v5;
	v2 =	vor.u32 v2, v4  }
0x3e: {  	v3 =	vand.u32 $0xFFFFFC00, v3;
	v4 =	vand.u32 $0x7, v1;
	v2 =	vadd.s32 v5, v2  }
0x3f: {  	v0 =	vand.u32 $0x380, v0;
	v2 =	vadd.s32 v3, v2;
	v3 =	vshrl.u32 v1, $0x3  }
0x40: {  	v1 =	vshrl.u32 v1, $0xE;
	v0 =	vor.u32 v0, v2;
	v2 =	vand.u32 $0x7FF, v3  }
0x41: {  	v1 =	vand.u32 $0x1FF, v1;
	v3 =	vmul.u32 $0xA0000, v4;
	v2 =	vsel vm1, $0xFFFFFFFF, v2  }
0x42: {  	vm2 =	veq.s32 v6, $0x80000000;
	v4 =	vsel vm1, $0xFFFFFFFF, v1;
	v5 =	vand.u32 $0x7F, v2  }
0x43: {  	s17 =	sadd.s32 $0x10, s15;
	v3 =	vsel vm1, $0xFFF60000, v3;
	v7 =	vshll.u32 v4, $0xB;
	vm1 =	vmmov vm2  }
0x44: {  	v1 =	vld.msk [tilespmem:s17+$0x0 ss:$0x1], $0xffff;
	v2 =	vshll.u32 v2, $0x3;
	v7 =	vand.u32 $0xFFFFC000, v7;
	v3 =	vor.u32 v3, v5  }
0x45: {  	v4 =	vshll.u32 v4, $0x7;
	v2 =	vand.u32 $0xFFFFFC00, v2;
	v3 =	vadd.s32 v7, v3  }
0x46: {  	s31 =	sshll.u32 s12, $0xD;
	s15 =	sor.u32 $0x4000, s14;
	(ifvalue) =	ssetifvalue $0x7FFFFFFF;
	v5 =	vand.u32 $0x7, v6;
	v4 =	vand.u32 $0x380, v4;
	v2 =	vadd.s32 v2, v3  }
0x47: {  	[tilespmem:s15], [sflag:$0x1] =	stream.indirect_vreg.gather [hbm4b:s4+s10], $0x1, v0, vm0, $0x4038;
	v3 =	vshrl.u32 v6, $0x3;
	v6 =	vshrl.u32 v6, $0xE;
	v0 =	vor.u32 v4, v2;
	[tilespmem:$0x8000] =	vst v63  }
0x48: {  	s14 =	sand.u32 $0x2000, s31;
	v2 =	vand.u32 $0x7FF, v3;
	v6 =	vand.u32 $0x1FF, v6;
	v3 =	vmul.u32 $0xA0000, v5  }
0x49: {  	s16 =	simm.s32 $0x30;
	s14 =	sor.u32 $0x4000, s14;
	s17 =	sadd.s32 $0x10, s17;
	vm2 =	veq.s32 v1, $0x80000000;
	v4 =	vsel vm1, $0xFFFFFFFF, v2;
	v2 =	vsel vm1, $0xFFFFFFFF, v6  }
.LBB2_3:
0x4a: {  	v6 =	vand.u32 $0x7F, v4  }
0x4b: {  	v5 =	vld.msk [tilespmem:s17+$0x0 ss:$0x1], $0xffff;
	v3 =	vsel vm1, $0xFFF60000, v3;
	v7 =	vshll.u32 v2, $0xB;
	vm1 =	vmmov vm2;
	s16 =	sadd.s32 $0x10, s16  }
0x4c: {  	v4 =	vshll.u32 v4, $0x3;
	s15 =	sadd.s32 $0x10, s15;
	v7 =	vand.u32 $0xFFFFC000, v7;
	v3 =	vor.u32 v3, v6;
	(ifvalue) =	ssetifvalue $0x7FFFFFFF;
	p1 =	slt.u32 s16, $0x1FF0  }
0x4d: {  	[tilespmem:s15], [sflag:$0x1] =	stream.indirect_vreg.gather [hbm4b:s4+s10], $0x1, v0, vm0, $0x4038;
	[tilespmem:$0x8000] =	vst v63  }
.Ltmp3:
0x4e: {  	v2 =	vshll.u32 v2, $0x7;
	v4 =	vand.u32 $0xFFFFFC00, v4;
	v3 =	vadd.s32 v7, v3;
	(pc) =	sbr.rel @p1 .LBB2_3-.Ltmp3, $4  }
0x4f: {  	v6 =	vand.u32 $0x7, v1;
	v0 =	vand.u32 $0x380, v2;
	v2 =	vadd.s32 v4, v3  }
0x50: {  	v8 =	vshrl.u32 v1, $0xE;
	v3 =	vshrl.u32 v1, $0x3;
	v0 =	vor.u32 v0, v2  }
0x51: {  	v7 =	vand.u32 $0x1FF, v8;
	v2 =	vand.u32 $0x7FF, v3;
	v3 =	vmul.u32 $0xA0000, v6  }
0x52: {  	s17 =	sadd.s32 $0x10, s17;
	vm2 =	veq.s32 v5, $0x80000000;
	v4 =	vsel vm1, $0xFFFFFFFF, v2;
	v2 =	vsel vm1, $0xFFFFFFFF, v7;
	v1 =	vmovc v5  }
.Ltmp4:
0x53: {  	_ = 	snop;
	(pc) =	sbr.rel .LBB2_4-.Ltmp4, $1  }
0x54: {  	_ =	sdelay $0x3  }
.LBB2_6:
0x55: {  	_ =	sfence.sel $0x180000  }
0x56: {  	s2 =	simm.s32 $0x2;
	[bflag:$0x0] =	sbarrier.arrive $0xFFFF  }
0x57: {  	s30 =	simm.s32 $0x3;
	[sflag:s2] =	ssyncpa.u1 $0x1  }
0x58: {  	s31 =	simm.s32 $0x1;
	[sflag:s30] =	ssyncpa.u1 $0x1  }
0x59: {  	[sflag:s31] =	ssyncpa.u1 $0x1  }
0x5a: {  	p0 =	sne.s32 s1, $0x0;
	_ =	strace $0x90000056  }
0x5b: {  	s0 =	sadd.s32 @!p0 $0x100000, s0;
	[bflag:$0x2] =	sbarrier.arrive $0xFFFF  }
0x5c: {  	[sflag:s0] =	ssyncadd.tile.s32 @!p0 $0x1;
	_ =	shalt  }
.Lfunc_end2:
_tile_overlayer_lowered:
.L_overlay_start_2:
0x5d: {  	(tag) =	ssettag $0x2  }
0x5e: {  	s0 =	rddreg [dreg:$0x0];
	s2 =	stileid.u32  }
0x5f: {  	s1 =	rddreg [dreg:$0x1];
	p0 =	sne.s32 s2, $0x0  }
0x60: {  	s3 =	rddreg [dreg:$0x2];
	[bflag:$0x3] =	sbarrier.arrive $0xFFFF;
	s2 =	simm.s32 @!p0 $0x1C01  }
0x61: {  	[timem:s3], [sflag:s2] =	dma.local @!p0 [hbm:s0], s1  }
0x62: {  	s0 =	simm.s32 @!p0 $0x1  }
0x63: {  	_ =	swait.ge @!p0 [sflag:s0], s1  }
0x64: {  	s1 =	ssub.s32 @!p0 $0x0, s1;
	[sflag:s0] =	ssyncset.done @!p0 $0x0  }
0x65: {  	[sflag:s0] =	ssyncadd.s32 @!p0 s1  }
0x66: {  	[bflag:$0x3] =	sbarrier.arrive $0xFFFF  }
0x67: {  	_ =	shalt  }

// kernel: gather_offload_async_start
scs
__scs_entry_jumppad:
0x0: {  	(pc) =	sbr.rel $0x88, $3  }
0x1: {  	(tag) =	ssettag $0x0;
	lr =	simm.s32 $0x1  }
0x2: {  	[smem:$0x3F9A] =	sst lr;
	_ =	strace $0xD0000000  }
0x3: {  	_ = 	snop  }
0x4: {  	_ = 	snop  }
0x5: {  	_ = 	snop  }
0x6: {  	_ = 	snop  }
0x7: {  	_ = 	snop  }
__scs_overlays_trampoline_lowered:
0x8: {  	[smem:$0x3FA9] =	sst s0  }
0x9: {  	[smem:$0x3FAA] =	sst s1  }
0xa: {  	[smem:$0x3FAB] =	sst s2  }
0xb: {  	[smem:$0x3FAC] =	sst s3  }
0xc: {  	[smem:$0x3FAD] =	sst s4  }
0xd: {  	[smem:$0x3FAE] =	sst s5  }
0xe: {  	[smem:$0x3FAF] =	sst s6  }
0xf: {  	[smem:$0x3FB0] =	sst s7  }
0x10: {  	[smem:$0x3FB1] =	sst s8  }
0x11: {  	[smem:$0x3FB2] =	sst s9;
	s0 =	simm.s32 @!p0 $0x0  }
0x12: {  	s1 =	sld [smem:$0x3F98];
	s0 =	simm.s32 @p0 $0x1  }
0x13: {  	[smem:$0x3FB3] =	sst s0;
	s0 =	simm.s32 @!p1 $0x0  }
0x14: {  	s2 =	sld [smem:$0x3F97];
	s0 =	simm.s32 @p1 $0x1  }
0x15: {  	[smem:$0x3FB4] =	sst s0;
	s0 =	simm.s32 @!p2 $0x0  }
0x16: {  	s3 =	sld [smem:$0x3FDB];
	s0 =	simm.s32 @p2 $0x1  }
0x17: {  	s4 =	simm.s32 $0x1BF5;
	[smem:$0x3FB6] =	sst s0  }
0x18: {  	s0 =	sld [smem:$0x3F99];
	_ =	swait.ge [sflag:s4], $0x0  }
0x19: {  	s7 =	sld [smem:$0x3F9A]  }
0x1a: {  	s8 =	sadd.s32 $0xFFFFE003, lr  }
0x1b: {  	s9 =	sadd.s32 $0xFFFFFEF7, lr;
	s5 =	simm.s32 $0xFFFFFFFF;
	p2 =	slt.u32 s8, $0xFFFFF086  }
0x1c: {  	p1 =	slt.u32 s9, $0xF7A;
	s5 =	simm.s32 @!p2 $0x0  }
0x1d: {  	s5 =	simm.s32 @p1 $0x1;
	p0 =	seq.s32 s7, s2  }
0x1e: {  	s7 =	smul.u32 @!p0 $0xF7A, s2;
	p2 =	seq.s32 @!p0 s5, $0x0  }
0x1f: {  	s9 =	smul.u32 $0xF7A, s1;
	s8 =	simm.s32 @!p0 $0x1BF5;
	p2 =	por !p2, p0  }
0x20: {  	[sflag:s8] =	ssyncset.s32 @!p0 $0xFFFFF086;
	s6 =	sadd.s32 @!p0 s3, s7;
	s7 =	simm.s32 @!p0 $0x108  }
0x21: {  	s3 =	sadd.s32 s3, s9;
	s6 =	sadd.s32 @!p0 $0x88, s6;
	s7 =	simm.s32 @p2 $0x1082  }
0x22: {  	[simem:s7], [sflag:s8] =	dma.local @!p0 [hbm:s6], $0xF7A  }
0x23: {  	s9 =	sor.u32 $0xD0000000, s2;
	s6 =	simm.s32 $0x108;
	_ =	swait.ge @!p0 [sflag:s8], $0x0  }
0x24: {  	s3 =	sadd.s32 $0x88, s3;
	s6 =	simm.s32 @!p1 $0x1082;
	[sflag:s4] =	ssyncset.s32 $0xFFFFF086  }
0x25: {  	[simem:s6], [sflag:s4] =	dma.local [hbm:s3], $0xF7A  }
0x26: {  	[smem:$0x3F9A] =	sst s1;
	(tag) =	ssettag s2;
	_ =	strace s9  }
0x27: {  	s1 =	sld [smem:$0x3FAA]  }
0x28: {  	s2 =	sld [smem:$0x3FAB]  }
0x29: {  	s4 =	sld [smem:$0x3FAD]  }
0x2a: {  	p0 =	seq.s32 s5, $0x0;
	s5 =	sld [smem:$0x3FAE]  }
0x2b: {  	s6 =	sld [smem:$0x3FAF]  }
0x2c: {  	s7 =	sld [smem:$0x3FB0]  }
0x2d: {  	s3 =	simm.s32 $0x108;
	s8 =	sld [smem:$0x3FB1]  }
0x2e: {  	s3 =	simm.s32 @!p0 $0x1082;
	s9 =	sld [smem:$0x3FB2]  }
0x2f: {  	lr =	sadd.s32 s0, s3;
	s0 =	sld [smem:$0x3FA9]  }
0x30: {  	s3 =	sld [smem:$0x3FAC]  }
0x31: {  	[smem:$0x3FB5] =	sst s10  }
0x32: {  	s10 =	sld [smem:$0x3FB3];
	_ =	sdelay $0x3  }
0x33: {  	p0 =	seq.s32 s10, $0x1;
	s10 =	sld [smem:$0x3FB5];
	_ =	sdelay $0x3  }
0x34: {  	[smem:$0x3FB5] =	sst s10  }
0x35: {  	s10 =	sld [smem:$0x3FB4];
	_ =	sdelay $0x3  }
0x36: {  	p1 =	seq.s32 s10, $0x1;
	s10 =	sld [smem:$0x3FB5];
	_ =	sdelay $0x3  }
0x37: {  	[smem:$0x3FB5] =	sst s10  }
0x38: {  	s10 =	sld [smem:$0x3FB6]  }
0x39: {  	_ = 	snop;
	(pc) =	sbr.ind lr, $3  }
0x3a: {  	_ = 	snop  }
0x3b: {  	_ = 	snop  }
0x3c: {  	p2 =	seq.s32 s10, $0x1;
	s10 =	sld [smem:$0x3FB5]  }
0x3d: {  	_ =	shalt  }
0x3e: {  	_ =	shalt  }
0x3f: {  	_ =	shalt  }
0x40: {  	_ =	shalt  }
0x41: {  	_ =	shalt  }
0x42: {  	_ =	shalt  }
0x43: {  	_ =	shalt  }
0x44: {  	_ =	shalt  }
0x45: {  	_ =	shalt  }
0x46: {  	_ =	shalt  }
0x47: {  	_ =	shalt  }
0x48: {  	_ =	shalt  }
0x49: {  	_ =	shalt  }
0x4a: {  	_ =	shalt  }
0x4b: {  	_ =	shalt  }
0x4c: {  	_ =	shalt  }
0x4d: {  	_ =	shalt  }
0x4e: {  	_ =	shalt  }
0x4f: {  	_ =	shalt  }
0x50: {  	_ =	shalt  }
0x51: {  	_ =	shalt  }
0x52: {  	_ =	shalt  }
0x53: {  	_ =	shalt  }
0x54: {  	_ =	shalt  }
0x55: {  	_ =	shalt  }
0x56: {  	_ =	shalt  }
0x57: {  	_ =	shalt  }
0x58: {  	_ =	shalt  }
0x59: {  	_ =	shalt  }
0x5a: {  	_ =	shalt  }
0x5b: {  	_ =	shalt  }
0x5c: {  	_ =	shalt  }
0x5d: {  	_ =	shalt  }
0x5e: {  	_ =	shalt  }
0x5f: {  	_ =	shalt  }
0x60: {  	_ =	shalt  }
0x61: {  	_ =	shalt  }
0x62: {  	_ =	shalt  }
0x63: {  	_ =	shalt  }
0x64: {  	_ =	shalt  }
0x65: {  	_ =	shalt  }
0x66: {  	_ =	shalt  }
0x67: {  	_ =	shalt  }
0x68: {  	_ =	shalt  }
0x69: {  	_ =	shalt  }
0x6a: {  	_ =	shalt  }
0x6b: {  	_ =	shalt  }
0x6c: {  	_ =	shalt  }
0x6d: {  	_ =	shalt  }
0x6e: {  	_ =	shalt  }
0x6f: {  	_ =	shalt  }
0x70: {  	_ =	shalt  }
0x71: {  	_ =	shalt  }
0x72: {  	_ =	shalt  }
0x73: {  	_ =	shalt  }
0x74: {  	_ =	shalt  }
0x75: {  	_ =	shalt  }
0x76: {  	_ =	shalt  }
0x77: {  	_ =	shalt  }
0x78: {  	_ =	shalt  }
0x79: {  	_ =	shalt  }
0x7a: {  	_ =	shalt  }
0x7b: {  	_ =	shalt  }
0x7c: {  	_ =	shalt  }
0x7d: {  	_ =	shalt  }
0x7e: {  	_ =	shalt  }
0x7f: {  	_ =	shalt  }
0x80: {  	_ =	shalt  }
0x81: {  	_ =	shalt  }
0x82: {  	_ =	shalt  }
0x83: {  	_ =	shalt  }
0x84: {  	_ =	shalt  }
0x85: {  	_ =	shalt  }
0x86: {  	_ =	shalt  }
0x87: {  	_ =	shalt  }
.Lfunc_end0:
.L_simem_size_0:
called_computation.2_lowered:
.L_overlay_start_0:
0x88: {  	s2 =	sld [smem:$0x3FD9]  }
0x89: {  	s3 =	sld [smem:$0x3FFE];
	_ =	sdelay $0x1  }
0x8a: {  	s1 =	srdreg.scid  }
0x8b: {  	s0 =	sand.u32 $0x1, s1  }
0x8c: {  	s17 =	sshll.u32 s0, $0xA;
	s2 =	sadd.s32 s3, s2  }
0x8d: {  	s2 =	sadd.s32 s2, s17  }
0x8e: {  	[smem:$0x3FC1] =	sst s2  }
0x8f: {  	_ = 	snop  }
0x90: {  	s2 =	sld [smem:$0x3FD0];
	(tm) =	ssettm $0x1  }
0x91: {  	s18 =	sld [smem:$0x3FFB];
	_ =	sdelay $0x3  }
0x92: {  	_ =	strace s18  }
0x93: {  	s3 =	sld [smem:$0x3FFC];
	_ =	sdelay $0x3  }
0x94: {  	_ =	strace s3  }
0x95: {  	s3 =	sld [smem:$0x3FFD];
	_ =	sdelay $0x3  }
0x96: {  	_ =	strace s3  }
0x97: {  	_ =	strace $0x8FFFFFFF  }
0x98: {  	s19 =	sld [smem:$0x3FDB];
	_ =	sdelay $0x1  }
0x99: {  	s4 =	simm.s32 $_scs_section_size  }
0x9a: {  	s5 =	simm.s32 $_size__tile_overlayer_lowered;
	s6 =	simm.s32 $_tile_overlayer_lowered  }
0x9b: {  	s22 =	simm.s32 $0x1BFF;
	s21 =	sshll.u32 s6, $0x1;
	s3 =	sadd.s32 s4, s19  }
0x9c: {  	s7 =	simm.s32 $0x0;
	s20 =	sshll.u32 s5, $0x1;
	s5 =	sadd.s32 s21, s3  }
0x9d: {  	[timem:s7], [sflag:s22] =	dma.local [hbm:s5], s20  }
0x9e: {  	_ =	swait.ge [sflag:s22], s20  }
0x9f: {  	s4 =	ssub.s32 $0x0, s20;
	[sflag:s22] =	ssyncset.done $0x0  }
0xa0: {  	[sflag:s22] =	ssyncadd.s32 s4;
	_ =	sdelay $0x1  }
0xa1: {  	s23 =	simm.s32 $0x1B8B  }
0xa2: {  	_ =	swait.ge [sflag:s23], $0x1  }
0xa3: {  	[sflag:s23] =	ssyncset.done $0x0  }
0xa4: {  	s25 =	simm.s32 $0x1B8E;
	s24 =	sld [smem:$0x3FFE];
	[sflag:s23] =	ssyncadd.s32 $0xFFFFFFFF  }
0xa5: {  	s26 =	simm.s32 $execute0_lowered;
	[smem:$0x3FD2] =	sst s25  }
0xa6: {  	s5 =	sshll.u32 s26, $0x1;
	_ =	strace $0x80000049;
	[dreg:$0x1] =	wrdreg $0xFFFFFFFF  }
0xa7: {  	s28 =	simm.s32 $_size_execute0_lowered;
	s3 =	sadd.s32 s3, s5;
	[dreg:$0x0] =	wrdreg $0x0  }
0xa8: {  	s5 =	sshll.u32 s28, $0x1;
	[dreg:$0x2] =	wrdreg s3  }
0xa9: {  	[dreg:$0x3] =	wrdreg s5  }
0xaa: {  	[dreg:$0x4] =	wrdreg $0xC0  }
0xab: {  	_ =	task [dreg:s7], $0x5FFFF  }
0xac: {  	[dreg:$0x1] =	wrdreg $0xFFFFFFFF  }
0xad: {  	[dreg:$0x0] =	wrdreg $0x60  }
0xae: {  	[dreg:$0x2] =	wrdreg s24  }
0xaf: {  	[dreg:$0x3] =	wrdreg s2  }
0xb0: {  	[dreg:$0x4] =	wrdreg $0x9  }
0xb1: {  	_ =	task.clear_ibuf [dreg:s7], $0x5FFFF;
	_ =	strace $0x90000049  }
0xb2: {  	s29 =	simm.s32 $0x9;
	_ =	strace $0x8000004B  }
0xb3: {  	_ =	swait.ge [sflag:s29], $0x1  }
0xb4: {  	[sflag:s29] =	ssyncadd.s32 $0xFFFFFFFF  }
0xb5: {  	_ =	strace $0x9000004B  }
0xb6: {  	_ =	sfence  }
0xb7: {  	s30 =	sld [smem:$0x0];
	_ =	sdelay $0x2  }
0xb8: {  	s31 =	sshll.u32 s1, $0xD;
	s1 =	sshrl.u32 s1, $0x2  }
0xb9: {  	s3 =	sand.u32 $0x4000, s31;
	s1 =	sadd.s32 s1, s30  }
0xba: {  	s0 =	sor.u32 s3, s0;
	s1 =	sshll.u32 s1, $0x11  }
0xbb: {  	s0 =	sor.u32 s1, s0  }
0xbc: {  	s0 =	sadd.s32 $0x8F2B, s0  }
0xbd: {  	[sflag:s0] =	ssyncadd.remote.s32 $0x1  }
0xbe: {  	_ =	sfence.sel $0xFFFF  }
0xbf: {  	[dreg:$0x0] =	wrdreg $0xFFFFFFFF;
	(pc) =	sbr.abs _section_cstart, $3  }
0xc0: {  	[dreg:$0x1] =	wrdreg $0xFFFFFFFF  }
0xc1: {  	_ =	task.clear_ibuf [dreg:s7], $0x2FFFF;
	_ =	strace $0x9FFFFFFF  }
0xc2: {  	(tm) =	ssettm $0x7FFFFFFF  }
0xc3: {  	_ =	shalt  }
tec
execute0_lowered:
.L_overlay_start_1:
0x0: {  	(tag) =	ssettag $0x1  }
0x1: {  	s0 =	stileid.u32;
	s1 =	srdreg.scid  }
0x2: {  	s1 =	sand.u32 $0x1, s1;
	s2 =	sshll.u32 s0, $0x1  }
0x3: {  	s1 =	sor.u32 s2, s1  }
0x4: {  	s2 =	smul.u32 $0xA00, s1;
	_ =	sdelay $0x1  }
0x5: {  	s9 =	rddreg [dreg:$0x0];
	s7 =	ssub.s32 $0x50000, s2  }
0x6: {  	s3 =	rddreg [dreg:$0x1];
	s4 =	smulhi.u32 $0x66667, s7  }
0x7: {  	s6 =	simm.s32 $0x2;
	s11 =	simm.s32 $0x3;
	s14 =	simm.s32 $0x0  }
0x8: {  	s13 =	simm.s32 $0x0;
	s5 =	sadd.s32 $0x406000, s9;
	s8 =	sshrl.u32 s4, $0x3  }
0x9: {  	s1 =	rddreg [dreg:$0x2];
	_ =	strace $0x8000004A;
	s10 =	smul.u32 $0x14000, s8  }
.Ltmp0:
0xa: {  	s12 =	smov.u32 s2;
	s4 =	simm.s32 $0x1;
	(pc) =	sbr.rel .LBB2_1-.Ltmp0, $4  }
0xb: {  	[sflag:s4] =	ssyncpa.u1 $0x0;
	p0 =	sne.s32 s7, s10;
	s10 =	simm.s32 $0x1  }
0xc: {  	[sflag:s6] =	ssyncpa.u1 $0x0;
	s7 =	sadd.s32 $0x6000, s9;
	s10 =	simm.s32 @!p0 $0x0  }
0xd: {  	[sflag:s11] =	ssyncpa.u1 $0x0;
	s9 =	sadd.s32 $0x56000, s9;
	s8 =	sadd.s32 s10, s8  }
0xe: {  	vm0 =	vmmov $0xffff;
	v0 =	vlaneseq.u32;
	s11 =	simm.s32 $0x0;
	p0 =	por $0x0, $0x0;
	s10 =	sadd.s32 $0x1, s8  }
.LBB2_4:
0xf: {  	_ =	sdelay $0x2  }
0x10: {  	(ifvalue) =	ssetifvalue $0x7FFFFFFF  }
0x11: {  	[tilespmem:s23], [sflag:$0x1] =	stream.indirect_vreg.gather [hbm4b:s5+s11], $0x1, v1, vm0, $0x4038;
	[tilespmem:$0x15400] =	vst v63  }
0x12: {  	s17 =	sshll.u32 s14, $0x3  }
0x13: {  	s30 =	sand.u32 $0x78, s14;
	s17 =	sand.u32 $0xFFFFFC00, s17  }
0x14: {  	_ =	swait.ge [sflag:s4], $0xA000;
	s14 =	sor.u32 s30, s17  }
0x15: {  	[sflag:s4] =	ssyncset.done $0x0;
	s14 =	sshrl.u32 s14, $0x3  }
0x16: {  	[sflag:s4] =	ssyncadd.s32 $0xFFFF6000;
	s31 =	sadd.s32 s7, s14  }
0x17: {  	[hbm:s31] =	stream.linear.scatter [tilespmem:s16], [sflag:$0x3], $0x5000, $0x38;
	[tilespmem:$0x15400] =	vst v63  }
0x18: {  	s15 =	sadd.s32 $0x6400, s15;
	s14 =	sadd.s32 s14, s9  }
0x19: {  	[hbm:s14] =	stream.linear.scatter [tilespmem:s15], [sflag:$0x3], $0x5000, $0x38;
	[tilespmem:$0x15400] =	vst v63  }
.LBB2_5:
0x1a: {  	s16 =	sadd.s32 $0x14000, s12  }
0x1b: {  	p2 =	sgt.s32 s16, $0x4FFFF  }
0x1c: {  	s16 =	smov.u32 @p2 s2;
	p2 =	sne.s32 s13, s10  }
.Ltmp1:
0x1d: {  	p1 =	slt.u32 s13, $0x2;
	(pc) =	sbr.rel @!p2 .LBB2_6-.Ltmp1, $4  }
0x1e: {  	s15 =	simm.s32 @!p1 $0x3  }
0x1f: {  	s17 =	sadd.s32 $0x1, s13;
	_ =	swait.ge @!p1 [sflag:s15], $0xA000  }
0x20: {  	s14 =	smov.u32 s12;
	p0 =	por !p0, !p0;
	[sflag:s15] =	ssyncset.done @!p1 $0x0  }
0x21: {  	s13 =	smov.u32 s17;
	s12 =	smov.u32 s16;
	[sflag:s15] =	ssyncadd.s32 @!p1 $0xFFFF6000  }
.LBB2_1:
0x22: {  	p1 =	sge.u32 s13, s8  }
0x23: {  	s15 =	sxor.u32 @!p1 $0xFFFFFFFF, s13  }
0x24: {  	s15 =	sand.u32 @!p1 $0x1, s15  }
0x25: {  	s15 =	smul.u32 @!p1 $0x2800, s15  }
0x26: {  	s31 =	sadd.s32 $0xFFFFFFFF, s13;
	s16 =	sshrl.u32 @!p1 s12, $0x3  }
0x27: {  	s17 =	sand.u32 @!p1 $0x7, s12;
	s16 =	sadd.s32 @!p1 s3, s16;
	s15 =	sshrl.u32 @!p1 s15, $0x2  }
0x28: {  	[tilespmem:s15], [sflag:$0x2] =	stream.linear.gather @!p1 [hbm4b:s16+s17], $0xA00, $0x38;
	[tilespmem:$0x15400] =	vst v63  }
0x29: {  	p1 =	sge.u32 s31, s8  }
.Ltmp2:
0x2a: {  	_ = 	snop;
	(pc) =	sbr.rel @p1 .LBB2_5-.Ltmp2, $1  }
0x2b: {  	_ =	sdelay $0x3  }
0x2c: {  	s15 =	simm.s32 $0x1  }
0x2d: {  	s15 =	simm.s32 @!p0 $0x0  }
0x2e: {  	_ =	swait.ge [sflag:s6], $0xA00;
	s15 =	smul.u32 $0x2800, s15  }
0x2f: {  	[sflag:s6] =	ssyncset.done $0x0  }
0x30: {  	[sflag:s6] =	ssyncadd.s32 $0xFFFFF600;
	s21 =	sshrl.u32 s15, $0x2  }
0x31: {  	v1 =	vld.msk [tilespmem:s21+$0x0 ss:$0x1], $0xffff;
	_ =	sdelay $0x3  }
0x32: {  	s19 =	ssub.s32 $0x50000, s14  }
0x33: {  	p1 =	slt.s32 s19, $0xA00;
	v2 =	vshrl.u32 v1, $0xE  }
0x34: {  	s19 =	simm.s32 @!p1 $0xA00;
	v3 =	vshll.u32 v1, $0x16;
	v4 =	vshll.u32 v1, $0x8;
	vm1 =	veq.s32 v1, $0x80000000  }
0x35: {  	p1 =	sgt.s32 s19, $0x0;
	s15 =	smov.u32 s19;
	v2 =	vand.u32 $0x7F, v2;
	v3 =	vand.u32 $0x1C00000, v3;
	v4 =	vand.u32 $0x3FF800, v4  }
0x36: {  	s15 =	simm.s32 @!p1 $0x0;
	v1 =	vor.u32 v4, v3;
	v2 =	vsel vm1, $0xFFFFFFFF, v2  }
0x37: {  	s15 =	smin.u32 s15, $0x10;
	v1 =	vsel vm1, $0xFFBFF800, v1;
	v3 =	vand.u32 $0xFFFFFC00, v2  }
0x38: {  	s16 =	sand.u32 $0x1, s13;
	v50 =	vmov s15;
	v2 =	vand.u32 $0x7F, v2;
	v1 =	vadd.s32 v3, v1  }
0x39: {  	s26 =	smul.u32 $0x28000, s16;
	vm1 =	vgt.u32 v50, v0;
	v1 =	vor.u32 v2, v1  }
0x3a: {  	v2 =	vnsel vm1, $0x7FFFFFFF, v1  }
0x3b: {  	s18 =	simm.s32 $0x0;
	s15 =	sshrl.u32 s26, $0x2  }
0x3c: {  	s17 =	simm.s32 $0x0;
	s18 =	sand.u32 $0x7C00, s18;
	s16 =	sor.u32 $0x1400, s15;
	v3 =	vor.u32 $0x80, v1  }
0x3d: {  	s20 =	sand.u32 $0x70, s17;
	(ifvalue) =	ssetifvalue $0x7FFFFFFF;
	s18 =	sadd.s32 s18, s16;
	v3 =	vnsel vm1, $0x7FFFFFFF, v3  }
0x3e: {  	(ifvalue) =	ssetifvalue $0x7FFFFFFF;
	s20 =	sadd.s32 s20, s18  }
0x3f: {  	v51 =	vor.u32 $0x100, v1;
	[tilespmem:s20], [sflag:$0x1] =	stream.indirect_vreg.gather [hbm4b:s5+s11], $0x1, v2, vm0, $0x4038;
	[tilespmem:$0x15400] =	vst v63  }
0x40: {  	v2 =	vnsel vm1, $0x7FFFFFFF, v51;
	(ifvalue) =	ssetifvalue $0x7FFFFFFF  }
0x41: {  	s18 =	sadd.s32 $0x80, s20;
	(ifvalue) =	ssetifvalue $0x7FFFFFFF  }
0x42: {  	v52 =	vor.u32 $0x180, v1;
	[tilespmem:s18], [sflag:$0x1] =	stream.indirect_vreg.gather [hbm4b:s5+s11], $0x1, v3, vm0, $0x4038;
	[tilespmem:$0x15400] =	vst v63  }
0x43: {  	v3 =	vnsel vm1, $0x7FFFFFFF, v52;
	(ifvalue) =	ssetifvalue $0x7FFFFFFF  }
0x44: {  	s28 =	sadd.s32 $0x100, s20;
	(ifvalue) =	ssetifvalue $0x7FFFFFFF  }
0x45: {  	v53 =	vor.u32 $0x200, v1;
	[tilespmem:s28], [sflag:$0x1] =	stream.indirect_vreg.gather [hbm4b:s5+s11], $0x1, v2, vm0, $0x4038;
	[tilespmem:$0x15400] =	vst v63  }
0x46: {  	v2 =	vnsel vm1, $0x7FFFFFFF, v53;
	(ifvalue) =	ssetifvalue $0x7FFFFFFF  }
0x47: {  	s29 =	sadd.s32 $0x180, s20;
	(ifvalue) =	ssetifvalue $0x7FFFFFFF  }
0x48: {  	v54 =	vor.u32 $0x280, v1;
	[tilespmem:s29], [sflag:$0x1] =	stream.indirect_vreg.gather [hbm4b:s5+s11], $0x1, v3, vm0, $0x4038;
	[tilespmem:$0x15400] =	vst v63  }
0x49: {  	v3 =	vnsel vm1, $0x7FFFFFFF, v54;
	(ifvalue) =	ssetifvalue $0x7FFFFFFF  }
0x4a: {  	s30 =	sadd.s32 $0x200, s20;
	(ifvalue) =	ssetifvalue $0x7FFFFFFF  }
0x4b: {  	v55 =	vor.u32 $0x300, v1;
	[tilespmem:s30], [sflag:$0x1] =	stream.indirect_vreg.gather [hbm4b:s5+s11], $0x1, v2, vm0, $0x4038;
	[tilespmem:$0x15400] =	vst v63  }
0x4c: {  	v2 =	vnsel vm1, $0x7FFFFFFF, v55;
	(ifvalue) =	ssetifvalue $0x7FFFFFFF  }
0x4d: {  	s22 =	sand.u32 $0x7, s17;
	s31 =	sadd.s32 $0x280, s20;
	(ifvalue) =	ssetifvalue $0x7FFFFFFF  }
0x4e: {  	v56 =	vor.u32 $0x380, v1;
	[tilespmem:s31], [sflag:$0x1] =	stream.indirect_vreg.gather [hbm4b:s5+s11], $0x1, v3, vm0, $0x4038;
	[tilespmem:$0x15400] =	vst v63  }
0x4f: {  	s22 =	sshll.u32 s22, $0x4;
	v3 =	vnsel vm1, $0x7FFFFFFF, v56;
	(ifvalue) =	ssetifvalue $0x7FFFFFFF  }
0x50: {  	s23 =	sadd.s32 $0x300, s20;
	s18 =	sadd.s32 $0x0, s22;
	(ifvalue) =	ssetifvalue $0x7FFFFFFF  }
0x51: {  	v57 =	vadd.s32 $0x400, v1;
	[tilespmem:s23], [sflag:$0x1] =	stream.indirect_vreg.gather [hbm4b:s5+s11], $0x1, v2, vm0, $0x4038;
	[tilespmem:$0x15400] =	vst v63  }
0x52: {  	s18 =	sor.u32 $0x380, s18;
	v2 =	vnsel vm1, $0x7FFFFFFF, v57;
	(ifvalue) =	ssetifvalue $0x7FFFFFFF  }
0x53: {  	s18 =	sadd.s32 s18, s16;
	(ifvalue) =	ssetifvalue $0x7FFFFFFF  }
0x54: {  	v58 =	vadd.s32 $0x480, v1;
	[tilespmem:s18], [sflag:$0x1] =	stream.indirect_vreg.gather [hbm4b:s5+s11], $0x1, v3, vm0, $0x4038;
	[tilespmem:$0x15400] =	vst v63  }
0x55: {  	v3 =	vnsel vm1, $0x7FFFFFFF, v58;
	(ifvalue) =	ssetifvalue $0x7FFFFFFF  }
0x56: {  	s24 =	sadd.s32 $0x5000, s20;
	(ifvalue) =	ssetifvalue $0x7FFFFFFF  }
0x57: {  	v59 =	vadd.s32 $0x500, v1;
	[tilespmem:s24], [sflag:$0x1] =	stream.indirect_vreg.gather [hbm4b:s5+s11], $0x1, v2, vm0, $0x4038;
	[tilespmem:$0x15400] =	vst v63  }
0x58: {  	v2 =	vnsel vm1, $0x7FFFFFFF, v59;
	(ifvalue) =	ssetifvalue $0x7FFFFFFF  }
0x59: {  	s25 =	sadd.s32 $0x5080, s20;
	(ifvalue) =	ssetifvalue $0x7FFFFFFF  }
0x5a: {  	v60 =	vadd.s32 $0x580, v1;
	[tilespmem:s25], [sflag:$0x1] =	stream.indirect_vreg.gather [hbm4b:s5+s11], $0x1, v3, vm0, $0x4038;
	[tilespmem:$0x15400] =	vst v63  }
0x5b: {  	v3 =	vnsel vm1, $0x7FFFFFFF, v60;
	(ifvalue) =	ssetifvalue $0x7FFFFFFF  }
0x5c: {  	s26 =	sadd.s32 $0x5100, s20;
	(ifvalue) =	ssetifvalue $0x7FFFFFFF  }
0x5d: {  	v61 =	vadd.s32 $0x600, v1;
	[tilespmem:s26], [sflag:$0x1] =	stream.indirect_vreg.gather [hbm4b:s5+s11], $0x1, v2, vm0, $0x4038;
	[tilespmem:$0x15400] =	vst v63  }
0x5e: {  	v2 =	vnsel vm1, $0x7FFFFFFF, v61;
	(ifvalue) =	ssetifvalue $0x7FFFFFFF  }
0x5f: {  	s28 =	sadd.s32 $0x5180, s20;
	(ifvalue) =	ssetifvalue $0x7FFFFFFF  }
0x60: {  	v62 =	vadd.s32 $0x680, v1;
	[tilespmem:s28], [sflag:$0x1] =	stream.indirect_vreg.gather [hbm4b:s5+s11], $0x1, v3, vm0, $0x4038;
	[tilespmem:$0x15400] =	vst v63  }
0x61: {  	v3 =	vnsel vm1, $0x7FFFFFFF, v62;
	(ifvalue) =	ssetifvalue $0x7FFFFFFF  }
0x62: {  	s29 =	sadd.s32 $0x5200, s20;
	(ifvalue) =	ssetifvalue $0x7FFFFFFF  }
0x63: {  	v63 =	vadd.s32 $0x700, v1;
	[tilespmem:s29], [sflag:$0x1] =	stream.indirect_vreg.gather [hbm4b:s5+s11], $0x1, v2, vm0, $0x4038;
	[tilespmem:$0x15400] =	vst v63  }
0x64: {  	v2 =	vnsel vm1, $0x7FFFFFFF, v63;
	(ifvalue) =	ssetifvalue $0x7FFFFFFF  }
0x65: {  	s19 =	sadd.s32 $0xFFFFFFF0, s19;
	s30 =	sadd.s32 $0x5280, s20;
	(ifvalue) =	ssetifvalue $0x7FFFFFFF  }
0x66: {  	v1 =	vadd.s32 $0x780, v1;
	[tilespmem:s30], [sflag:$0x1] =	stream.indirect_vreg.gather [hbm4b:s5+s11], $0x1, v3, vm0, $0x4038;
	[tilespmem:$0x15400] =	vst v63  }
0x67: {  	s21 =	sadd.s32 $0x10, s21;
	v1 =	vnsel vm1, $0x7FFFFFFF, v1;
	s22 =	simm.s32 $0x0;
	(ifvalue) =	ssetifvalue $0x7FFFFFFF  }
0x68: {  	s31 =	sadd.s32 $0x5300, s20;
	s23 =	sadd.s32 $0x5380, s20;
	(ifvalue) =	ssetifvalue $0x7FFFFFFF  }
0x69: {  	[tilespmem:s31], [sflag:$0x1] =	stream.indirect_vreg.gather [hbm4b:s5+s11], $0x1, v2, vm0, $0x4038;
	[tilespmem:$0x15400] =	vst v63  }
0x6a: {  	s20 =	simm.s32 $0xFFFFB080;
	s18 =	simm.s32 $0x10;
	(ifvalue) =	ssetifvalue $0x7FFFFFFF  }
.LBB2_3:
0x6b: {  	(ifvalue) =	ssetifvalue $0x7FFFFFFF;
	s17 =	sadd.s32 $0x80, s17;
	s22 =	sadd.s32 $0x1, s22  }
0x6c: {  	[tilespmem:s23], [sflag:$0x1] =	stream.indirect_vreg.gather [hbm4b:s5+s11], $0x1, v1, vm0, $0x4038;
	[tilespmem:$0x15400] =	vst v63  }
0x6d: {  	p1 =	sne.s32 s18, $0x9F0;
	s23 =	smov.u32 s18;
	s18 =	sadd.s32 $0x10, s18  }
0x6e: {  	v1 =	vld.msk [tilespmem:s21+$0x0 ss:$0x1], $0xffff  }
0x6f: {  	(ifvalue) =	ssetifvalue $0x7FFFFFFF;
	_ =	sdelay $0x4  }
0x70: {  	v2 =	vshrl.u32 v1, $0xE;
	v3 =	vshll.u32 v1, $0x16;
	v4 =	vshll.u32 v1, $0x8  }
0x71: {  	p2 =	sgt.s32 s19, $0x0;
	s24 =	smov.u32 s19;
	v2 =	vand.u32 $0x7F, v2;
	v3 =	vand.u32 $0x1C00000, v3;
	v4 =	vand.u32 $0x3FF800, v4  }
0x72: {  	s24 =	simm.s32 @!p2 $0x0;
	vm1 =	veq.s32 v1, $0x80000000;
	v1 =	vor.u32 v4, v3  }
0x73: {  	s24 =	smin.u32 s24, $0x10;
	v2 =	vsel vm1, $0xFFFFFFFF, v2;
	v1 =	vsel vm1, $0xFFBFF800, v1  }
0x74: {  	v4 =	vmov s24;
	v3 =	vand.u32 $0x7F, v2;
	v2 =	vand.u32 $0xFFFFFC00, v2  }
0x75: {  	vm1 =	vgt.u32 v4, v0;
	v1 =	vadd.s32 v2, v1  }
0x76: {  	v1 =	vor.u32 v3, v1  }
0x77: {  	s24 =	sadd.s32 $0x5000, s20;
	v2 =	vnsel vm1, $0x7FFFFFFF, v1;
	v3 =	vor.u32 $0x80, v1;
	v4 =	vor.u32 $0x100, v1  }
0x78: {  	s24 =	sand.u32 $0x7C00, s24;
	v5 =	vor.u32 $0x180, v1;
	v6 =	vor.u32 $0x200, v1;
	v7 =	vor.u32 $0x280, v1  }
0x79: {  	s23 =	sand.u32 $0x70, s23;
	s24 =	sadd.s32 s24, s16;
	v3 =	vnsel vm1, $0x7FFFFFFF, v3;
	v6 =	vnsel vm1, $0x7FFFFFFF, v6;
	v7 =	vnsel vm1, $0x7FFFFFFF, v7  }
0x7a: {  	s24 =	sadd.s32 s23, s24;
	v8 =	vor.u32 $0x300, v1;
	v9 =	vor.u32 $0x380, v1;
	v10 =	vadd.s32 $0x400, v1;
	(ifvalue) =	ssetifvalue $0x7FFFFFFF  }
0x7b: {  	s23 =	sadd.s32 $0x5380, s24;
	v8 =	vnsel vm1, $0x7FFFFFFF, v8;
	v9 =	vnsel vm1, $0x7FFFFFFF, v9;
	v10 =	vnsel vm1, $0x7FFFFFFF, v10  }
0x7c: {  	v11 =	vadd.s32 $0x500, v1;
	[tilespmem:s24], [sflag:$0x1] =	stream.indirect_vreg.gather [hbm4b:s5+s11], $0x1, v2, vm0, $0x4038;
	v2 =	vnsel vm1, $0x7FFFFFFF, v4;
	v4 =	vadd.s32 $0x480, v1;
	[tilespmem:$0x15400] =	vst v63  }
0x7d: {  	s25 =	sadd.s32 $0x80, s24;
	v12 =	vadd.s32 $0x580, v1;
	v11 =	vnsel vm1, $0x7FFFFFFF, v11;
	(ifvalue) =	ssetifvalue $0x7FFFFFFF;
	v4 =	vnsel vm1, $0x7FFFFFFF, v4  }
0x7e: {  	v13 =	vadd.s32 $0x600, v1;
	v14 =	vadd.s32 $0x680, v1;
	v12 =	vnsel vm1, $0x7FFFFFFF, v12;
	(ifvalue) =	ssetifvalue $0x7FFFFFFF  }
0x7f: {  	[tilespmem:s25], [sflag:$0x1] =	stream.indirect_vreg.gather [hbm4b:s5+s11], $0x1, v3, vm0, $0x4038;
	v3 =	vnsel vm1, $0x7FFFFFFF, v5;
	v5 =	vnsel vm1, $0x7FFFFFFF, v13;
	v13 =	vnsel vm1, $0x7FFFFFFF, v14;
	[tilespmem:$0x15400] =	vst v63  }
0x80: {  	s25 =	sadd.s32 $0x100, s24;
	v14 =	vadd.s32 $0x700, v1;
	v1 =	vadd.s32 $0x780, v1;
	(ifvalue) =	ssetifvalue $0x7FFFFFFF  }
0x81: {  	v14 =	vnsel vm1, $0x7FFFFFFF, v14;
	v1 =	vnsel vm1, $0x7FFFFFFF, v1;
	(ifvalue) =	ssetifvalue $0x7FFFFFFF  }
0x82: {  	[tilespmem:s25], [sflag:$0x1] =	stream.indirect_vreg.gather [hbm4b:s5+s11], $0x1, v2, vm0, $0x4038;
	[tilespmem:$0x15400] =	vst v63  }
0x83: {  	s25 =	sadd.s32 $0x180, s24;
	(ifvalue) =	ssetifvalue $0x7FFFFFFF  }
0x84: {  	(ifvalue) =	ssetifvalue $0x7FFFFFFF  }
0x85: {  	[tilespmem:s25], [sflag:$0x1] =	stream.indirect_vreg.gather [hbm4b:s5+s11], $0x1, v3, vm0, $0x4038;
	[tilespmem:$0x15400] =	vst v63  }
0x86: {  	s25 =	sadd.s32 $0x200, s24;
	(ifvalue) =	ssetifvalue $0x7FFFFFFF  }
0x87: {  	(ifvalue) =	ssetifvalue $0x7FFFFFFF  }
0x88: {  	[tilespmem:s25], [sflag:$0x1] =	stream.indirect_vreg.gather [hbm4b:s5+s11], $0x1, v6, vm0, $0x4038;
	[tilespmem:$0x15400] =	vst v63  }
0x89: {  	s25 =	sadd.s32 $0x280, s24;
	(ifvalue) =	ssetifvalue $0x7FFFFFFF  }
0x8a: {  	s26 =	sand.u32 $0x7, s22;
	(ifvalue) =	ssetifvalue $0x7FFFFFFF  }
0x8b: {  	[tilespmem:s25], [sflag:$0x1] =	stream.indirect_vreg.gather [hbm4b:s5+s11], $0x1, v7, vm0, $0x4038;
	[tilespmem:$0x15400] =	vst v63  }
0x8c: {  	s25 =	sshll.u32 s26, $0x4;
	s26 =	sadd.s32 $0x300, s24;
	(ifvalue) =	ssetifvalue $0x7FFFFFFF  }
0x8d: {  	s25 =	sadd.s32 s25, s17;
	(ifvalue) =	ssetifvalue $0x7FFFFFFF  }
0x8e: {  	[tilespmem:s26], [sflag:$0x1] =	stream.indirect_vreg.gather [hbm4b:s5+s11], $0x1, v8, vm0, $0x4038;
	[tilespmem:$0x15400] =	vst v63  }
0x8f: {  	s25 =	sor.u32 $0x380, s25;
	(ifvalue) =	ssetifvalue $0x7FFFFFFF  }
0x90: {  	s25 =	sadd.s32 s25, s16;
	(ifvalue) =	ssetifvalue $0x7FFFFFFF  }
0x91: {  	[tilespmem:s25], [sflag:$0x1] =	stream.indirect_vreg.gather [hbm4b:s5+s11], $0x1, v9, vm0, $0x4038;
	[tilespmem:$0x15400] =	vst v63  }
0x92: {  	s25 =	sadd.s32 $0x5000, s24;
	(ifvalue) =	ssetifvalue $0x7FFFFFFF  }
0x93: {  	(ifvalue) =	ssetifvalue $0x7FFFFFFF  }
0x94: {  	[tilespmem:s25], [sflag:$0x1] =	stream.indirect_vreg.gather [hbm4b:s5+s11], $0x1, v10, vm0, $0x4038;
	[tilespmem:$0x15400] =	vst v63  }
0x95: {  	s25 =	sadd.s32 $0x5080, s24;
	(ifvalue) =	ssetifvalue $0x7FFFFFFF  }
0x96: {  	(ifvalue) =	ssetifvalue $0x7FFFFFFF  }
0x97: {  	[tilespmem:s25], [sflag:$0x1] =	stream.indirect_vreg.gather [hbm4b:s5+s11], $0x1, v4, vm0, $0x4038;
	[tilespmem:$0x15400] =	vst v63  }
0x98: {  	s25 =	sadd.s32 $0x5100, s24;
	(ifvalue) =	ssetifvalue $0x7FFFFFFF  }
0x99: {  	(ifvalue) =	ssetifvalue $0x7FFFFFFF  }
0x9a: {  	[tilespmem:s25], [sflag:$0x1] =	stream.indirect_vreg.gather [hbm4b:s5+s11], $0x1, v11, vm0, $0x4038;
	[tilespmem:$0x15400] =	vst v63  }
0x9b: {  	s25 =	sadd.s32 $0x5180, s24;
	(ifvalue) =	ssetifvalue $0x7FFFFFFF  }
0x9c: {  	(ifvalue) =	ssetifvalue $0x7FFFFFFF  }
0x9d: {  	[tilespmem:s25], [sflag:$0x1] =	stream.indirect_vreg.gather [hbm4b:s5+s11], $0x1, v12, vm0, $0x4038;
	[tilespmem:$0x15400] =	vst v63  }
0x9e: {  	s25 =	sadd.s32 $0x5200, s24;
	(ifvalue) =	ssetifvalue $0x7FFFFFFF  }
0x9f: {  	(ifvalue) =	ssetifvalue $0x7FFFFFFF  }
0xa0: {  	[tilespmem:s25], [sflag:$0x1] =	stream.indirect_vreg.gather [hbm4b:s5+s11], $0x1, v5, vm0, $0x4038;
	[tilespmem:$0x15400] =	vst v63  }
0xa1: {  	(ifvalue) =	ssetifvalue $0x7FFFFFFF  }
0xa2: {  	s25 =	sadd.s32 $0x5280, s24;
	(ifvalue) =	ssetifvalue $0x7FFFFFFF  }
0xa3: {  	[tilespmem:s25], [sflag:$0x1] =	stream.indirect_vreg.gather [hbm4b:s5+s11], $0x1, v13, vm0, $0x4038;
	[tilespmem:$0x15400] =	vst v63  }
.Ltmp3:
0xa4: {  	_ = 	snop;
	(pc) =	sbr.rel @p1 .LBB2_3-.Ltmp3, $4  }
0xa5: {  	(ifvalue) =	ssetifvalue $0x7FFFFFFF  }
0xa6: {  	s19 =	sadd.s32 $0xFFFFFFF0, s19;
	s24 =	sadd.s32 $0x5300, s24;
	(ifvalue) =	ssetifvalue $0x7FFFFFFF  }
0xa7: {  	[tilespmem:s24], [sflag:$0x1] =	stream.indirect_vreg.gather [hbm4b:s5+s11], $0x1, v14, vm0, $0x4038;
	[tilespmem:$0x15400] =	vst v63  }
0xa8: {  	s21 =	sadd.s32 $0x10, s21;
	s20 =	sadd.s32 $0x80, s20;
	(ifvalue) =	ssetifvalue $0x7FFFFFFF  }
.Ltmp4:
0xa9: {  	_ = 	snop;
	(pc) =	sbr.rel .LBB2_4-.Ltmp4, $1  }
0xaa: {  	_ =	sdelay $0x3  }
.LBB2_6:
0xab: {  	_ =	sfence.sel $0x180000  }
0xac: {  	s2 =	simm.s32 $0x2;
	[bflag:$0x0] =	sbarrier.arrive $0xFFFF  }
0xad: {  	s30 =	simm.s32 $0x3;
	[sflag:s2] =	ssyncpa.u1 $0x1  }
0xae: {  	s31 =	simm.s32 $0x1;
	[sflag:s30] =	ssyncpa.u1 $0x1  }
0xaf: {  	[sflag:s31] =	ssyncpa.u1 $0x1  }
0xb0: {  	p0 =	sne.s32 s0, $0x0;
	_ =	strace $0x9000004A  }
0xb1: {  	s0 =	sadd.s32 @!p0 $0x100000, s1;
	[bflag:$0x2] =	sbarrier.arrive $0xFFFF  }
0xb2: {  	[sflag:s0] =	ssyncadd.tile.s32 @!p0 $0x1;
	_ =	shalt  }
.Lfunc_end2:
_tile_overlayer_lowered:
.L_overlay_start_2:
0xb3: {  	(tag) =	ssettag $0x2  }
0xb4: {  	s0 =	rddreg [dreg:$0x0];
	s2 =	stileid.u32  }
0xb5: {  	s1 =	rddreg [dreg:$0x1];
	p0 =	sne.s32 s2, $0x0  }
0xb6: {  	s3 =	rddreg [dreg:$0x2];
	[bflag:$0x3] =	sbarrier.arrive $0xFFFF;
	s2 =	simm.s32 @!p0 $0x1C01  }
0xb7: {  	[timem:s3], [sflag:s2] =	dma.local @!p0 [hbm:s0], s1  }
0xb8: {  	s0 =	simm.s32 @!p0 $0x1  }
0xb9: {  	_ =	swait.ge @!p0 [sflag:s0], s1  }
0xba: {  	s1 =	ssub.s32 @!p0 $0x0, s1;
	[sflag:s0] =	ssyncset.done @!p0 $0x0  }
0xbb: {  	[sflag:s0] =	ssyncadd.s32 @!p0 s1  }
0xbc: {  	[bflag:$0x3] =	sbarrier.arrive $0xFFFF  }
0xbd: {  	_ =	shalt  }

// kernel: kernel.4.cloned.1.call-start
scs
__scs_entry_jumppad:
0x0: {  	(pc) =	sbr.rel $0x88, $3  }
0x1: {  	(tag) =	ssettag $0x0;
	lr =	simm.s32 $0x1  }
0x2: {  	[smem:$0x3F9A] =	sst lr;
	_ =	strace $0xD0000000  }
0x3: {  	_ = 	snop  }
0x4: {  	_ = 	snop  }
0x5: {  	_ = 	snop  }
0x6: {  	_ = 	snop  }
0x7: {  	_ = 	snop  }
__scs_overlays_trampoline_lowered:
0x8: {  	[smem:$0x3FA9] =	sst s0  }
0x9: {  	[smem:$0x3FAA] =	sst s1  }
0xa: {  	[smem:$0x3FAB] =	sst s2  }
0xb: {  	[smem:$0x3FAC] =	sst s3  }
0xc: {  	[smem:$0x3FAD] =	sst s4  }
0xd: {  	[smem:$0x3FAE] =	sst s5  }
0xe: {  	[smem:$0x3FAF] =	sst s6  }
0xf: {  	[smem:$0x3FB0] =	sst s7  }
0x10: {  	[smem:$0x3FB1] =	sst s8  }
0x11: {  	[smem:$0x3FB2] =	sst s9;
	s0 =	simm.s32 @!p0 $0x0  }
0x12: {  	s1 =	sld [smem:$0x3F98];
	s0 =	simm.s32 @p0 $0x1  }
0x13: {  	[smem:$0x3FB3] =	sst s0;
	s0 =	simm.s32 @!p1 $0x0  }
0x14: {  	s2 =	sld [smem:$0x3F97];
	s0 =	simm.s32 @p1 $0x1  }
0x15: {  	[smem:$0x3FB4] =	sst s0;
	s0 =	simm.s32 @!p2 $0x0  }
0x16: {  	s3 =	sld [smem:$0x3FDB];
	s0 =	simm.s32 @p2 $0x1  }
0x17: {  	s4 =	simm.s32 $0x1BF5;
	[smem:$0x3FB6] =	sst s0  }
0x18: {  	s0 =	sld [smem:$0x3F99];
	_ =	swait.ge [sflag:s4], $0x0  }
0x19: {  	s7 =	sld [smem:$0x3F9A]  }
0x1a: {  	s8 =	sadd.s32 $0xFFFFE003, lr  }
0x1b: {  	s9 =	sadd.s32 $0xFFFFFEF7, lr;
	s5 =	simm.s32 $0xFFFFFFFF;
	p2 =	slt.u32 s8, $0xFFFFF086  }
0x1c: {  	p1 =	slt.u32 s9, $0xF7A;
	s5 =	simm.s32 @!p2 $0x0  }
0x1d: {  	s5 =	simm.s32 @p1 $0x1;
	p0 =	seq.s32 s7, s2  }
0x1e: {  	s7 =	smul.u32 @!p0 $0xF7A, s2;
	p2 =	seq.s32 @!p0 s5, $0x0  }
0x1f: {  	s9 =	smul.u32 $0xF7A, s1;
	s8 =	simm.s32 @!p0 $0x1BF5;
	p2 =	por !p2, p0  }
0x20: {  	[sflag:s8] =	ssyncset.s32 @!p0 $0xFFFFF086;
	s6 =	sadd.s32 @!p0 s3, s7;
	s7 =	simm.s32 @!p0 $0x108  }
0x21: {  	s3 =	sadd.s32 s3, s9;
	s6 =	sadd.s32 @!p0 $0x88, s6;
	s7 =	simm.s32 @p2 $0x1082  }
0x22: {  	[simem:s7], [sflag:s8] =	dma.local @!p0 [hbm:s6], $0xF7A  }
0x23: {  	s9 =	sor.u32 $0xD0000000, s2;
	s6 =	simm.s32 $0x108;
	_ =	swait.ge @!p0 [sflag:s8], $0x0  }
0x24: {  	s3 =	sadd.s32 $0x88, s3;
	s6 =	simm.s32 @!p1 $0x1082;
	[sflag:s4] =	ssyncset.s32 $0xFFFFF086  }
0x25: {  	[simem:s6], [sflag:s4] =	dma.local [hbm:s3], $0xF7A  }
0x26: {  	[smem:$0x3F9A] =	sst s1;
	(tag) =	ssettag s2;
	_ =	strace s9  }
0x27: {  	s1 =	sld [smem:$0x3FAA]  }
0x28: {  	s2 =	sld [smem:$0x3FAB]  }
0x29: {  	s4 =	sld [smem:$0x3FAD]  }
0x2a: {  	p0 =	seq.s32 s5, $0x0;
	s5 =	sld [smem:$0x3FAE]  }
0x2b: {  	s6 =	sld [smem:$0x3FAF]  }
0x2c: {  	s7 =	sld [smem:$0x3FB0]  }
0x2d: {  	s3 =	simm.s32 $0x108;
	s8 =	sld [smem:$0x3FB1]  }
0x2e: {  	s3 =	simm.s32 @!p0 $0x1082;
	s9 =	sld [smem:$0x3FB2]  }
0x2f: {  	lr =	sadd.s32 s0, s3;
	s0 =	sld [smem:$0x3FA9]  }
0x30: {  	s3 =	sld [smem:$0x3FAC]  }
0x31: {  	[smem:$0x3FB5] =	sst s10  }
0x32: {  	s10 =	sld [smem:$0x3FB3];
	_ =	sdelay $0x3  }
0x33: {  	p0 =	seq.s32 s10, $0x1;
	s10 =	sld [smem:$0x3FB5];
	_ =	sdelay $0x3  }
0x34: {  	[smem:$0x3FB5] =	sst s10  }
0x35: {  	s10 =	sld [smem:$0x3FB4];
	_ =	sdelay $0x3  }
0x36: {  	p1 =	seq.s32 s10, $0x1;
	s10 =	sld [smem:$0x3FB5];
	_ =	sdelay $0x3  }
0x37: {  	[smem:$0x3FB5] =	sst s10  }
0x38: {  	s10 =	sld [smem:$0x3FB6]  }
0x39: {  	_ = 	snop;
	(pc) =	sbr.ind lr, $3  }
0x3a: {  	_ = 	snop  }
0x3b: {  	_ = 	snop  }
0x3c: {  	p2 =	seq.s32 s10, $0x1;
	s10 =	sld [smem:$0x3FB5]  }
0x3d: {  	_ =	shalt  }
0x3e: {  	_ =	shalt  }
0x3f: {  	_ =	shalt  }
0x40: {  	_ =	shalt  }
0x41: {  	_ =	shalt  }
0x42: {  	_ =	shalt  }
0x43: {  	_ =	shalt  }
0x44: {  	_ =	shalt  }
0x45: {  	_ =	shalt  }
0x46: {  	_ =	shalt  }
0x47: {  	_ =	shalt  }
0x48: {  	_ =	shalt  }
0x49: {  	_ =	shalt  }
0x4a: {  	_ =	shalt  }
0x4b: {  	_ =	shalt  }
0x4c: {  	_ =	shalt  }
0x4d: {  	_ =	shalt  }
0x4e: {  	_ =	shalt  }
0x4f: {  	_ =	shalt  }
0x50: {  	_ =	shalt  }
0x51: {  	_ =	shalt  }
0x52: {  	_ =	shalt  }
0x53: {  	_ =	shalt  }
0x54: {  	_ =	shalt  }
0x55: {  	_ =	shalt  }
0x56: {  	_ =	shalt  }
0x57: {  	_ =	shalt  }
0x58: {  	_ =	shalt  }
0x59: {  	_ =	shalt  }
0x5a: {  	_ =	shalt  }
0x5b: {  	_ =	shalt  }
0x5c: {  	_ =	shalt  }
0x5d: {  	_ =	shalt  }
0x5e: {  	_ =	shalt  }
0x5f: {  	_ =	shalt  }
0x60: {  	_ =	shalt  }
0x61: {  	_ =	shalt  }
0x62: {  	_ =	shalt  }
0x63: {  	_ =	shalt  }
0x64: {  	_ =	shalt  }
0x65: {  	_ =	shalt  }
0x66: {  	_ =	shalt  }
0x67: {  	_ =	shalt  }
0x68: {  	_ =	shalt  }
0x69: {  	_ =	shalt  }
0x6a: {  	_ =	shalt  }
0x6b: {  	_ =	shalt  }
0x6c: {  	_ =	shalt  }
0x6d: {  	_ =	shalt  }
0x6e: {  	_ =	shalt  }
0x6f: {  	_ =	shalt  }
0x70: {  	_ =	shalt  }
0x71: {  	_ =	shalt  }
0x72: {  	_ =	shalt  }
0x73: {  	_ =	shalt  }
0x74: {  	_ =	shalt  }
0x75: {  	_ =	shalt  }
0x76: {  	_ =	shalt  }
0x77: {  	_ =	shalt  }
0x78: {  	_ =	shalt  }
0x79: {  	_ =	shalt  }
0x7a: {  	_ =	shalt  }
0x7b: {  	_ =	shalt  }
0x7c: {  	_ =	shalt  }
0x7d: {  	_ =	shalt  }
0x7e: {  	_ =	shalt  }
0x7f: {  	_ =	shalt  }
0x80: {  	_ =	shalt  }
0x81: {  	_ =	shalt  }
0x82: {  	_ =	shalt  }
0x83: {  	_ =	shalt  }
0x84: {  	_ =	shalt  }
0x85: {  	_ =	shalt  }
0x86: {  	_ =	shalt  }
0x87: {  	_ =	shalt  }
.Lfunc_end0:
.L_simem_size_0:
called_computation.6_lowered:
.L_overlay_start_0:
0x88: {  	s2 =	sld [smem:$0x3FD9]  }
0x89: {  	s3 =	sld [smem:$0x3FFE];
	_ =	sdelay $0x1  }
0x8a: {  	s1 =	srdreg.scid  }
0x8b: {  	s0 =	sand.u32 $0x1, s1  }
0x8c: {  	s17 =	sshll.u32 s0, $0xA;
	s2 =	sadd.s32 s3, s2  }
0x8d: {  	s2 =	sadd.s32 s2, s17  }
0x8e: {  	[smem:$0x3FC1] =	sst s2  }
0x8f: {  	_ = 	snop  }
0x90: {  	s2 =	sld [smem:$0x3FD0];
	(tm) =	ssettm $0x1  }
0x91: {  	s18 =	sld [smem:$0x3FFB];
	_ =	sdelay $0x3  }
0x92: {  	_ =	strace s18  }
0x93: {  	s3 =	sld [smem:$0x3FFC];
	_ =	sdelay $0x3  }
0x94: {  	_ =	strace s3  }
0x95: {  	s3 =	sld [smem:$0x3FFD];
	_ =	sdelay $0x3  }
0x96: {  	_ =	strace s3  }
0x97: {  	_ =	strace $0x8FFFFFFF  }
0x98: {  	s19 =	sld [smem:$0x3FDB];
	_ =	sdelay $0x1  }
0x99: {  	s4 =	simm.s32 $_scs_section_size  }
0x9a: {  	s5 =	simm.s32 $_size__tile_overlayer_lowered;
	s6 =	simm.s32 $_tile_overlayer_lowered  }
0x9b: {  	s22 =	simm.s32 $0x1BFF;
	s21 =	sshll.u32 s6, $0x1;
	s3 =	sadd.s32 s4, s19  }
0x9c: {  	s7 =	simm.s32 $0x0;
	s20 =	sshll.u32 s5, $0x1;
	s5 =	sadd.s32 s21, s3  }
0x9d: {  	[timem:s7], [sflag:s22] =	dma.local [hbm:s5], s20  }
0x9e: {  	_ =	swait.ge [sflag:s22], s20  }
0x9f: {  	s4 =	ssub.s32 $0x0, s20;
	[sflag:s22] =	ssyncset.done $0x0  }
0xa0: {  	[sflag:s22] =	ssyncadd.s32 s4;
	_ =	sdelay $0x1  }
0xa1: {  	s23 =	simm.s32 $0x1B8B  }
0xa2: {  	_ =	swait.ge [sflag:s23], $0x1  }
0xa3: {  	[sflag:s23] =	ssyncset.done $0x0  }
0xa4: {  	s25 =	simm.s32 $0x1B8E;
	s24 =	sld [smem:$0x3FFE];
	[sflag:s23] =	ssyncadd.s32 $0xFFFFFFFF  }
0xa5: {  	s26 =	simm.s32 $execute0_lowered;
	[smem:$0x3FD2] =	sst s25  }
0xa6: {  	s5 =	sshll.u32 s26, $0x1;
	_ =	strace $0x80000058;
	[dreg:$0x1] =	wrdreg $0xFFFFFFFF  }
0xa7: {  	s28 =	simm.s32 $_size_execute0_lowered;
	s3 =	sadd.s32 s3, s5;
	[dreg:$0x0] =	wrdreg $0x0  }
0xa8: {  	s5 =	sshll.u32 s28, $0x1;
	[dreg:$0x2] =	wrdreg s3  }
0xa9: {  	[dreg:$0x3] =	wrdreg s5  }
0xaa: {  	[dreg:$0x4] =	wrdreg $0xC0  }
0xab: {  	_ =	task [dreg:s7], $0x5FFFF  }
0xac: {  	[dreg:$0x1] =	wrdreg $0xFFFFFFFF  }
0xad: {  	[dreg:$0x0] =	wrdreg $0x60  }
0xae: {  	[dreg:$0x2] =	wrdreg s24  }
0xaf: {  	[dreg:$0x3] =	wrdreg s2  }
0xb0: {  	[dreg:$0x4] =	wrdreg $0x9  }
0xb1: {  	_ =	task.clear_ibuf [dreg:s7], $0x5FFFF;
	_ =	strace $0x90000058  }
0xb2: {  	s29 =	simm.s32 $0x9;
	_ =	strace $0x8000005A  }
0xb3: {  	_ =	swait.ge [sflag:s29], $0x1  }
0xb4: {  	[sflag:s29] =	ssyncadd.s32 $0xFFFFFFFF  }
0xb5: {  	_ =	strace $0x9000005A  }
0xb6: {  	_ =	sfence  }
0xb7: {  	s30 =	sld [smem:$0x0];
	_ =	sdelay $0x2  }
0xb8: {  	s31 =	sshll.u32 s1, $0xD;
	s1 =	sshrl.u32 s1, $0x2  }
0xb9: {  	s3 =	sand.u32 $0x4000, s31;
	s1 =	sadd.s32 s1, s30  }
0xba: {  	s0 =	sor.u32 s3, s0;
	s1 =	sshll.u32 s1, $0x11  }
0xbb: {  	s0 =	sor.u32 s1, s0  }
0xbc: {  	s0 =	sadd.s32 $0x8F2B, s0  }
0xbd: {  	[sflag:s0] =	ssyncadd.remote.s32 $0x1  }
0xbe: {  	_ =	sfence.sel $0xFFFF  }
0xbf: {  	[dreg:$0x0] =	wrdreg $0xFFFFFFFF;
	(pc) =	sbr.abs _section_cstart, $3  }
0xc0: {  	[dreg:$0x1] =	wrdreg $0xFFFFFFFF  }
0xc1: {  	_ =	task.clear_ibuf [dreg:s7], $0x2FFFF;
	_ =	strace $0x9FFFFFFF  }
0xc2: {  	(tm) =	ssettm $0x7FFFFFFF  }
0xc3: {  	_ =	shalt  }
tec
execute0_lowered:
.L_overlay_start_1:
0x0: {  	(tag) =	ssettag $0x1  }
0x1: {  	s6 =	rddreg [dreg:$0x0]  }
0x2: {  	s2 =	rddreg [dreg:$0x1]  }
0x3: {  	s0 =	rddreg [dreg:$0x2];
	s3 =	simm.s32 $0x0;
	s4 =	srdreg.scid  }
0x4: {  	s1 =	stileid.u32;
	s12 =	simm.s32 $0x3;
	s13 =	simm.s32 $0xA0  }
0x5: {  	s14 =	simm.s32 $0x140;
	s15 =	simm.s32 $0x1;
	s16 =	simm.s32 $0x7940  }
0x6: {  	s17 =	simm.s32 $0xF140;
	s18 =	simm.s32 $0xF740;
	s19 =	simm.s32 $0x2  }
0x7: {  	s20 =	simm.s32 $0x0;
	[smem:$0x7FF] =	sst s3;
	s5 =	sand.u32 $0x1, s4  }
0x8: {  	s31 =	sshll.u32 s1, $0x1;
	s4 =	sadd.s32 $0x226400, s6;
	_ =	strace $0x80000059  }
0x9: {  	s7 =	sor.u32 s5, s31;
	s8 =	ssub.s32 $0x2, s5;
	s5 =	sadd.s32 $0xE6400, s6  }
0xa: {  	s9 =	smul.u32 $0x500, s7;
	s10 =	sshrl.u32 s8, $0x1;
	s7 =	sshll.u32 s7, $0x9  }
0xb: {  	s6 =	sadd.s32 $0xD0200, s6;
	s11 =	ssub.s32 s8, s10;
	s10 =	sor.u32 $0x10, s7  }
0xc: {  	s8 =	sadd.s32 s6, s9;
	s9 =	sor.u32 $0x8, s7;
	s11 =	smax.u32 s11, $0x1  }
.LBB2_1:
0xd: {  	[tilespmem:s3], [sflag:$0x3] =	stream.linear.gather [hbm4b:s8+s3], $0xA0, $0x38;
	[tilespmem:$0xFA40] =	vst v63  }
0xe: {  	_ =	swait.ge [sflag:s12], $0xA0  }
0xf: {  	[sflag:s12] =	ssyncset.done $0x0  }
0x10: {  	s21 =	simm.s32 $0x0;
	[sflag:s12] =	ssyncadd.s32 $0xFFFFFF60  }
0x11: {  	[tilespmem:s14], [sflag:$0x1] =	stream.indirect.gather [hbm4b:s4+s13], $0xC0, s3, s13, $0xb8;
	[tilespmem:$0xFA40] =	vst v63  }
.LBB2_2:
0x12: {  	s23 =	sshll.u32 s21, $0x4  }
0x13: {  	s22 =	sadd.s32 s9, s23  }
0x14: {  	s24 =	smul.u32 $0x14, s22  }
0x15: {  	_ =	swait.ge [sflag:s15], $0x7800  }
0x16: {  	[sflag:s15] =	ssyncset.done $0x0;
	s24 =	sshrl.u32 s24, $0x3  }
0x17: {  	[sflag:s15] =	ssyncadd.s32 $0xFFFF8800;
	s25 =	sadd.s32 s6, s24;
	s24 =	simm.s32 $0x0  }
0x18: {  	[tilespmem:s13], [sflag:$0x3] =	stream.linear.gather [hbm4b:s25+s24], $0xA0, $0x38;
	[tilespmem:$0xFA40] =	vst v63  }
0x19: {  	_ =	swait.ge [sflag:s12], $0xA0  }
0x1a: {  	s25 =	sor.u32 s7, s23;
	[sflag:s12] =	ssyncset.done $0x0  }
0x1b: {  	s26 =	smul.u32 $0x18, s25;
	[sflag:s12] =	ssyncadd.s32 $0xFFFFFF60  }
0x1c: {  	[tilespmem:s16], [sflag:$0x2] =	stream.indirect.gather [hbm4b:s4+s13], $0xC0, s13, s13, $0xb8;
	[tilespmem:$0xFA40] =	vst v63  }
0x1d: {  	s26 =	sadd.s32 s5, s26  }
0x1e: {  	[tilespmem:s17], [sflag:$0x3] =	stream.linear.gather [hbm4b:s26+s24], $0x600, $0x38;
	[tilespmem:$0xFA40] =	vst v63  }
0x1f: {  	_ =	swait.ge [sflag:s12], $0x600  }
0x20: {  	[sflag:s12] =	ssyncset.done $0x0  }
0x21: {  	s26 =	simm.s32 $0x1A0;
	[sflag:s12] =	ssyncadd.s32 $0xFFFFFA00  }
.LBB2_3:
0x22: {  	s28 =	smul.u32 $0x300, s24;
	_ =	sdelay $0x1  }
0x23: {  	s28 =	sshra.s32 s28, $0x2  }
0x24: {  	v4 =	vld [tilespmem:s28+$0xF140]  }
0x25: {  	v3 =	vld [tilespmem:s28+$0xF150]  }
0x26: {  	v2 =	vld [tilespmem:s28+$0xF160]  }
0x27: {  	v1 =	vld [tilespmem:s28+$0xF180]  }
0x28: {  	v0 =	vld [tilespmem:s28+$0xF190]  }
0x29: {  	v6 =	vld [tilespmem:s28+$0xF1A0]  }
0x2a: {  	v8 =	vmov s26;
	v7 =	vld [tilespmem:s28+$0xF1B0]  }
0x2b: {  	v9 =	vld [tilespmem:s28+$0xF1C0]  }
0x2c: {  	v10 =	vld [tilespmem:s28+$0xF1D0]  }
0x2d: {  	v11 =	vld [tilespmem:s28+$0xF1E0]  }
0x2e: {  	s29 =	simm.s32 $0x0;
	v12 =	vld [tilespmem:s28+$0xF1F0]  }
0x2f: {  	v5 =	vld.idx.msk [tilespmem:v8+s29+$0xFFFFFFF0 ss:$0x1], $0xffff  }
0x30: {  	v14 =	vld.idx.msk [tilespmem:v8+s29+$0x20 ss:$0x1], $0xffff  }
0x31: {  	v15 =	vld.idx.msk [tilespmem:v8+s29+$0x0 ss:$0x1], $0xffff  }
0x32: {  	v16 =	vld.idx.msk [tilespmem:v8+s29+$0xFFFFFFE0 ss:$0x1], $0xffff  }
0x33: {  	v17 =	vld.idx.msk [tilespmem:v8+s29+$0x40 ss:$0x1], $0xffff  }
0x34: {  	v18 =	vld.idx.msk [tilespmem:v8+s29+$0xFFFFFFC0 ss:$0x1], $0xffff  }
0x35: {  	v19 =	vld.idx.msk [tilespmem:v8+s29+$0xFFFFFFB0 ss:$0x1], $0xffff  }
0x36: {  	v20 =	vld.idx.msk [tilespmem:v8+s29+$0x30 ss:$0x1], $0xffff  }
0x37: {  	v13 =	vimm.f32 $0.0e+00;
	v26 =	vld.idx.msk [tilespmem:v8+s29+$0xFFFFFFD0 ss:$0x1], $0xffff;
	v23 =	vadd.f32 v14, v9  }
0x38: {  	v22 =	vld.idx.msk [tilespmem:v8+s29+$0x50 ss:$0x1], $0xffff;
	v25 =	vadd.f32 v15, v6;
	v14 =	vadd.f32 v5, v13  }
0x39: {  	s30 =	simm.s32 $0xC0;
	v24 =	vld.idx.msk [tilespmem:v8+s29+$0xFFFFFFA0 ss:$0x1], $0xffff;
	v32 =	vadd.f32 v17, v11;
	v27 =	vadd.f32 v16, v1  }
0x3a: {  	v31 =	vld.idx.msk [tilespmem:v8+s30+$0xFFFFFFB0 ss:$0x1], $0xffff;
	v16 =	vadd.f32 v16, v13;
	v28 =	vadd.f32 v5, v0  }
0x3b: {  	v15 =	vld.idx.msk [tilespmem:v8+s29+$0x10 ss:$0x1], $0xffff;
	v29 =	vadd.f32 v19, v3;
	v19 =	vadd.f32 v19, v13  }
0x3c: {  	v37 =	vadd.f32 v20, v10;
	v20 =	vld.idx.msk [tilespmem:v8+s30+$0xFFFFFFF0 ss:$0x1], $0xffff;
	v34 =	vadd.f32 v18, v2  }
0x3d: {  	v36 =	vadd.f32 v18, v13;
	v18 =	vld.idx.msk [tilespmem:v8+s30+$0x20 ss:$0x1], $0xffff;
	v17 =	vmul.f32 v23, v23;
	v21 =	vmul.f32 v25, v25  }
0x3e: {  	s31 =	simm.s32 $0x180;
	v46 =	vld.idx.msk [tilespmem:v8+s30+$0xFFFFFFC0 ss:$0x1], $0xffff;
	v30 =	vadd.f32 v26, v13;
	v35 =	vadd.f32 v24, v13  }
0x3f: {  	v55 =	vld.idx.msk [tilespmem:v8+s31+$0xFFFFFFF0 ss:$0x1], $0xffff;
	v42 =	vadd.f32 v31, v3;
	v5 =	vmul.f32 v32, v32;
	v17 =	vadd.f32 v17, v21  }
0x40: {  	v44 =	vadd.f32 v31, v19;
	v21 =	vld.idx.msk [tilespmem:v8+s30+$0x40 ss:$0x1], $0xffff;
	v33 =	vadd.f32 v15, v7  }
0x41: {  	v15 =	vld.idx.msk [tilespmem:v8+s30+$0xFFFFFFE0 ss:$0x1], $0xffff;
	v14 =	vadd.f32 v20, v14;
	v5 =	vadd.f32 v5, v17  }
0x42: {  	v63 =	vld.idx.msk [tilespmem:v8+s30+$0xFFFFFFA0 ss:$0x1], $0xffff;
	v31 =	vadd.f32 v18, v9;
	v17 =	vadd.f32 v22, v12  }
0x43: {  	v22 =	vadd.f32 v24, v4;
	v24 =	vld.idx.msk [tilespmem:v8+s30+$0xFFFFFFD0 ss:$0x1], $0xffff;
	v5 =	vadd.f32 $9.999999970e-07, v5  }
0x44: {  	v62 =	vld.idx.msk [tilespmem:v8+s30+$0x0 ss:$0x1], $0xffff;
	v60 =	vadd.f32 v46, v2;
	v18 =	vmul.f32 v32, v27;
	v27 =	vmul.f32 v31, v31  }
0x45: {  	v58 =	vld.idx.msk [tilespmem:v8+s31+$0xFFFFFFE0 ss:$0x1], $0xffff;
	v14 =	vadd.f32 v55, v14;
	v21 =	vadd.f32 v21, v11;
	(erf) = vrcp.f32 v5  }
0x46: {  	v5 =	vmul.f32 v25, v22;
	v22 =	vmul.f32 v23, v34;
	v39 =	vadd.f32 v15, v1  }
0x47: {  	v38 =	vld.idx.msk [tilespmem:v8+s30+$0x30 ss:$0x1], $0xffff;
	v29 =	vmul.f32 v33, v29;
	v16 =	vadd.f32 v15, v16;
	v34 =	vadd.f32 v63, v4  }
0x48: {  	v41 =	vld.idx.msk [tilespmem:v8+s30+$0x10 ss:$0x1], $0xffff;
	v15 =	vmul.f32 v37, v37;
	v49 =	vadd.f32 v24, v30;
	v40 =	vadd.f32 v22, v5  }
0x49: {  	v43 =	vld.idx.msk [tilespmem:v8+s30+$0x50 ss:$0x1], $0xffff;
	v5 =	vmul.f32 v33, v33;
	v22 =	vadd.f32 v20, v0;
	v20 =	vadd.f32 v62, v6  }
0x4a: {  	v61 =	vld.idx.msk [tilespmem:v8+s31+$0xFFFFFFB0 ss:$0x1], $0xffff;
	v45 =	vmul.f32 v17, v17;
	v30 =	vadd.f32 v63, v35;
	v35 =	vadd.f32 v58, v1  }
0x4b: {  	v63 =	vld.idx.msk [tilespmem:v8+s31+$0x0 ss:$0x1], $0xffff;
	v16 =	vadd.f32 v58, v16;
	v19 =	vadd.f32 v15, v5;
	v52 =	vmul.f32 v20, v20  }
0x4c: {  	v57 =	vmul.f32 v17, v28;
	v5 =	vld [tilespmem:s28+$0xF170];
	v15 =	vadd.f32 v38, v10;
	v40 =	vadd.f32 v18, v40  }
0x4d: {  	v53 =	vmul.f32 v21, v21;
	v51 =	vadd.f32 v45, v19;
	v27 =	vadd.f32 v27, v52  }
0x4e: {  	v62 =	vld.idx.msk [tilespmem:v8+s31+$0x20 ss:$0x1], $0xffff;
	v18 =	vadd.f32 v43, v12;
	v34 =	vmul.f32 v20, v34;
	v19 =	vadd.f32 v41, v7  }
0x4f: {  	vm0 =	vlt.f32 v40, $0.0e+00;
	v38 =	vadd.f32 $9.999999970e-07, v51;
	v56 =	vadd.f32 v53, v27  }
0x50: {  	v58 =	vmul.f32 v15, v15;
	v45 =	vadd.f32 v61, v3;
	v43 =	vadd.f32 v63, v6  }
0x51: {  	v52 =	vld.idx.msk [tilespmem:v8+s31+$0x10 ss:$0x1], $0xffff;
	v47 =	vpop (erf);
	v26 =	vadd.f32 v26, v5;
	(erf) = vrcp.f32 v38;
	v59 =	vadd.f32 $9.999999970e-07, v56  }
0x52: {  	v27 =	vadd.f32 v46, v36;
	v36 =	vmul.f32 v31, v60;
	v54 =	vmul.f32 v47, v40  }
0x53: {  	v41 =	vadd.f32 v62, v9;
	v26 =	vmul.f32 v37, v26;
	(erf) = vrcp.f32 v59  }
0x54: {  	v28 =	vmul.f32 v19, v42;
	v51 =	vmul.f32 v21, v39;
	v39 =	vadd.f32 v55, v0  }
0x55: {  	v50 =	vadd.f32 v36, v34;
	v40 =	vnsel vm0, $0x0, v54;
	v26 =	vadd.f32 v26, v29;
	v29 =	vld.idx.msk [tilespmem:v8+s31+$0x40 ss:$0x1], $0xffff  }
0x56: {  	v38 =	vimm.f32 $0.0e+00;
	v36 =	vadd.f32 v52, v7;
	v46 =	vmul.f32 v40, v25;
	v25 =	vld.idx.msk [tilespmem:v8+s31+$0x30 ss:$0x1], $0xffff  }
0x57: {  	v54 =	vmul.f32 v41, v41;
	v51 =	vadd.f32 v51, v50;
	v48 =	vmul.f32 v40, v23  }
0x58: {  	v42 =	vld.idx.msk [tilespmem:v8+s31+$0xFFFFFFD0 ss:$0x1], $0xffff;
	v23 =	vadd.f32 v61, v44;
	v26 =	vadd.f32 v57, v26;
	v57 =	vmul.f32 v19, v19  }
0x59: {  	v40 =	vmul.f32 v40, v32;
	v34 =	vadd.f32 v48, v13;
	v32 =	vadd.f32 v46, v13  }
0x5a: {  	v56 =	vld.idx.msk [tilespmem:v8+s31+$0x50 ss:$0x1], $0xffff;
	v61 =	vmul.f32 v18, v18;
	v55 =	vadd.f32 v58, v57;
	v29 =	vadd.f32 v29, v11;
	v59 =	vpop (erf)  }
0x5b: {  	vm15 =	vlt.f32 v26, $0.0e+00;
	v25 =	vadd.f32 v25, v10;
	v60 =	vmul.f32 v59, v26  }
0x5c: {  	v63 =	vadd.f32 v61, v55;
	v55 =	vmul.f32 v43, v43;
	v47 =	vmul.f32 v29, v29;
	v62 =	vpop (erf)  }
0x5d: {  	v26 =	vadd.f32 v42, v49;
	v48 =	vnsel vm15, $0x0, v60;
	v50 =	vmul.f32 v62, v51  }
0x5e: {  	v44 =	vld.idx.msk [tilespmem:v8+s31+$0xFFFFFFC0 ss:$0x1], $0xffff;
	v53 =	vmul.f32 v48, v33;
	v33 =	vadd.f32 v40, v13;
	v52 =	vmul.f32 v48, v37  }
0x5f: {  	s28 =	simm.s32 $0x900;
	v49 =	vld.idx.msk [tilespmem:v8+s31+$0xFFFFFFA0 ss:$0x1], $0xffff;
	v46 =	vmovc v25;
	v37 =	vadd.f32 v56, v12;
	v56 =	vadd.f32 $9.999999970e-07, v63;
	v40 =	vimm.f32 $0.0e+00  }
.LBB2_4:
0x60: {  	v54 =	vadd.f32 v54, v55;
	v55 =	vmul.f32 v18, v22;
	v13 =	vadd.f32 v53, v13;
	v22 =	vmovc v39  }
0x61: {  	s29 =	sshra.s32 s28, $0x2;
	p0 =	sne.s32 s28, $0x3900;
	s28 =	sadd.s32 $0x300, s28;
	v57 =	vmovc v41;
	v39 =	vmovc v20;
	v20 =	vmov v43;
	v53 =	vmov v19;
	v19 =	vmov v36  }
0x62: {  	v41 =	vld.idx.msk [tilespmem:v8+s29+$0xFFFFFFF0 ss:$0x1], $0xffff;
	v43 =	vmul.f32 v19, v45;
	v45 =	vadd.f32 v24, v5;
	(erf) = vrcp.f32 v56;
	v24 =	vmovc v42  }
0x63: {  	v40 =	vadd.f32 v52, v40;
	v48 =	vmul.f32 v48, v17;
	v42 =	vld.idx.msk [tilespmem:v8+s29+$0xFFFFFFE0 ss:$0x1], $0xffff;
	v47 =	vadd.f32 v47, v54  }
0x64: {  	v27 =	vadd.f32 v44, v27;
	vm0 =	vlt.f32 v51, $0.0e+00;
	v17 =	vmovc v18;
	v30 =	vadd.f32 v49, v30;
	v52 =	vld.idx.msk [tilespmem:v8+s29+$0x40 ss:$0x1], $0xffff  }
0x65: {  	v18 =	vmovc v37;
	v38 =	vadd.f32 v48, v38;
	v45 =	vmul.f32 v15, v45;
	v51 =	vld.idx.msk [tilespmem:v8+s29+$0xFFFFFFC0 ss:$0x1], $0xffff;
	v47 =	vadd.f32 $9.999999970e-07, v47  }
0x66: {  	v44 =	vadd.f32 v44, v2;
	v50 =	vnsel vm0, $0x0, v50;
	v49 =	vadd.f32 v49, v4;
	v48 =	vld.idx.msk [tilespmem:v8+s29+$0xFFFFFFB0 ss:$0x1], $0xffff  }
0x67: {  	v56 =	vmul.f32 v50, v39;
	v45 =	vadd.f32 v45, v28;
	v28 =	vmovc v43;
	v54 =	vld.idx.msk [tilespmem:v8+s29+$0x20 ss:$0x1], $0xffff;
	(erf) = vrcp.f32 v47  }
0x68: {  	v44 =	vmul.f32 v57, v44;
	v39 =	vmul.f32 v20, v49;
	v14 =	vadd.f32 v41, v14;
	v43 =	vld.idx.msk [tilespmem:v8+s29+$0x30 ss:$0x1], $0xffff  }
0x69: {  	v31 =	vmul.f32 v50, v31;
	v47 =	vadd.f32 v42, v1;
	v16 =	vadd.f32 v42, v16;
	v49 =	vld.idx.msk [tilespmem:v8+s29+$0x10 ss:$0x1], $0xffff  }
0x6a: {  	v60 =	vmul.f32 v29, v35;
	v59 =	vadd.f32 v44, v39;
	v35 =	vadd.f32 v55, v45;
	v58 =	vld.idx.msk [tilespmem:v8+s29+$0x0 ss:$0x1], $0xffff  }
0x6b: {  	v36 =	vmul.f32 v36, v19;
	v39 =	vadd.f32 v41, v0;
	v41 =	vmul.f32 v46, v25;
	v42 =	vpop (erf)  }
0x6c: {  	v45 =	vadd.f32 v48, v3;
	v23 =	vadd.f32 v48, v23;
	v61 =	vld.idx.msk [tilespmem:v8+s29+$0x50 ss:$0x1], $0xffff;
	v48 =	vmul.f32 v42, v35  }
0x6d: {  	v37 =	vmul.f32 v37, v18;
	v50 =	vmul.f32 v50, v21;
	v52 =	vadd.f32 v52, v11;
	v42 =	vld.idx.msk [tilespmem:v8+s29+$0xFFFFFFD0 ss:$0x1], $0xffff  }
0x6e: {  	v55 =	vadd.f32 v41, v36;
	vm0 =	vlt.f32 v35, $0.0e+00;
	v44 =	vmovc v51;
	v35 =	vmovc v47;
	v46 =	vadd.f32 v43, v10  }
0x6f: {  	v21 =	vmovc v29;
	v34 =	vadd.f32 v31, v34;
	v41 =	vadd.f32 v54, v9;
	v47 =	vmul.f32 v52, v52  }
.Ltmp0:
0x70: {  	v32 =	vadd.f32 v56, v32;
	v48 =	vnsel vm0, $0x0, v48;
	v43 =	vadd.f32 v58, v6;
	v31 =	vpop (erf);
	(pc) =	sbr.rel @p0 .LBB2_4-.Ltmp0, $4  }
0x71: {  	v33 =	vadd.f32 v50, v33;
	v29 =	vmovc v52;
	v36 =	vadd.f32 v49, v7;
	v53 =	vmul.f32 v48, v53  }
0x72: {  	v51 =	vadd.f32 v60, v59;
	v56 =	vadd.f32 v37, v55;
	v54 =	vmul.f32 v41, v41;
	v49 =	vld.idx.msk [tilespmem:v8+s29+$0xFFFFFFA0 ss:$0x1], $0xffff  }
0x73: {  	v52 =	vmul.f32 v48, v15;
	v15 =	vmovc v25;
	v55 =	vmul.f32 v43, v43;
	v26 =	vadd.f32 v42, v26  }
0x74: {  	v56 =	vadd.f32 $9.999999970e-07, v56;
	v25 =	vmovc v46;
	v37 =	vadd.f32 v61, v12;
	v50 =	vmul.f32 v31, v51;
	v31 =	vmovc v57  }
0x75: {  	v6 =	vmul.f32 v36, v36;
	v7 =	vmul.f32 v46, v25;
	v8 =	vadd.f32 v54, v55  }
0x76: {  	v46 =	vmul.f32 v18, v22;
	v10 =	vadd.f32 v53, v13;
	v11 =	vmul.f32 v36, v45  }
0x77: {  	v12 =	vadd.f32 v24, v5;
	v54 =	vadd.f32 v52, v40;
	v55 =	vmul.f32 v48, v17  }
0x78: {  	vm0 =	vlt.f32 v51, $0.0e+00;
	v58 =	vadd.f32 v44, v2;
	v59 =	vadd.f32 v44, v27  }
0x79: {  	v61 =	vadd.f32 v42, v5;
	v51 =	vmul.f32 $5.000000070e-02, v23;
	v8 =	vadd.f32 v47, v8  }
0x7a: {  	(erf) = vrcp.f32 v56;
	v9 =	vmul.f32 v37, v37;
	v6 =	vadd.f32 v7, v6  }
0x7b: {  	v60 =	vnsel vm0, $0x0, v50;
	v56 =	vadd.f32 v49, v30;
	v8 =	vadd.f32 $9.999999970e-07, v8  }
0x7c: {  	v12 =	vmul.f32 v15, v12;
	v57 =	vadd.f32 v49, v4;
	v6 =	vadd.f32 v9, v6  }
0x7d: {  	v13 =	vadd.f32 v55, v38;
	v20 =	vmul.f32 v60, v20;
	(erf) = vrcp.f32 v8  }
0x7e: {  	v63 =	vmul.f32 v60, v31;
	v31 =	vmul.f32 v29, v35;
	v6 =	vadd.f32 $9.999999970e-07, v6  }
0x7f: {  	v21 =	vmul.f32 v60, v21;
	v35 =	vmul.f32 v37, v39;
	v3 =	vadd.f32 v51, v3  }
0x80: {  	v12 =	vadd.f32 v12, v28;
	v22 =	vmul.f32 v43, v57;
	(erf) = vrcp.f32 v6  }
0x81: {  	v38 =	vadd.f32 v63, v34;
	v20 =	vadd.f32 v20, v32;
	v8 =	vmul.f32 v41, v58  }
0x82: {  	v17 =	vmul.f32 $5.000000070e-02, v56;
	v7 =	vadd.f32 v46, v12;
	v12 =	vmul.f32 v25, v61  }
0x83: {  	v60 =	vmul.f32 $5.000000070e-02, v14;
	v21 =	vadd.f32 v21, v33;
	v8 =	vadd.f32 v8, v22  }
0x84: {  	v57 =	vmul.f32 $5.000000070e-02, v16;
	v53 =	vadd.f32 v17, v4;
	v11 =	vadd.f32 v12, v11;
	v62 =	vpop (erf)  }
0x85: {  	v6 =	vmul.f32 $5.000000070e-02, v59;
	v8 =	vadd.f32 v31, v8;
	v30 =	vmul.f32 v62, v7  }
0x86: {  	v1 =	vadd.f32 v57, v1;
	vm13 =	vlt.f32 v7, $0.0e+00;
	v11 =	vadd.f32 v35, v11;
	v39 =	vpop (erf)  }
0x87: {  	v55 =	vadd.f32 v6, v2;
	v7 =	vnsel vm13, $0x0, v30;
	v42 =	vmul.f32 v39, v8  }
0x88: {  	vm14 =	vlt.f32 v8, $0.0e+00;
	vm15 =	vlt.f32 v11, $0.0e+00;
	v19 =	vmul.f32 v7, v19  }
0x89: {  	v40 =	vmul.f32 v7, v15;
	v7 =	vmul.f32 v7, v18;
	v44 =	vpop (erf);
	v46 =	vnsel vm14, $0x0, v42  }
0x8a: {  	v10 =	vadd.f32 v19, v10;
	v45 =	vmul.f32 v44, v11;
	v47 =	vmul.f32 v46, v43  }
0x8b: {  	v9 =	vadd.f32 v40, v54;
	v7 =	vadd.f32 v7, v13;
	v48 =	vmul.f32 v46, v41  }
0x8c: {  	v49 =	vmul.f32 v46, v29;
	v8 =	vnsel vm15, $0x0, v45;
	v11 =	vadd.f32 v47, v20  }
0x8d: {  	v54 =	vmul.f32 $5.000000070e-02, v26;
	v50 =	vmul.f32 v8, v36;
	v12 =	vadd.f32 v48, v38  }
0x8e: {  	v13 =	vadd.f32 v49, v21;
	v52 =	vmul.f32 v8, v25;
	v11 =	vmul.f32 $3.999999910e-02, v11  }
0x8f: {  	s28 =	smul.u32 $0x180, s24;
	v8 =	vmul.f32 v8, v37;
	v10 =	vadd.f32 v50, v10;
	v56 =	vmul.f32 $3.999999910e-02, v12  }
0x90: {  	v9 =	vadd.f32 v52, v9;
	v61 =	vmul.f32 $3.999999910e-02, v13;
	v4 =	vsub.f32 v53, v11  }
0x91: {  	s24 =	sadd.s32 $0x1, s24;
	s28 =	sshra.s32 s28, $0x2;
	v7 =	vadd.f32 v8, v7;
	v10 =	vmul.f32 $3.999999910e-02, v10;
	v2 =	vsub.f32 v55, v56  }
0x92: {  	p0 =	sne.s32 s24, $0x8;
	v58 =	vadd.f32 v54, v5;
	v59 =	vmul.f32 $3.999999910e-02, v9;
	v1 =	vsub.f32 v1, v61;
	[tilespmem:s28+$0xF740] =	vst v4  }
.Ltmp1:
0x93: {  	v0 =	vadd.f32 v60, v0;
	v63 =	vmul.f32 $3.999999910e-02, v7;
	v3 =	vsub.f32 v3, v10;
	[tilespmem:s28+$0xF760] =	vst v2;
	(pc) =	sbr.rel @p0 .LBB2_3-.Ltmp1, $4  }
0x94: {  	v62 =	vsub.f32 v58, v59;
	[tilespmem:s28+$0xF780] =	vst v1  }
0x95: {  	v0 =	vsub.f32 v0, v63;
	[tilespmem:s28+$0xF750] =	vst v3  }
0x96: {  	[tilespmem:s28+$0xF770] =	vst v62  }
0x97: {  	s26 =	sadd.s32 $0xF00, s26;
	[tilespmem:s28+$0xF790] =	vst v0  }
0x98: {  	s24 =	smul.u32 $0xC, s25;
	_ =	sdelay $0x1  }
0x99: {  	s24 =	sadd.s32 s2, s24  }
0x9a: {  	[hbm4b:s24+s3] =	stream.linear.scatter [tilespmem:s18], [sflag:$0x3], $0x300, $0x38;
	[tilespmem:$0xFA40] =	vst v63  }
0x9b: {  	p0 =	seq.s32 s21, $0x1F;
	_ =	swait.ge [sflag:s12], $0x300  }
0x9c: {  	s23 =	sadd.s32 @!p0 s23, s10;
	[sflag:s12] =	ssyncset.done $0x0  }
0x9d: {  	s23 =	smul.u32 @!p0 $0x14, s23;
	[sflag:s12] =	ssyncadd.s32 $0xFFFFFD00  }
0x9e: {  	_ =	swait.ge [sflag:s19], $0x7800  }
0x9f: {  	s23 =	sshrl.u32 @!p0 s23, $0x3;
	[sflag:s19] =	ssyncset.done $0x0  }
0xa0: {  	s24 =	simm.s32 @!p0 $0x0;
	s23 =	sadd.s32 @!p0 s6, s23;
	[sflag:s19] =	ssyncadd.s32 $0xFFFF8800  }
0xa1: {  	[tilespmem:s24], [sflag:$0x3] =	stream.linear.gather @!p0 [hbm4b:s23+s24], $0xA0, $0x38;
	[tilespmem:$0xFA40] =	vst v63  }
0xa2: {  	s23 =	simm.s32 @!p0 $0x3  }
0xa3: {  	_ =	swait.ge @!p0 [sflag:s23], $0xA0  }
0xa4: {  	s26 =	smul.u32 $0x18, s22;
	[sflag:s23] =	ssyncset.done @!p0 $0x0  }
0xa5: {  	s25 =	simm.s32 @!p0 $0x140;
	[sflag:s23] =	ssyncadd.s32 @!p0 $0xFFFFFF60;
	s23 =	simm.s32 @!p0 $0xA0  }
0xa6: {  	[tilespmem:s25], [sflag:$0x1] =	stream.indirect.gather @!p0 [hbm4b:s4+s23], $0xC0, s24, s23, $0xb8;
	[tilespmem:$0xFA40] =	vst v63  }
0xa7: {  	s31 =	sadd.s32 s5, s26;
	s23 =	simm.s32 $0x0  }
0xa8: {  	[tilespmem:s17], [sflag:$0x3] =	stream.linear.gather [hbm4b:s31+s23], $0x600, $0x38;
	[tilespmem:$0xFA40] =	vst v63  }
0xa9: {  	_ =	swait.ge [sflag:s12], $0x600  }
0xaa: {  	[sflag:s12] =	ssyncset.done $0x0  }
0xab: {  	s24 =	simm.s32 $0x79A0;
	[sflag:s12] =	ssyncadd.s32 $0xFFFFFA00  }
.LBB2_7:
0xac: {  	s25 =	smul.u32 $0x300, s23;
	_ =	sdelay $0x1  }
0xad: {  	s25 =	sshra.s32 s25, $0x2  }
0xae: {  	v4 =	vld [tilespmem:s25+$0xF140]  }
0xaf: {  	v3 =	vld [tilespmem:s25+$0xF150]  }
0xb0: {  	v2 =	vld [tilespmem:s25+$0xF160]  }
0xb1: {  	v1 =	vld [tilespmem:s25+$0xF180]  }
0xb2: {  	v0 =	vld [tilespmem:s25+$0xF190]  }
0xb3: {  	v6 =	vld [tilespmem:s25+$0xF1A0]  }
0xb4: {  	v8 =	vmov s24;
	v7 =	vld [tilespmem:s25+$0xF1B0]  }
0xb5: {  	v9 =	vld [tilespmem:s25+$0xF1C0]  }
0xb6: {  	v10 =	vld [tilespmem:s25+$0xF1D0]  }
0xb7: {  	v11 =	vld [tilespmem:s25+$0xF1E0]  }
0xb8: {  	s26 =	simm.s32 $0x0;
	v12 =	vld [tilespmem:s25+$0xF1F0]  }
0xb9: {  	v5 =	vld.idx.msk [tilespmem:v8+s26+$0xFFFFFFF0 ss:$0x1], $0xffff  }
0xba: {  	v14 =	vld.idx.msk [tilespmem:v8+s26+$0x20 ss:$0x1], $0xffff  }
0xbb: {  	v15 =	vld.idx.msk [tilespmem:v8+s26+$0x0 ss:$0x1], $0xffff  }
0xbc: {  	v16 =	vld.idx.msk [tilespmem:v8+s26+$0xFFFFFFE0 ss:$0x1], $0xffff  }
0xbd: {  	v17 =	vld.idx.msk [tilespmem:v8+s26+$0x40 ss:$0x1], $0xffff  }
0xbe: {  	v18 =	vld.idx.msk [tilespmem:v8+s26+$0xFFFFFFC0 ss:$0x1], $0xffff  }
0xbf: {  	v19 =	vld.idx.msk [tilespmem:v8+s26+$0xFFFFFFB0 ss:$0x1], $0xffff  }
0xc0: {  	v20 =	vld.idx.msk [tilespmem:v8+s26+$0x30 ss:$0x1], $0xffff  }
0xc1: {  	v13 =	vimm.f32 $0.0e+00;
	v26 =	vld.idx.msk [tilespmem:v8+s26+$0xFFFFFFD0 ss:$0x1], $0xffff;
	v23 =	vadd.f32 v14, v9  }
0xc2: {  	v22 =	vld.idx.msk [tilespmem:v8+s26+$0x50 ss:$0x1], $0xffff;
	v25 =	vadd.f32 v15, v6;
	v14 =	vadd.f32 v5, v13  }
0xc3: {  	s30 =	simm.s32 $0xC0;
	v24 =	vld.idx.msk [tilespmem:v8+s26+$0xFFFFFFA0 ss:$0x1], $0xffff;
	v32 =	vadd.f32 v17, v11;
	v27 =	vadd.f32 v16, v1  }
0xc4: {  	v31 =	vld.idx.msk [tilespmem:v8+s30+$0xFFFFFFB0 ss:$0x1], $0xffff;
	v16 =	vadd.f32 v16, v13;
	v28 =	vadd.f32 v5, v0  }
0xc5: {  	v15 =	vld.idx.msk [tilespmem:v8+s26+$0x10 ss:$0x1], $0xffff;
	v29 =	vadd.f32 v19, v3;
	v19 =	vadd.f32 v19, v13  }
0xc6: {  	v37 =	vadd.f32 v20, v10;
	v20 =	vld.idx.msk [tilespmem:v8+s30+$0xFFFFFFF0 ss:$0x1], $0xffff;
	v34 =	vadd.f32 v18, v2  }
0xc7: {  	v36 =	vadd.f32 v18, v13;
	v18 =	vld.idx.msk [tilespmem:v8+s30+$0x20 ss:$0x1], $0xffff;
	v17 =	vmul.f32 v23, v23;
	v21 =	vmul.f32 v25, v25  }
0xc8: {  	s31 =	simm.s32 $0x180;
	v46 =	vld.idx.msk [tilespmem:v8+s30+$0xFFFFFFC0 ss:$0x1], $0xffff;
	v30 =	vadd.f32 v26, v13;
	v35 =	vadd.f32 v24, v13  }
0xc9: {  	v55 =	vld.idx.msk [tilespmem:v8+s31+$0xFFFFFFF0 ss:$0x1], $0xffff;
	v42 =	vadd.f32 v31, v3;
	v5 =	vmul.f32 v32, v32;
	v17 =	vadd.f32 v17, v21  }
0xca: {  	v44 =	vadd.f32 v31, v19;
	v21 =	vld.idx.msk [tilespmem:v8+s30+$0x40 ss:$0x1], $0xffff;
	v33 =	vadd.f32 v15, v7  }
0xcb: {  	v15 =	vld.idx.msk [tilespmem:v8+s30+$0xFFFFFFE0 ss:$0x1], $0xffff;
	v14 =	vadd.f32 v20, v14;
	v5 =	vadd.f32 v5, v17  }
0xcc: {  	v63 =	vld.idx.msk [tilespmem:v8+s30+$0xFFFFFFA0 ss:$0x1], $0xffff;
	v31 =	vadd.f32 v18, v9;
	v17 =	vadd.f32 v22, v12  }
0xcd: {  	v22 =	vadd.f32 v24, v4;
	v24 =	vld.idx.msk [tilespmem:v8+s30+$0xFFFFFFD0 ss:$0x1], $0xffff;
	v5 =	vadd.f32 $9.999999970e-07, v5  }
0xce: {  	v62 =	vld.idx.msk [tilespmem:v8+s30+$0x0 ss:$0x1], $0xffff;
	v60 =	vadd.f32 v46, v2;
	v18 =	vmul.f32 v32, v27;
	v27 =	vmul.f32 v31, v31  }
0xcf: {  	v58 =	vld.idx.msk [tilespmem:v8+s31+$0xFFFFFFE0 ss:$0x1], $0xffff;
	v14 =	vadd.f32 v55, v14;
	v21 =	vadd.f32 v21, v11;
	(erf) = vrcp.f32 v5  }
0xd0: {  	v5 =	vmul.f32 v25, v22;
	v22 =	vmul.f32 v23, v34;
	v39 =	vadd.f32 v15, v1  }
0xd1: {  	v38 =	vld.idx.msk [tilespmem:v8+s30+$0x30 ss:$0x1], $0xffff;
	v29 =	vmul.f32 v33, v29;
	v16 =	vadd.f32 v15, v16;
	v34 =	vadd.f32 v63, v4  }
0xd2: {  	v41 =	vld.idx.msk [tilespmem:v8+s30+$0x10 ss:$0x1], $0xffff;
	v15 =	vmul.f32 v37, v37;
	v49 =	vadd.f32 v24, v30;
	v40 =	vadd.f32 v22, v5  }
0xd3: {  	v43 =	vld.idx.msk [tilespmem:v8+s30+$0x50 ss:$0x1], $0xffff;
	v5 =	vmul.f32 v33, v33;
	v22 =	vadd.f32 v20, v0;
	v20 =	vadd.f32 v62, v6  }
0xd4: {  	v61 =	vld.idx.msk [tilespmem:v8+s31+$0xFFFFFFB0 ss:$0x1], $0xffff;
	v45 =	vmul.f32 v17, v17;
	v30 =	vadd.f32 v63, v35;
	v35 =	vadd.f32 v58, v1  }
0xd5: {  	v63 =	vld.idx.msk [tilespmem:v8+s31+$0x0 ss:$0x1], $0xffff;
	v16 =	vadd.f32 v58, v16;
	v19 =	vadd.f32 v15, v5;
	v52 =	vmul.f32 v20, v20  }
0xd6: {  	v57 =	vmul.f32 v17, v28;
	v5 =	vld [tilespmem:s25+$0xF170];
	v15 =	vadd.f32 v38, v10;
	v40 =	vadd.f32 v18, v40  }
0xd7: {  	v53 =	vmul.f32 v21, v21;
	v51 =	vadd.f32 v45, v19;
	v27 =	vadd.f32 v27, v52  }
0xd8: {  	v62 =	vld.idx.msk [tilespmem:v8+s31+$0x20 ss:$0x1], $0xffff;
	v18 =	vadd.f32 v43, v12;
	v34 =	vmul.f32 v20, v34;
	v19 =	vadd.f32 v41, v7  }
0xd9: {  	vm0 =	vlt.f32 v40, $0.0e+00;
	v38 =	vadd.f32 $9.999999970e-07, v51;
	v56 =	vadd.f32 v53, v27  }
0xda: {  	v58 =	vmul.f32 v15, v15;
	v45 =	vadd.f32 v61, v3;
	v43 =	vadd.f32 v63, v6  }
0xdb: {  	v52 =	vld.idx.msk [tilespmem:v8+s31+$0x10 ss:$0x1], $0xffff;
	v47 =	vpop (erf);
	v26 =	vadd.f32 v26, v5;
	(erf) = vrcp.f32 v38;
	v59 =	vadd.f32 $9.999999970e-07, v56  }
0xdc: {  	v27 =	vadd.f32 v46, v36;
	v36 =	vmul.f32 v31, v60;
	v54 =	vmul.f32 v47, v40  }
0xdd: {  	v41 =	vadd.f32 v62, v9;
	v26 =	vmul.f32 v37, v26;
	(erf) = vrcp.f32 v59  }
0xde: {  	v28 =	vmul.f32 v19, v42;
	v51 =	vmul.f32 v21, v39;
	v39 =	vadd.f32 v55, v0  }
0xdf: {  	v50 =	vadd.f32 v36, v34;
	v40 =	vnsel vm0, $0x0, v54;
	v26 =	vadd.f32 v26, v29;
	v29 =	vld.idx.msk [tilespmem:v8+s31+$0x40 ss:$0x1], $0xffff  }
0xe0: {  	v38 =	vimm.f32 $0.0e+00;
	v36 =	vadd.f32 v52, v7;
	v46 =	vmul.f32 v40, v25;
	v25 =	vld.idx.msk [tilespmem:v8+s31+$0x30 ss:$0x1], $0xffff  }
0xe1: {  	v54 =	vmul.f32 v41, v41;
	v51 =	vadd.f32 v51, v50;
	v48 =	vmul.f32 v40, v23  }
0xe2: {  	v42 =	vld.idx.msk [tilespmem:v8+s31+$0xFFFFFFD0 ss:$0x1], $0xffff;
	v23 =	vadd.f32 v61, v44;
	v26 =	vadd.f32 v57, v26;
	v57 =	vmul.f32 v19, v19  }
0xe3: {  	v40 =	vmul.f32 v40, v32;
	v34 =	vadd.f32 v48, v13;
	v32 =	vadd.f32 v46, v13  }
0xe4: {  	v56 =	vld.idx.msk [tilespmem:v8+s31+$0x50 ss:$0x1], $0xffff;
	v61 =	vmul.f32 v18, v18;
	v55 =	vadd.f32 v58, v57;
	v29 =	vadd.f32 v29, v11;
	v59 =	vpop (erf)  }
0xe5: {  	vm15 =	vlt.f32 v26, $0.0e+00;
	v25 =	vadd.f32 v25, v10;
	v60 =	vmul.f32 v59, v26  }
0xe6: {  	v63 =	vadd.f32 v61, v55;
	v55 =	vmul.f32 v43, v43;
	v47 =	vmul.f32 v29, v29;
	v62 =	vpop (erf)  }
0xe7: {  	v26 =	vadd.f32 v42, v49;
	v48 =	vnsel vm15, $0x0, v60;
	v50 =	vmul.f32 v62, v51  }
0xe8: {  	v44 =	vld.idx.msk [tilespmem:v8+s31+$0xFFFFFFC0 ss:$0x1], $0xffff;
	v53 =	vmul.f32 v48, v33;
	v33 =	vadd.f32 v40, v13;
	v52 =	vmul.f32 v48, v37  }
0xe9: {  	s25 =	simm.s32 $0x900;
	v49 =	vld.idx.msk [tilespmem:v8+s31+$0xFFFFFFA0 ss:$0x1], $0xffff;
	v46 =	vmovc v25;
	v37 =	vadd.f32 v56, v12;
	v56 =	vadd.f32 $9.999999970e-07, v63;
	v40 =	vimm.f32 $0.0e+00  }
.LBB2_8:
0xea: {  	v54 =	vadd.f32 v54, v55;
	v55 =	vmul.f32 v18, v22;
	v13 =	vadd.f32 v53, v13;
	v22 =	vmovc v39  }
0xeb: {  	s26 =	sshra.s32 s25, $0x2;
	p0 =	sne.s32 s25, $0x3900;
	s25 =	sadd.s32 $0x300, s25;
	v57 =	vmovc v41;
	v39 =	vmovc v20;
	v20 =	vmov v43;
	v53 =	vmov v19;
	v19 =	vmov v36  }
0xec: {  	v41 =	vld.idx.msk [tilespmem:v8+s26+$0xFFFFFFF0 ss:$0x1], $0xffff;
	v43 =	vmul.f32 v19, v45;
	v45 =	vadd.f32 v24, v5;
	(erf) = vrcp.f32 v56;
	v24 =	vmovc v42  }
0xed: {  	v40 =	vadd.f32 v52, v40;
	v48 =	vmul.f32 v48, v17;
	v42 =	vld.idx.msk [tilespmem:v8+s26+$0xFFFFFFE0 ss:$0x1], $0xffff;
	v47 =	vadd.f32 v47, v54  }
0xee: {  	v27 =	vadd.f32 v44, v27;
	vm0 =	vlt.f32 v51, $0.0e+00;
	v17 =	vmovc v18;
	v30 =	vadd.f32 v49, v30;
	v52 =	vld.idx.msk [tilespmem:v8+s26+$0x40 ss:$0x1], $0xffff  }
0xef: {  	v18 =	vmovc v37;
	v38 =	vadd.f32 v48, v38;
	v45 =	vmul.f32 v15, v45;
	v51 =	vld.idx.msk [tilespmem:v8+s26+$0xFFFFFFC0 ss:$0x1], $0xffff;
	v47 =	vadd.f32 $9.999999970e-07, v47  }
0xf0: {  	v44 =	vadd.f32 v44, v2;
	v50 =	vnsel vm0, $0x0, v50;
	v49 =	vadd.f32 v49, v4;
	v48 =	vld.idx.msk [tilespmem:v8+s26+$0xFFFFFFB0 ss:$0x1], $0xffff  }
0xf1: {  	v56 =	vmul.f32 v50, v39;
	v45 =	vadd.f32 v45, v28;
	v28 =	vmovc v43;
	v54 =	vld.idx.msk [tilespmem:v8+s26+$0x20 ss:$0x1], $0xffff;
	(erf) = vrcp.f32 v47  }
0xf2: {  	v44 =	vmul.f32 v57, v44;
	v39 =	vmul.f32 v20, v49;
	v14 =	vadd.f32 v41, v14;
	v43 =	vld.idx.msk [tilespmem:v8+s26+$0x30 ss:$0x1], $0xffff  }
0xf3: {  	v31 =	vmul.f32 v50, v31;
	v47 =	vadd.f32 v42, v1;
	v16 =	vadd.f32 v42, v16;
	v49 =	vld.idx.msk [tilespmem:v8+s26+$0x10 ss:$0x1], $0xffff  }
0xf4: {  	v60 =	vmul.f32 v29, v35;
	v59 =	vadd.f32 v44, v39;
	v35 =	vadd.f32 v55, v45;
	v58 =	vld.idx.msk [tilespmem:v8+s26+$0x0 ss:$0x1], $0xffff  }
0xf5: {  	v36 =	vmul.f32 v36, v19;
	v39 =	vadd.f32 v41, v0;
	v41 =	vmul.f32 v46, v25;
	v42 =	vpop (erf)  }
0xf6: {  	v45 =	vadd.f32 v48, v3;
	v23 =	vadd.f32 v48, v23;
	v61 =	vld.idx.msk [tilespmem:v8+s26+$0x50 ss:$0x1], $0xffff;
	v48 =	vmul.f32 v42, v35  }
0xf7: {  	v37 =	vmul.f32 v37, v18;
	v50 =	vmul.f32 v50, v21;
	v52 =	vadd.f32 v52, v11;
	v42 =	vld.idx.msk [tilespmem:v8+s26+$0xFFFFFFD0 ss:$0x1], $0xffff  }
0xf8: {  	v55 =	vadd.f32 v41, v36;
	vm0 =	vlt.f32 v35, $0.0e+00;
	v44 =	vmovc v51;
	v35 =	vmovc v47;
	v46 =	vadd.f32 v43, v10  }
0xf9: {  	v21 =	vmovc v29;
	v34 =	vadd.f32 v31, v34;
	v41 =	vadd.f32 v54, v9;
	v47 =	vmul.f32 v52, v52  }
.Ltmp2:
0xfa: {  	v32 =	vadd.f32 v56, v32;
	v48 =	vnsel vm0, $0x0, v48;
	v43 =	vadd.f32 v58, v6;
	v31 =	vpop (erf);
	(pc) =	sbr.rel @p0 .LBB2_8-.Ltmp2, $4  }
0xfb: {  	v33 =	vadd.f32 v50, v33;
	v29 =	vmovc v52;
	v36 =	vadd.f32 v49, v7;
	v53 =	vmul.f32 v48, v53  }
0xfc: {  	v51 =	vadd.f32 v60, v59;
	v56 =	vadd.f32 v37, v55;
	v54 =	vmul.f32 v41, v41;
	v49 =	vld.idx.msk [tilespmem:v8+s26+$0xFFFFFFA0 ss:$0x1], $0xffff  }
0xfd: {  	v52 =	vmul.f32 v48, v15;
	v15 =	vmovc v25;
	v55 =	vmul.f32 v43, v43;
	v26 =	vadd.f32 v42, v26  }
0xfe: {  	v56 =	vadd.f32 $9.999999970e-07, v56;
	v25 =	vmovc v46;
	v37 =	vadd.f32 v61, v12;
	v50 =	vmul.f32 v31, v51;
	v31 =	vmovc v57  }
0xff: {  	v6 =	vmul.f32 v36, v36;
	v7 =	vmul.f32 v46, v25;
	v8 =	vadd.f32 v54, v55  }
0x100: {  	v46 =	vmul.f32 v18, v22;
	v10 =	vadd.f32 v53, v13;
	v11 =	vmul.f32 v36, v45  }
0x101: {  	v12 =	vadd.f32 v24, v5;
	v54 =	vadd.f32 v52, v40;
	v55 =	vmul.f32 v48, v17  }
0x102: {  	vm0 =	vlt.f32 v51, $0.0e+00;
	v58 =	vadd.f32 v44, v2;
	v59 =	vadd.f32 v44, v27  }
0x103: {  	v61 =	vadd.f32 v42, v5;
	v51 =	vmul.f32 $5.000000070e-02, v23;
	v8 =	vadd.f32 v47, v8  }
0x104: {  	(erf) = vrcp.f32 v56;
	v9 =	vmul.f32 v37, v37;
	v6 =	vadd.f32 v7, v6  }
0x105: {  	v60 =	vnsel vm0, $0x0, v50;
	v56 =	vadd.f32 v49, v30;
	v8 =	vadd.f32 $9.999999970e-07, v8  }
0x106: {  	v12 =	vmul.f32 v15, v12;
	v57 =	vadd.f32 v49, v4;
	v6 =	vadd.f32 v9, v6  }
0x107: {  	v13 =	vadd.f32 v55, v38;
	v20 =	vmul.f32 v60, v20;
	(erf) = vrcp.f32 v8  }
0x108: {  	v63 =	vmul.f32 v60, v31;
	v31 =	vmul.f32 v29, v35;
	v6 =	vadd.f32 $9.999999970e-07, v6  }
0x109: {  	v21 =	vmul.f32 v60, v21;
	v35 =	vmul.f32 v37, v39;
	v3 =	vadd.f32 v51, v3  }
0x10a: {  	v12 =	vadd.f32 v12, v28;
	v22 =	vmul.f32 v43, v57;
	(erf) = vrcp.f32 v6  }
0x10b: {  	v38 =	vadd.f32 v63, v34;
	v20 =	vadd.f32 v20, v32;
	v8 =	vmul.f32 v41, v58  }
0x10c: {  	v17 =	vmul.f32 $5.000000070e-02, v56;
	v7 =	vadd.f32 v46, v12;
	v12 =	vmul.f32 v25, v61  }
0x10d: {  	v60 =	vmul.f32 $5.000000070e-02, v14;
	v21 =	vadd.f32 v21, v33;
	v8 =	vadd.f32 v8, v22  }
0x10e: {  	v57 =	vmul.f32 $5.000000070e-02, v16;
	v53 =	vadd.f32 v17, v4;
	v11 =	vadd.f32 v12, v11;
	v62 =	vpop (erf)  }
0x10f: {  	v6 =	vmul.f32 $5.000000070e-02, v59;
	v8 =	vadd.f32 v31, v8;
	v30 =	vmul.f32 v62, v7  }
0x110: {  	v1 =	vadd.f32 v57, v1;
	vm13 =	vlt.f32 v7, $0.0e+00;
	v11 =	vadd.f32 v35, v11;
	v39 =	vpop (erf)  }
0x111: {  	v55 =	vadd.f32 v6, v2;
	v7 =	vnsel vm13, $0x0, v30;
	v42 =	vmul.f32 v39, v8  }
0x112: {  	vm14 =	vlt.f32 v8, $0.0e+00;
	vm15 =	vlt.f32 v11, $0.0e+00;
	v19 =	vmul.f32 v7, v19  }
0x113: {  	v40 =	vmul.f32 v7, v15;
	v7 =	vmul.f32 v7, v18;
	v44 =	vpop (erf);
	v46 =	vnsel vm14, $0x0, v42  }
0x114: {  	v10 =	vadd.f32 v19, v10;
	v45 =	vmul.f32 v44, v11;
	v47 =	vmul.f32 v46, v43  }
0x115: {  	v9 =	vadd.f32 v40, v54;
	v7 =	vadd.f32 v7, v13;
	v48 =	vmul.f32 v46, v41  }
0x116: {  	v49 =	vmul.f32 v46, v29;
	v8 =	vnsel vm15, $0x0, v45;
	v11 =	vadd.f32 v47, v20  }
0x117: {  	v54 =	vmul.f32 $5.000000070e-02, v26;
	v50 =	vmul.f32 v8, v36;
	v12 =	vadd.f32 v48, v38  }
0x118: {  	v13 =	vadd.f32 v49, v21;
	v52 =	vmul.f32 v8, v25;
	v11 =	vmul.f32 $3.999999910e-02, v11  }
0x119: {  	s25 =	smul.u32 $0x180, s23;
	v8 =	vmul.f32 v8, v37;
	v10 =	vadd.f32 v50, v10;
	v56 =	vmul.f32 $3.999999910e-02, v12  }
0x11a: {  	v9 =	vadd.f32 v52, v9;
	v61 =	vmul.f32 $3.999999910e-02, v13;
	v4 =	vsub.f32 v53, v11  }
0x11b: {  	s23 =	sadd.s32 $0x1, s23;
	s25 =	sshra.s32 s25, $0x2;
	v7 =	vadd.f32 v8, v7;
	v10 =	vmul.f32 $3.999999910e-02, v10;
	v2 =	vsub.f32 v55, v56  }
0x11c: {  	p0 =	sne.s32 s23, $0x8;
	v58 =	vadd.f32 v54, v5;
	v59 =	vmul.f32 $3.999999910e-02, v9;
	v1 =	vsub.f32 v1, v61;
	[tilespmem:s25+$0xF740] =	vst v4  }
.Ltmp3:
0x11d: {  	v0 =	vadd.f32 v60, v0;
	v63 =	vmul.f32 $3.999999910e-02, v7;
	v3 =	vsub.f32 v3, v10;
	[tilespmem:s25+$0xF760] =	vst v2;
	(pc) =	sbr.rel @p0 .LBB2_7-.Ltmp3, $4  }
0x11e: {  	v62 =	vsub.f32 v58, v59;
	[tilespmem:s25+$0xF780] =	vst v1  }
0x11f: {  	v0 =	vsub.f32 v0, v63;
	[tilespmem:s25+$0xF750] =	vst v3  }
0x120: {  	[tilespmem:s25+$0xF770] =	vst v62  }
0x121: {  	s24 =	sadd.s32 $0xF00, s24;
	[tilespmem:s25+$0xF790] =	vst v0  }
0x122: {  	s22 =	smul.u32 $0xC, s22;
	s21 =	sadd.s32 $0x1, s21  }
0x123: {  	p0 =	sne.s32 s21, $0x20  }
.Ltmp4:
0x124: {  	s22 =	sadd.s32 s2, s22;
	(pc) =	sbr.rel @p0 .LBB2_2-.Ltmp4, $4  }
0x125: {  	[hbm4b:s22+s3] =	stream.linear.scatter [tilespmem:s18], [sflag:$0x3], $0x300, $0x38;
	[tilespmem:$0xFA40] =	vst v63  }
0x126: {  	_ =	swait.ge [sflag:s12], $0x300  }
0x127: {  	[sflag:s12] =	ssyncset.done $0x0  }
0x128: {  	[sflag:s12] =	ssyncadd.s32 $0xFFFFFD00  }
0x129: {  	s20 =	sadd.s32 $0x1, s20  }
0x12a: {  	p0 =	sne.s32 s20, s11  }
.Ltmp5:
0x12b: {  	_ = 	snop;
	(pc) =	sbr.rel @p0 .LBB2_1-.Ltmp5, $1  }
0x12c: {  	_ =	sdelay $0x3  }
0x12d: {  	_ =	sfence.sel $0x180000  }
0x12e: {  	[bflag:$0x0] =	sbarrier.arrive $0xFFFF  }
0x12f: {  	p0 =	sne.s32 s1, $0x0;
	_ =	strace $0x90000059  }
0x130: {  	s0 =	sadd.s32 @!p0 $0x100000, s0;
	[bflag:$0x2] =	sbarrier.arrive $0xFFFF  }
0x131: {  	[sflag:s0] =	ssyncadd.tile.s32 @!p0 $0x1;
	_ =	shalt  }
.Lfunc_end2:
_tile_overlayer_lowered:
.L_overlay_start_2:
0x132: {  	(tag) =	ssettag $0x2  }
0x133: {  	s0 =	rddreg [dreg:$0x0];
	s2 =	stileid.u32  }
0x134: {  	s1 =	rddreg [dreg:$0x1];
	p0 =	sne.s32 s2, $0x0  }
0x135: {  	s3 =	rddreg [dreg:$0x2];
	[bflag:$0x3] =	sbarrier.arrive $0xFFFF;
	s2 =	simm.s32 @!p0 $0x1C03  }
0x136: {  	[timem:s3], [sflag:s2] =	dma.local @!p0 [hbm:s0], s1  }
0x137: {  	s0 =	simm.s32 @!p0 $0x3  }
0x138: {  	_ =	swait.ge @!p0 [sflag:s0], s1  }
0x139: {  	s1 =	ssub.s32 @!p0 $0x0, s1;
	[sflag:s0] =	ssyncset.done @!p0 $0x0  }
0x13a: {  	[sflag:s0] =	ssyncadd.s32 @!p0 s1  }
0x13b: {  	[bflag:$0x3] =	sbarrier.arrive $0xFFFF  }
0x13c: {  	_ =	shalt  }

// kernel: sparse-core-data-format-call.1.cloned.1.call-start
scs
called_computation.1_lowered:
.L_overlay_start_0:
0x0: {  	s1 =	sld [smem:$0x3FD9]  }
0x1: {  	s2 =	sld [smem:$0x3FFE];
	_ =	sdelay $0x1  }
0x2: {  	s3 =	srdreg.scid  }
0x3: {  	s0 =	sand.u32 $0x1, s3  }
0x4: {  	s17 =	sshll.u32 s0, $0xA;
	s1 =	sadd.s32 s2, s1  }
0x5: {  	s1 =	sadd.s32 s1, s17  }
0x6: {  	[smem:$0x3FC1] =	sst s1  }
0x7: {  	_ = 	snop  }
0x8: {  	(tm) =	ssettm $0x1  }
0x9: {  	s18 =	sld [smem:$0x3FFB];
	_ =	sdelay $0x3  }
0xa: {  	_ =	strace s18  }
0xb: {  	s1 =	sld [smem:$0x3FFC];
	_ =	sdelay $0x3  }
0xc: {  	_ =	strace s1  }
0xd: {  	s1 =	sld [smem:$0x3FFD];
	_ =	sdelay $0x3  }
0xe: {  	_ =	strace s1  }
0xf: {  	_ =	strace $0x8FFFFFFF  }
0x10: {  	s19 =	sld [smem:$0x3FDB];
	_ =	sdelay $0x1  }
0x11: {  	s20 =	simm.s32 $_scs_section_size  }
0x12: {  	s4 =	simm.s32 $_size__tile_overlayer_lowered;
	s5 =	simm.s32 $_tile_overlayer_lowered  }
0x13: {  	s23 =	simm.s32 $0x1BFF;
	s22 =	sshll.u32 s5, $0x1;
	s1 =	sadd.s32 s20, s19  }
0x14: {  	s6 =	simm.s32 $0x0;
	s21 =	sshll.u32 s4, $0x1;
	s4 =	sadd.s32 s22, s1  }
0x15: {  	[timem:s6], [sflag:s23] =	dma.local [hbm:s4], s21  }
0x16: {  	_ =	swait.ge [sflag:s23], s21  }
0x17: {  	s2 =	ssub.s32 $0x0, s21;
	[sflag:s23] =	ssyncset.done $0x0  }
0x18: {  	[sflag:s23] =	ssyncadd.s32 s2;
	_ =	sdelay $0x1  }
0x19: {  	s24 =	simm.s32 $0x1B8B  }
0x1a: {  	_ =	swait.ge [sflag:s24], $0x1  }
0x1b: {  	[sflag:s24] =	ssyncset.done $0x0  }
0x1c: {  	s26 =	simm.s32 $0x1B8E;
	s25 =	sld [smem:$0x3FFE];
	[sflag:s24] =	ssyncadd.s32 $0xFFFFFFFF  }
0x1d: {  	s27 =	simm.s32 $execute0_lowered;
	[smem:$0x3FD2] =	sst s26  }
0x1e: {  	s4 =	sshll.u32 s27, $0x1;
	_ =	strace $0x80000046;
	[dreg:$0x1] =	wrdreg $0xFFFFFFFF  }
0x1f: {  	s28 =	simm.s32 $_size_execute0_lowered;
	s1 =	sadd.s32 s1, s4;
	[dreg:$0x0] =	wrdreg $0x0  }
0x20: {  	s4 =	sshll.u32 s28, $0x1;
	[dreg:$0x2] =	wrdreg s1  }
0x21: {  	[dreg:$0x3] =	wrdreg s4  }
0x22: {  	[dreg:$0x4] =	wrdreg $0xC0  }
0x23: {  	_ =	task [dreg:s6], $0x5FFFF  }
0x24: {  	[dreg:$0x1] =	wrdreg $0xFFFFFFFF  }
0x25: {  	[dreg:$0x0] =	wrdreg $0x60  }
0x26: {  	[dreg:$0x2] =	wrdreg s25  }
0x27: {  	[dreg:$0x3] =	wrdreg $0x9  }
0x28: {  	_ =	task.clear_ibuf [dreg:s6], $0x4FFFF;
	_ =	strace $0x90000046  }
0x29: {  	s29 =	simm.s32 $0x9;
	_ =	strace $0x80000048  }
0x2a: {  	_ =	swait.ge [sflag:s29], $0x1  }
0x2b: {  	[sflag:s29] =	ssyncadd.s32 $0xFFFFFFFF  }
0x2c: {  	_ =	strace $0x90000048  }
0x2d: {  	_ =	sfence  }
0x2e: {  	s30 =	sld [smem:$0x0];
	_ =	sdelay $0x2  }
0x2f: {  	s31 =	sshll.u32 s3, $0xD;
	s3 =	sshrl.u32 s3, $0x2  }
0x30: {  	s2 =	sand.u32 $0x4000, s31;
	s1 =	sadd.s32 s3, s30  }
0x31: {  	s0 =	sor.u32 s2, s0;
	s1 =	sshll.u32 s1, $0x11  }
0x32: {  	s0 =	sor.u32 s1, s0  }
0x33: {  	s0 =	sadd.s32 $0x8F2B, s0  }
0x34: {  	[sflag:s0] =	ssyncadd.remote.s32 $0x1  }
0x35: {  	_ =	sfence.sel $0xFFFF  }
0x36: {  	[dreg:$0x0] =	wrdreg $0xFFFFFFFF;
	(pc) =	sbr.abs _section_cstart, $3  }
0x37: {  	[dreg:$0x1] =	wrdreg $0xFFFFFFFF  }
0x38: {  	_ =	task.clear_ibuf [dreg:s6], $0x2FFFF;
	_ =	strace $0x9FFFFFFF  }
0x39: {  	(tm) =	ssettm $0x7FFFFFFF  }
tec
execute0_lowered:
.L_overlay_start_1:
0x0: {  	(tag) =	ssettag $0x1  }
0x1: {  	s1 =	rddreg [dreg:$0x0]  }
0x2: {  	s0 =	rddreg [dreg:$0x1];
	_ =	strace $0x80000047;
	s4 =	srdreg.scid  }
0x3: {  	s7 =	simm.s32 $0x2;
	s13 =	simm.s32 $0x0;
	p0 =	por $0x0, $0x0  }
0x4: {  	s16 =	simm.s32 $0x0;
	s14 =	simm.s32 $0x0;
	s15 =	simm.s32 $0x0  }
0x5: {  	s9 =	simm.s32 $0x0;
	s11 =	simm.s32 $0x0;
	s2 =	sadd.s32 $0x6000, s1  }
.Ltmp0:
0x6: {  	s3 =	sadd.s32 $0x406000, s1;
	s4 =	sshll.u32 s4, $0x4;
	(pc) =	sbr.rel .LBB1_1-.Ltmp0, $4  }
0x7: {  	s1 =	stileid.u32;
	s5 =	sand.u32 $0x10, s4;
	s4 =	simm.s32 $0x1  }
0x8: {  	s8 =	simm.s32 $0x0;
	s6 =	sor.u32 s1, s5;
	[sflag:s4] =	ssyncpa.u1 $0x0  }
0x9: {  	s5 =	sand.u32 $0x7, s1;
	s6 =	sshrl.u32 s6, $0x3;
	[sflag:s7] =	ssyncpa.u1 $0x0  }
0xa: {  	s7 =	simm.s32 $0x800;
	s12 =	smov.u32 s5;
	s10 =	smov.u32 s6  }
.LBB1_5:
0xb: {  	s17 =	sadd.s32 $0x80, s9  }
0xc: {  	s13 =	sadd.s32 $0x4, s10;
	s18 =	smov.u32 s10;
	p2 =	sgt.s32 s17, $0x7FF  }
0xd: {  	s18 =	smov.u32 @p2 s13  }
0xe: {  	s19 =	smov.u32 s11;
	s13 =	sadd.s32 $0x80, s11;
	p3 =	sgt.s32 s18, $0xF  }
0xf: {  	s19 =	smov.u32 @p3 s13  }
0x10: {  	s20 =	smov.u32 s12;
	s13 =	sadd.s32 $0x8, s12;
	p4 =	sgt.s32 s19, $0x7F  }
0x11: {  	p1 =	slt.u32 s8, $0x2;
	s20 =	smov.u32 @p4 s13  }
0x12: {  	s8 =	sadd.s32 $0x1, s8;
	s17 =	simm.s32 @p2 $0x0;
	p2 =	sgt.s32 s20, $0x7  }
0x13: {  	s21 =	simm.s32 @!p1 $0x2;
	s20 =	smov.u32 @p2 s5;
	p2 =	sne.s32 s8, $0x42  }
.Ltmp1:
0x14: {  	s16 =	smov.u32 s10;
	_ =	swait.ge @!p1 [sflag:s21], $0x4000;
	(pc) =	sbr.rel @!p2 .LBB1_6-.Ltmp1, $4  }
0x15: {  	s14 =	smov.u32 s11;
	s15 =	smov.u32 s12;
	[sflag:s21] =	ssyncset.done @!p1 $0x0  }
0x16: {  	p0 =	por !p0, !p0;
	s18 =	smov.u32 @p3 s6;
	[sflag:s21] =	ssyncadd.s32 @!p1 $0xFFFFC000  }
0x17: {  	s10 =	smov.u32 s18;
	s19 =	simm.s32 @p4 $0x0;
	s13 =	smov.u32 s9  }
0x18: {  	s9 =	smov.u32 s17;
	s11 =	smov.u32 s19;
	s12 =	smov.u32 s20  }
.LBB1_1:
0x19: {  	p1 =	sgt.u32 s8, $0x3F  }
0x1a: {  	s17 =	sxor.u32 @!p1 $0xFFFFFFFF, s8;
	s18 =	sand.u32 @!p1 $0x78, s9  }
0x1b: {  	s19 =	sshll.u32 @!p1 s10, $0x7;
	s20 =	sshll.u32 @!p1 s10, $0xB;
	s21 =	sshll.u32 @!p1 s9, $0x3  }
0x1c: {  	s17 =	sshll.u32 @!p1 s17, $0xE;
	s19 =	sand.u32 @!p1 $0x380, s19;
	s20 =	sand.u32 @!p1 $0x4000, s20  }
0x1d: {  	s17 =	sand.u32 @!p1 $0x4000, s17;
	s18 =	sor.u32 @!p1 s19, s18;
	s19 =	sand.u32 @!p1 $0x400, s21  }
0x1e: {  	s20 =	sadd.s32 @!p1 s20, s21;
	s18 =	sor.u32 @!p1 s19, s18;
	s19 =	sshll.u32 @!p1 s12, $0x13  }
0x1f: {  	s21 =	sshll.u32 @!p1 s11, $0xC;
	s20 =	sshrl.u32 @!p1 s20, $0x3;
	s19 =	sadd.s32 @!p1 s2, s19  }
0x20: {  	s20 =	sand.u32 @!p1 $0xF00, s20;
	s19 =	sadd.s32 @!p1 s21, s19;
	s21 =	sand.u32 @!p1 $0x7, s9  }
0x21: {  	s18 =	sshrl.u32 @!p1 s18, $0x3;
	s19 =	sadd.s32 @!p1 s20, s19;
	s20 =	sshll.u32 @!p1 s21, $0x12  }
0x22: {  	s18 =	sadd.s32 @!p1 s18, s19;
	s19 =	sor.u32 @!p1 $0x80, s20;
	s20 =	simm.s32 @!p1 $0x8000  }
0x23: {  	[tilespmem:s17], [sflag:$0x1] =	stream.strided.gather @!p1 [hbm4b:s18+s19], $0x4000, s20, s19, $0x38;
	[tilespmem:$0x10100] =	vst v63  }
0x24: {  	p1 =	seq.s32 s8, $0x0  }
0x25: {  	p2 =	seq.s32 @!p1 s8, $0x41  }
0x26: {  	p1 =	por p1, p2  }
.Ltmp2:
0x27: {  	_ = 	snop;
	(pc) =	sbr.rel @p1 .LBB1_5-.Ltmp2, $1  }
0x28: {  	_ =	sdelay $0x3  }
0x29: {  	s17 =	simm.s32 $0x1  }
0x2a: {  	_ =	swait.ge [sflag:s4], $0x4000;
	s17 =	simm.s32 @!p0 $0x0  }
0x2b: {  	[sflag:s4] =	ssyncset.done $0x0;
	s18 =	sshll.u32 s17, $0xE  }
0x2c: {  	[sflag:s4] =	ssyncadd.s32 $0xFFFFC000;
	s19 =	sor.u32 $0x40, s18  }
0x2d: {  	s17 =	smul.u32 $0x10200, s17;
	v0 =	vld [tilespmem:s19+$0x30]  }
0x2e: {  	v3 =	vld [tilespmem:s19+$0xFFFFFFD0]  }
0x2f: {  	s17 =	sshrl.u32 s17, $0x2;
	v4 =	vld [tilespmem:s19+$0xFFFFFFE0]  }
0x30: {  	v5 =	vld [tilespmem:s19+$0xFFFFFFF0];
	s18 =	sor.u32 $0x8000, s17  }
0x31: {  	s31 =	sand.u32 $0x1, s8;
	v1 =	vld [tilespmem:s19+$0x0];
	s20 =	sadd.s32 $0x0, s18  }
0x32: {  	v2 =	vld [tilespmem:s19+$0x10];
	s17 =	smul.u32 $0x10200, s31;
	[tilespmem:s20+$0x3870 ss:$0x81] =	vst.msk $0xffff, v0  }
0x33: {  	[tilespmem:s20+$0x810 ss:$0x81] =	vst.msk $0xffff, v3;
	v3 =	vld [tilespmem:s19+$0x20]  }
0x34: {  	s17 =	sshrl.u32 s17, $0x2;
	v0 =	vld [tilespmem:s19+$0xFFFFFFC0];
	[tilespmem:s20+$0x1020 ss:$0x81] =	vst.msk $0xffff, v4;
	s19 =	sadd.s32 $0x80, s19  }
0x35: {  	s21 =	simm.s32 $0x4;
	s22 =	simm.s32 $0x8;
	s17 =	sor.u32 $0x8000, s17;
	[tilespmem:s20+$0x1830 ss:$0x81] =	vst.msk $0xffff, v5;
	v4 =	vld [tilespmem:s19+$0x30]  }
.LBB1_3:
0x36: {  	p1 =	sne.s32 s22, $0x1FC;
	v5 =	vld [tilespmem:s19+$0xFFFFFFD0];
	[tilespmem:s20+$0x2040 ss:$0x81] =	vst.msk $0xffff, v1  }
0x37: {  	v6 =	vld [tilespmem:s19+$0xFFFFFFE0];
	[tilespmem:s20+$0x2850 ss:$0x81] =	vst.msk $0xffff, v2  }
0x38: {  	s23 =	sshra.s32 s21, $0x2;
	s21 =	smov.u32 s22;
	v7 =	vld [tilespmem:s19+$0xFFFFFFF0];
	[tilespmem:s20+$0x3060 ss:$0x81] =	vst.msk $0xffff, v3  }
.Ltmp3:
0x39: {  	v1 =	vld [tilespmem:s19+$0x0];
	[tilespmem:s20+$0x0 ss:$0x81] =	vst.msk $0xffff, v0;
	s20 =	sadd.s32 s23, s18;
	(pc) =	sbr.rel @p1 .LBB1_3-.Ltmp3, $4  }
0x3a: {  	v2 =	vld [tilespmem:s19+$0x10];
	[tilespmem:s20+$0x3870 ss:$0x81] =	vst.msk $0xffff, v4  }
0x3b: {  	[tilespmem:s20+$0x810 ss:$0x81] =	vst.msk $0xffff, v5;
	v3 =	vld [tilespmem:s19+$0x20]  }
0x3c: {  	v0 =	vld [tilespmem:s19+$0xFFFFFFC0];
	[tilespmem:s20+$0x1020 ss:$0x81] =	vst.msk $0xffff, v6;
	s19 =	sadd.s32 $0x80, s19  }
0x3d: {  	s22 =	sadd.s32 $0x4, s22;
	v4 =	vld [tilespmem:s19+$0x30];
	[tilespmem:s20+$0x1830 ss:$0x81] =	vst.msk $0xffff, v7  }
0x3e: {  	v5 =	vld [tilespmem:s19+$0xFFFFFFD0];
	[tilespmem:s20+$0x2040 ss:$0x81] =	vst.msk $0xffff, v1  }
0x3f: {  	v58 =	vld [tilespmem:s19+$0xFFFFFFE0];
	[tilespmem:s20+$0x2850 ss:$0x81] =	vst.msk $0xffff, v2  }
0x40: {  	s21 =	sshra.s32 s21, $0x2;
	v59 =	vld [tilespmem:s19+$0xFFFFFFF0];
	[tilespmem:s20+$0x3060 ss:$0x81] =	vst.msk $0xffff, v3  }
0x41: {  	v60 =	vld [tilespmem:s19+$0x0];
	s18 =	sadd.s32 s21, s18;
	[tilespmem:s20+$0x0 ss:$0x81] =	vst.msk $0xffff, v0  }
0x42: {  	v61 =	vld [tilespmem:s19+$0x10];
	s16 =	sshll.u32 s16, $0x7;
	[tilespmem:s18+$0x3870 ss:$0x81] =	vst.msk $0xffff, v4  }
0x43: {  	s27 =	sshll.u32 s14, $0x3;
	v62 =	vld [tilespmem:s19+$0x20];
	s15 =	sshll.u32 s15, $0x13;
	s30 =	sshrl.u32 s14, $0x3;
	[tilespmem:s18+$0x810 ss:$0x81] =	vst.msk $0xffff, v5  }
0x44: {  	v63 =	vld [tilespmem:s19+$0xFFFFFFC0];
	s13 =	sshll.u32 s13, $0x8;
	s28 =	sand.u32 $0x400, s16;
	s20 =	sand.u32 $0x400, s27;
	[tilespmem:s18+$0x1020 ss:$0x81] =	vst.msk $0xffff, v58  }
0x45: {  	s16 =	sand.u32 $0x380, s16;
	s19 =	sand.u32 $0xF, s30;
	s29 =	sadd.s32 s20, s28;
	[tilespmem:s18+$0x1830 ss:$0x81] =	vst.msk $0xffff, v59  }
.Ltmp4:
0x46: {  	s15 =	sadd.s32 s3, s15;
	s16 =	sor.u32 s16, s29;
	[tilespmem:s18+$0x2040 ss:$0x81] =	vst.msk $0xffff, v60;
	(pc) =	sbr.rel .LBB1_5-.Ltmp4, $4  }
0x47: {  	s31 =	sand.u32 $0x7, s14;
	s15 =	sadd.s32 s19, s15;
	[tilespmem:s18+$0x2850 ss:$0x81] =	vst.msk $0xffff, v61;
	s16 =	sshrl.u32 s16, $0x3  }
0x48: {  	s14 =	sshll.u32 s31, $0x12;
	s13 =	sadd.s32 s13, s15;
	[tilespmem:s18+$0x3060 ss:$0x81] =	vst.msk $0xffff, v62;
	s16 =	sand.u32 $0xF0, s16  }
0x49: {  	s14 =	sor.u32 $0x80, s14;
	[tilespmem:s18+$0x0 ss:$0x81] =	vst.msk $0xffff, v63;
	s13 =	sadd.s32 s16, s13  }
0x4a: {  	[hbm4b:s13+s14] =	stream.strided.scatter [tilespmem:s17], [sflag:$0x2], $0x4000, s7, s14, $0x20;
	[tilespmem:$0x10100] =	vst v63  }
.LBB1_6:
0x4b: {  	_ =	sfence.sel $0x180000  }
0x4c: {  	s2 =	simm.s32 $0x1;
	[bflag:$0x0] =	sbarrier.arrive $0xFFFF  }
0x4d: {  	s31 =	simm.s32 $0x2;
	[sflag:s2] =	ssyncpa.u1 $0x1  }
0x4e: {  	[sflag:s31] =	ssyncpa.u1 $0x1  }
0x4f: {  	p0 =	sne.s32 s1, $0x0;
	_ =	strace $0x90000047  }
0x50: {  	s0 =	sadd.s32 @!p0 $0x100000, s0;
	[bflag:$0x2] =	sbarrier.arrive $0xFFFF  }
0x51: {  	[sflag:s0] =	ssyncadd.tile.s32 @!p0 $0x1;
	_ =	shalt  }
.Lfunc_end1:
_tile_overlayer_lowered:
.L_overlay_start_2:
0x52: {  	(tag) =	ssettag $0x2  }
0x53: {  	s0 =	rddreg [dreg:$0x0];
	s2 =	stileid.u32  }
0x54: {  	s1 =	rddreg [dreg:$0x1];
	p0 =	sne.s32 s2, $0x0  }
0x55: {  	s3 =	rddreg [dreg:$0x2];
	[bflag:$0x3] =	sbarrier.arrive $0xFFFF;
	s2 =	simm.s32 @!p0 $0x1C01  }
0x56: {  	[timem:s3], [sflag:s2] =	dma.local @!p0 [hbm:s0], s1  }
0x57: {  	s0 =	simm.s32 @!p0 $0x1  }
0x58: {  	_ =	swait.ge @!p0 [sflag:s0], s1  }
0x59: {  	s1 =	ssub.s32 @!p0 $0x0, s1;
	[sflag:s0] =	ssyncset.done @!p0 $0x0  }
0x5a: {  	[sflag:s0] =	ssyncadd.s32 @!p0 s1  }
0x5b: {  	[bflag:$0x3] =	sbarrier.arrive $0xFFFF  }
0x5c: {  	_ =	shalt  }

// kernel: sparse-core-data-format-call.cloned.1.call-start
scs
called_computation_lowered:
.L_overlay_start_0:
0x0: {  	s1 =	sld [smem:$0x3FD9]  }
0x1: {  	s2 =	sld [smem:$0x3FFE];
	_ =	sdelay $0x1  }
0x2: {  	s3 =	srdreg.scid  }
0x3: {  	s0 =	sand.u32 $0x1, s3  }
0x4: {  	s17 =	sshll.u32 s0, $0xA;
	s1 =	sadd.s32 s2, s1  }
0x5: {  	s1 =	sadd.s32 s1, s17  }
0x6: {  	[smem:$0x3FC1] =	sst s1  }
0x7: {  	_ = 	snop  }
0x8: {  	(tm) =	ssettm $0x1  }
0x9: {  	s18 =	sld [smem:$0x3FFB];
	_ =	sdelay $0x3  }
0xa: {  	_ =	strace s18  }
0xb: {  	s1 =	sld [smem:$0x3FFC];
	_ =	sdelay $0x3  }
0xc: {  	_ =	strace s1  }
0xd: {  	s1 =	sld [smem:$0x3FFD];
	_ =	sdelay $0x3  }
0xe: {  	_ =	strace s1  }
0xf: {  	_ =	strace $0x8FFFFFFF  }
0x10: {  	s19 =	sld [smem:$0x3FDB];
	_ =	sdelay $0x1  }
0x11: {  	s20 =	simm.s32 $_scs_section_size  }
0x12: {  	s4 =	simm.s32 $_size__tile_overlayer_lowered;
	s5 =	simm.s32 $_tile_overlayer_lowered  }
0x13: {  	s23 =	simm.s32 $0x1BFF;
	s22 =	sshll.u32 s5, $0x1;
	s1 =	sadd.s32 s20, s19  }
0x14: {  	s6 =	simm.s32 $0x0;
	s21 =	sshll.u32 s4, $0x1;
	s4 =	sadd.s32 s22, s1  }
0x15: {  	[timem:s6], [sflag:s23] =	dma.local [hbm:s4], s21  }
0x16: {  	_ =	swait.ge [sflag:s23], s21  }
0x17: {  	s2 =	ssub.s32 $0x0, s21;
	[sflag:s23] =	ssyncset.done $0x0  }
0x18: {  	[sflag:s23] =	ssyncadd.s32 s2;
	_ =	sdelay $0x1  }
0x19: {  	s24 =	simm.s32 $0x1B8B  }
0x1a: {  	_ =	swait.ge [sflag:s24], $0x1  }
0x1b: {  	[sflag:s24] =	ssyncset.done $0x0  }
0x1c: {  	s26 =	simm.s32 $0x1B8E;
	s25 =	sld [smem:$0x3FFE];
	[sflag:s24] =	ssyncadd.s32 $0xFFFFFFFF  }
0x1d: {  	s27 =	simm.s32 $execute0_lowered;
	[smem:$0x3FD2] =	sst s26  }
0x1e: {  	s4 =	sshll.u32 s27, $0x1;
	_ =	strace $0x8000004F;
	[dreg:$0x1] =	wrdreg $0xFFFFFFFF  }
0x1f: {  	s28 =	simm.s32 $_size_execute0_lowered;
	s1 =	sadd.s32 s1, s4;
	[dreg:$0x0] =	wrdreg $0x0  }
0x20: {  	s4 =	sshll.u32 s28, $0x1;
	[dreg:$0x2] =	wrdreg s1  }
0x21: {  	[dreg:$0x3] =	wrdreg s4  }
0x22: {  	[dreg:$0x4] =	wrdreg $0xC0  }
0x23: {  	_ =	task [dreg:s6], $0x5FFFF  }
0x24: {  	[dreg:$0x1] =	wrdreg $0xFFFFFFFF  }
0x25: {  	[dreg:$0x0] =	wrdreg $0x60  }
0x26: {  	[dreg:$0x2] =	wrdreg s25  }
0x27: {  	[dreg:$0x3] =	wrdreg $0x9  }
0x28: {  	_ =	task.clear_ibuf [dreg:s6], $0x4FFFF;
	_ =	strace $0x9000004F  }
0x29: {  	s29 =	simm.s32 $0x9;
	_ =	strace $0x80000051  }
0x2a: {  	_ =	swait.ge [sflag:s29], $0x1  }
0x2b: {  	[sflag:s29] =	ssyncadd.s32 $0xFFFFFFFF  }
0x2c: {  	_ =	strace $0x90000051  }
0x2d: {  	_ =	sfence  }
0x2e: {  	s30 =	sld [smem:$0x0];
	_ =	sdelay $0x2  }
0x2f: {  	s31 =	sshll.u32 s3, $0xD;
	s3 =	sshrl.u32 s3, $0x2  }
0x30: {  	s2 =	sand.u32 $0x4000, s31;
	s1 =	sadd.s32 s3, s30  }
0x31: {  	s0 =	sor.u32 s2, s0;
	s1 =	sshll.u32 s1, $0x11  }
0x32: {  	s0 =	sor.u32 s1, s0  }
0x33: {  	s0 =	sadd.s32 $0x8F2B, s0  }
0x34: {  	[sflag:s0] =	ssyncadd.remote.s32 $0x1  }
0x35: {  	_ =	sfence.sel $0xFFFF  }
0x36: {  	[dreg:$0x0] =	wrdreg $0xFFFFFFFF;
	(pc) =	sbr.abs _section_cstart, $3  }
0x37: {  	[dreg:$0x1] =	wrdreg $0xFFFFFFFF  }
0x38: {  	_ =	task.clear_ibuf [dreg:s6], $0x2FFFF;
	_ =	strace $0x9FFFFFFF  }
0x39: {  	(tm) =	ssettm $0x7FFFFFFF  }
tec
execute0_lowered:
.L_overlay_start_1:
0x0: {  	(tag) =	ssettag $0x1  }
0x1: {  	s1 =	rddreg [dreg:$0x0]  }
0x2: {  	s0 =	rddreg [dreg:$0x1];
	_ =	strace $0x80000050;
	s4 =	srdreg.scid  }
0x3: {  	s7 =	simm.s32 $0x2;
	s13 =	simm.s32 $0x0;
	p0 =	por $0x0, $0x0  }
0x4: {  	s16 =	simm.s32 $0x0;
	s14 =	simm.s32 $0x0;
	s15 =	simm.s32 $0x0  }
0x5: {  	s9 =	simm.s32 $0x0;
	s11 =	simm.s32 $0x0;
	s2 =	sadd.s32 $0x226400, s1  }
.Ltmp0:
0x6: {  	s3 =	sadd.s32 $0x846000, s1;
	s4 =	sshll.u32 s4, $0x4;
	(pc) =	sbr.rel .LBB1_1-.Ltmp0, $4  }
0x7: {  	s1 =	stileid.u32;
	s5 =	sand.u32 $0x10, s4;
	s4 =	simm.s32 $0x1  }
0x8: {  	s8 =	simm.s32 $0x0;
	s6 =	sor.u32 s1, s5;
	[sflag:s4] =	ssyncpa.u1 $0x0  }
0x9: {  	s5 =	sand.u32 $0x7, s1;
	s6 =	sshrl.u32 s6, $0x3;
	[sflag:s7] =	ssyncpa.u1 $0x0  }
0xa: {  	s7 =	simm.s32 $0x800;
	s12 =	smov.u32 s5;
	s10 =	smov.u32 s6  }
.LBB1_5:
0xb: {  	s17 =	sadd.s32 $0x80, s9  }
0xc: {  	s13 =	sadd.s32 $0x4, s10;
	s18 =	smov.u32 s10;
	p2 =	sgt.s32 s17, $0x7FF  }
0xd: {  	s18 =	smov.u32 @p2 s13  }
0xe: {  	s19 =	smov.u32 s11;
	s13 =	sadd.s32 $0x80, s11;
	p3 =	sgt.s32 s18, $0xF  }
0xf: {  	s19 =	smov.u32 @p3 s13  }
0x10: {  	s20 =	smov.u32 s12;
	s13 =	sadd.s32 $0x8, s12;
	p4 =	sgt.s32 s19, $0x7F  }
0x11: {  	p1 =	slt.u32 s8, $0x2;
	s20 =	smov.u32 @p4 s13  }
0x12: {  	s8 =	sadd.s32 $0x1, s8;
	s17 =	simm.s32 @p2 $0x0;
	p2 =	sgt.s32 s20, $0x7  }
0x13: {  	s21 =	simm.s32 @!p1 $0x2;
	s20 =	smov.u32 @p2 s5;
	p2 =	sne.s32 s8, $0x42  }
.Ltmp1:
0x14: {  	s16 =	smov.u32 s10;
	_ =	swait.ge @!p1 [sflag:s21], $0x4000;
	(pc) =	sbr.rel @!p2 .LBB1_6-.Ltmp1, $4  }
0x15: {  	s14 =	smov.u32 s11;
	s15 =	smov.u32 s12;
	[sflag:s21] =	ssyncset.done @!p1 $0x0  }
0x16: {  	p0 =	por !p0, !p0;
	s18 =	smov.u32 @p3 s6;
	[sflag:s21] =	ssyncadd.s32 @!p1 $0xFFFFC000  }
0x17: {  	s10 =	smov.u32 s18;
	s19 =	simm.s32 @p4 $0x0;
	s13 =	smov.u32 s9  }
0x18: {  	s9 =	smov.u32 s17;
	s11 =	smov.u32 s19;
	s12 =	smov.u32 s20  }
.LBB1_1:
0x19: {  	p1 =	sgt.u32 s8, $0x3F  }
0x1a: {  	s17 =	sxor.u32 @!p1 $0xFFFFFFFF, s8;
	s18 =	sand.u32 @!p1 $0x78, s9  }
0x1b: {  	s19 =	sshll.u32 @!p1 s10, $0x7;
	s20 =	sshll.u32 @!p1 s10, $0xB;
	s21 =	sshll.u32 @!p1 s9, $0x3  }
0x1c: {  	s17 =	sshll.u32 @!p1 s17, $0xE;
	s19 =	sand.u32 @!p1 $0x380, s19;
	s20 =	sand.u32 @!p1 $0x4000, s20  }
0x1d: {  	s17 =	sand.u32 @!p1 $0x4000, s17;
	s18 =	sor.u32 @!p1 s19, s18;
	s19 =	sand.u32 @!p1 $0x400, s21  }
0x1e: {  	s20 =	sadd.s32 @!p1 s20, s21;
	s18 =	sor.u32 @!p1 s19, s18;
	s19 =	sshll.u32 @!p1 s12, $0x13  }
0x1f: {  	s21 =	sshll.u32 @!p1 s11, $0xC;
	s20 =	sshrl.u32 @!p1 s20, $0x3;
	s19 =	sadd.s32 @!p1 s2, s19  }
0x20: {  	s20 =	sand.u32 @!p1 $0xF00, s20;
	s19 =	sadd.s32 @!p1 s21, s19;
	s21 =	sand.u32 @!p1 $0x7, s9  }
0x21: {  	s18 =	sshrl.u32 @!p1 s18, $0x3;
	s19 =	sadd.s32 @!p1 s20, s19;
	s20 =	sshll.u32 @!p1 s21, $0x12  }
0x22: {  	s18 =	sadd.s32 @!p1 s18, s19;
	s19 =	sor.u32 @!p1 $0x80, s20;
	s20 =	simm.s32 @!p1 $0x8000  }
0x23: {  	[tilespmem:s17], [sflag:$0x1] =	stream.strided.gather @!p1 [hbm4b:s18+s19], $0x4000, s20, s19, $0x38;
	[tilespmem:$0x10100] =	vst v63  }
0x24: {  	p1 =	seq.s32 s8, $0x0  }
0x25: {  	p2 =	seq.s32 @!p1 s8, $0x41  }
0x26: {  	p1 =	por p1, p2  }
.Ltmp2:
0x27: {  	_ = 	snop;
	(pc) =	sbr.rel @p1 .LBB1_5-.Ltmp2, $1  }
0x28: {  	_ =	sdelay $0x3  }
0x29: {  	s17 =	simm.s32 $0x1  }
0x2a: {  	_ =	swait.ge [sflag:s4], $0x4000;
	s17 =	simm.s32 @!p0 $0x0  }
0x2b: {  	[sflag:s4] =	ssyncset.done $0x0;
	s18 =	sshll.u32 s17, $0xE  }
0x2c: {  	[sflag:s4] =	ssyncadd.s32 $0xFFFFC000;
	s19 =	sor.u32 $0x40, s18  }
0x2d: {  	s17 =	smul.u32 $0x10200, s17;
	v0 =	vld [tilespmem:s19+$0x30]  }
0x2e: {  	v3 =	vld [tilespmem:s19+$0xFFFFFFD0]  }
0x2f: {  	s17 =	sshrl.u32 s17, $0x2;
	v4 =	vld [tilespmem:s19+$0xFFFFFFE0]  }
0x30: {  	v5 =	vld [tilespmem:s19+$0xFFFFFFF0];
	s18 =	sor.u32 $0x8000, s17  }
0x31: {  	s31 =	sand.u32 $0x1, s8;
	v1 =	vld [tilespmem:s19+$0x0];
	s20 =	sadd.s32 $0x0, s18  }
0x32: {  	v2 =	vld [tilespmem:s19+$0x10];
	s17 =	smul.u32 $0x10200, s31;
	[tilespmem:s20+$0x3870 ss:$0x81] =	vst.msk $0xffff, v0  }
0x33: {  	[tilespmem:s20+$0x810 ss:$0x81] =	vst.msk $0xffff, v3;
	v3 =	vld [tilespmem:s19+$0x20]  }
0x34: {  	s17 =	sshrl.u32 s17, $0x2;
	v0 =	vld [tilespmem:s19+$0xFFFFFFC0];
	[tilespmem:s20+$0x1020 ss:$0x81] =	vst.msk $0xffff, v4;
	s19 =	sadd.s32 $0x80, s19  }
0x35: {  	s21 =	simm.s32 $0x4;
	s22 =	simm.s32 $0x8;
	s17 =	sor.u32 $0x8000, s17;
	[tilespmem:s20+$0x1830 ss:$0x81] =	vst.msk $0xffff, v5;
	v4 =	vld [tilespmem:s19+$0x30]  }
.LBB1_3:
0x36: {  	p1 =	sne.s32 s22, $0x1FC;
	v5 =	vld [tilespmem:s19+$0xFFFFFFD0];
	[tilespmem:s20+$0x2040 ss:$0x81] =	vst.msk $0xffff, v1  }
0x37: {  	v6 =	vld [tilespmem:s19+$0xFFFFFFE0];
	[tilespmem:s20+$0x2850 ss:$0x81] =	vst.msk $0xffff, v2  }
0x38: {  	s23 =	sshra.s32 s21, $0x2;
	s21 =	smov.u32 s22;
	v7 =	vld [tilespmem:s19+$0xFFFFFFF0];
	[tilespmem:s20+$0x3060 ss:$0x81] =	vst.msk $0xffff, v3  }
.Ltmp3:
0x39: {  	v1 =	vld [tilespmem:s19+$0x0];
	[tilespmem:s20+$0x0 ss:$0x81] =	vst.msk $0xffff, v0;
	s20 =	sadd.s32 s23, s18;
	(pc) =	sbr.rel @p1 .LBB1_3-.Ltmp3, $4  }
0x3a: {  	v2 =	vld [tilespmem:s19+$0x10];
	[tilespmem:s20+$0x3870 ss:$0x81] =	vst.msk $0xffff, v4  }
0x3b: {  	[tilespmem:s20+$0x810 ss:$0x81] =	vst.msk $0xffff, v5;
	v3 =	vld [tilespmem:s19+$0x20]  }
0x3c: {  	v0 =	vld [tilespmem:s19+$0xFFFFFFC0];
	[tilespmem:s20+$0x1020 ss:$0x81] =	vst.msk $0xffff, v6;
	s19 =	sadd.s32 $0x80, s19  }
0x3d: {  	s22 =	sadd.s32 $0x4, s22;
	v4 =	vld [tilespmem:s19+$0x30];
	[tilespmem:s20+$0x1830 ss:$0x81] =	vst.msk $0xffff, v7  }
0x3e: {  	v5 =	vld [tilespmem:s19+$0xFFFFFFD0];
	[tilespmem:s20+$0x2040 ss:$0x81] =	vst.msk $0xffff, v1  }
0x3f: {  	v58 =	vld [tilespmem:s19+$0xFFFFFFE0];
	[tilespmem:s20+$0x2850 ss:$0x81] =	vst.msk $0xffff, v2  }
0x40: {  	s21 =	sshra.s32 s21, $0x2;
	v59 =	vld [tilespmem:s19+$0xFFFFFFF0];
	[tilespmem:s20+$0x3060 ss:$0x81] =	vst.msk $0xffff, v3  }
0x41: {  	v60 =	vld [tilespmem:s19+$0x0];
	s18 =	sadd.s32 s21, s18;
	[tilespmem:s20+$0x0 ss:$0x81] =	vst.msk $0xffff, v0  }
0x42: {  	v61 =	vld [tilespmem:s19+$0x10];
	s16 =	sshll.u32 s16, $0x7;
	[tilespmem:s18+$0x3870 ss:$0x81] =	vst.msk $0xffff, v4  }
0x43: {  	s27 =	sshll.u32 s14, $0x3;
	v62 =	vld [tilespmem:s19+$0x20];
	s15 =	sshll.u32 s15, $0x13;
	s30 =	sshrl.u32 s14, $0x3;
	[tilespmem:s18+$0x810 ss:$0x81] =	vst.msk $0xffff, v5  }
0x44: {  	v63 =	vld [tilespmem:s19+$0xFFFFFFC0];
	s13 =	sshll.u32 s13, $0x8;
	s28 =	sand.u32 $0x400, s16;
	s20 =	sand.u32 $0x400, s27;
	[tilespmem:s18+$0x1020 ss:$0x81] =	vst.msk $0xffff, v58  }
0x45: {  	s16 =	sand.u32 $0x380, s16;
	s19 =	sand.u32 $0xF, s30;
	s29 =	sadd.s32 s20, s28;
	[tilespmem:s18+$0x1830 ss:$0x81] =	vst.msk $0xffff, v59  }
.Ltmp4:
0x46: {  	s15 =	sadd.s32 s3, s15;
	s16 =	sor.u32 s16, s29;
	[tilespmem:s18+$0x2040 ss:$0x81] =	vst.msk $0xffff, v60;
	(pc) =	sbr.rel .LBB1_5-.Ltmp4, $4  }
0x47: {  	s31 =	sand.u32 $0x7, s14;
	s15 =	sadd.s32 s19, s15;
	[tilespmem:s18+$0x2850 ss:$0x81] =	vst.msk $0xffff, v61;
	s16 =	sshrl.u32 s16, $0x3  }
0x48: {  	s14 =	sshll.u32 s31, $0x12;
	s13 =	sadd.s32 s13, s15;
	[tilespmem:s18+$0x3060 ss:$0x81] =	vst.msk $0xffff, v62;
	s16 =	sand.u32 $0xF0, s16  }
0x49: {  	s14 =	sor.u32 $0x80, s14;
	[tilespmem:s18+$0x0 ss:$0x81] =	vst.msk $0xffff, v63;
	s13 =	sadd.s32 s16, s13  }
0x4a: {  	[hbm4b:s13+s14] =	stream.strided.scatter [tilespmem:s17], [sflag:$0x2], $0x4000, s7, s14, $0x20;
	[tilespmem:$0x10100] =	vst v63  }
.LBB1_6:
0x4b: {  	_ =	sfence.sel $0x180000  }
0x4c: {  	s2 =	simm.s32 $0x1;
	[bflag:$0x0] =	sbarrier.arrive $0xFFFF  }
0x4d: {  	s31 =	simm.s32 $0x2;
	[sflag:s2] =	ssyncpa.u1 $0x1  }
0x4e: {  	[sflag:s31] =	ssyncpa.u1 $0x1  }
0x4f: {  	p0 =	sne.s32 s1, $0x0;
	_ =	strace $0x90000050  }
0x50: {  	s0 =	sadd.s32 @!p0 $0x100000, s0;
	[bflag:$0x2] =	sbarrier.arrive $0xFFFF  }
0x51: {  	[sflag:s0] =	ssyncadd.tile.s32 @!p0 $0x1;
	_ =	shalt  }
.Lfunc_end1:
_tile_overlayer_lowered:
.L_overlay_start_2:
0x52: {  	(tag) =	ssettag $0x2  }
0x53: {  	s0 =	rddreg [dreg:$0x0];
	s2 =	stileid.u32  }
0x54: {  	s1 =	rddreg [dreg:$0x1];
	p0 =	sne.s32 s2, $0x0  }
0x55: {  	s3 =	rddreg [dreg:$0x2];
	[bflag:$0x3] =	sbarrier.arrive $0xFFFF;
	s2 =	simm.s32 @!p0 $0x1C01  }
0x56: {  	[timem:s3], [sflag:s2] =	dma.local @!p0 [hbm:s0], s1  }
0x57: {  	s0 =	simm.s32 @!p0 $0x1  }
0x58: {  	_ =	swait.ge @!p0 [sflag:s0], s1  }
0x59: {  	s1 =	ssub.s32 @!p0 $0x0, s1;
	[sflag:s0] =	ssyncset.done @!p0 $0x0  }
0x5a: {  	[sflag:s0] =	ssyncadd.s32 @!p0 s1  }
0x5b: {  	[bflag:$0x3] =	sbarrier.arrive $0xFFFF  }
0x5c: {  	_ =	shalt  }

</sc_bundles>
